<compile_context>
chip_gen: v7x
topology: tpu7x:2x2x1
jax: 0.10.2.dev20260603
libtpu: 0.0.44.dev20260713+nightly
codegen_flags: <defaults>
</compile_context>

<pallas_src>
import functools

import jax
import jax.numpy as jnp
from jax import lax
from jax.experimental import pallas as pl
from jax.experimental.pallas import tpu as pltpu
from jax.experimental.pallas import tpu_sc as plsc

N_NODES = 10000
IN_DIM = 128
HID_DIM = 128
OUT_DIM = 64
N_EDGES = 320000

NC = 2
NS = 16
NW = NC * NS
CHUNK = 80
EDGES_PER_TILE = N_EDGES // NW
CHUNKS_PER_TILE = EDGES_PER_TILE // CHUNK
N_PAD = 10240
ROWS_PER_TILE = N_PAD // NS

_mesh = plsc.VectorSubcoreMesh(core_axis_name="c", subcore_axis_name="s")
_sc_params = pltpu.CompilerParams(use_tc_tiling_on_sc=False)


def _deg_body(dst_hbm, deg_hbm, dstv, ones_v, stage_v, sem, acc):
    c = lax.axis_index("c")
    s = lax.axis_index("s")
    wid = c * NS + s
    pltpu.sync_copy(dst_hbm.at[wid], dstv)

    zero16 = jnp.zeros((16,), jnp.float32)
    one16 = jnp.ones((16,), jnp.float32)

    def fill_ones(r, _):
        ones_v[r, :] = one16
        return 0

    lax.fori_loop(0, CHUNK, fill_ones, 0)

    def fill_zero(r, _):
        stage_v[r, :] = zero16
        return 0

    lax.fori_loop(0, ROWS_PER_TILE, fill_zero, 0)
    pltpu.sync_copy(stage_v, acc.at[pl.ds(s * ROWS_PER_TILE, ROWS_PER_TILE)])
    plsc.subcore_barrier()

    def step(j, _):
        pltpu.async_copy(ones_v, acc.at[dstv.at[j]], sem, add=True)
        return 0

    lax.fori_loop(0, CHUNKS_PER_TILE, step, 0)

    def drain(j, _):
        pltpu.make_async_copy(ones_v, acc.at[dstv.at[0]], sem).wait()
        return 0

    lax.fori_loop(0, CHUNKS_PER_TILE, drain, 0)
    plsc.subcore_barrier()

    off = s * ROWS_PER_TILE
    pltpu.sync_copy(acc.at[pl.ds(off, ROWS_PER_TILE)],
                    deg_hbm.at[pl.ds(c * N_PAD + off, ROWS_PER_TILE)])


_deg_call = pl.kernel(
    _deg_body,
    out_type=jax.ShapeDtypeStruct((NC * N_PAD, 16), jnp.float32),
    mesh=_mesh,
    scratch_types=[
        pltpu.VMEM((CHUNKS_PER_TILE, CHUNK), jnp.int32),
        pltpu.VMEM((CHUNK, 16), jnp.float32),
        pltpu.VMEM((ROWS_PER_TILE, 16), jnp.float32),
        pltpu.SemaphoreType.DMA,
        pltpu.VMEM_SHARED((N_PAD, 16), jnp.float32),
    ],
    compiler_params=_sc_params,
)


AGG_D = 64


def _agg_pass(table_hbm, tcol, out_hbm, orow, ocol, c, s, srcv, dstv,
              rows0, rows1, sem0, sem1, tbl, acc):
    ch = CHUNK
    npc = EDGES_PER_TILE // ch
    zero16 = jnp.zeros((16,), jnp.float32)

    def fill_zero(r, _):
        for k in range(AGG_D // 16):
            rows0[r, pl.ds(k * 16, 16)] = zero16
        return 0

    lax.fori_loop(0, ch, fill_zero, 0)
    base = s * ROWS_PER_TILE
    for k in range(ROWS_PER_TILE // ch):
        pltpu.sync_copy(rows0, acc.at[pl.ds(base + k * ch, ch)])
    pltpu.sync_copy(table_hbm.at[pl.ds(base, ROWS_PER_TILE),
                                 pl.ds(tcol * AGG_D, AGG_D)],
                    tbl.at[pl.ds(base, ROWS_PER_TILE)])
    plsc.subcore_barrier()

    pltpu.async_copy(tbl.at[srcv.at[0]], rows0, sem0)
    n2 = npc // 2

    def step(i, _):
        j0 = 2 * i
        pltpu.async_copy(tbl.at[srcv.at[j0 + 1]], rows1, sem1)
        pltpu.make_async_copy(tbl.at[srcv.at[j0]], rows0, sem0).wait()
        pltpu.sync_copy(rows0, acc.at[dstv.at[j0]], add=True)
        pltpu.async_copy(tbl.at[srcv.at[j0 + 2]], rows0, sem0)
        pltpu.make_async_copy(tbl.at[srcv.at[j0 + 1]], rows1, sem1).wait()
        pltpu.sync_copy(rows1, acc.at[dstv.at[j0 + 1]], add=True)
        return 0

    lax.fori_loop(0, n2, step, 0)
    pltpu.make_async_copy(tbl.at[srcv.at[npc - 1]], rows0, sem0).wait()
    pltpu.sync_copy(rows0, acc.at[dstv.at[npc - 1]], add=True)
    plsc.subcore_barrier()

    pltpu.sync_copy(acc.at[pl.ds(base, ROWS_PER_TILE)],
                    out_hbm.at[pl.ds(orow + base, ROWS_PER_TILE),
                               pl.ds(ocol * AGG_D, AGG_D)])


def _load_indices(src_hbm, dst_hbm, wid, srcv, dstv):
    pltpu.sync_copy(src_hbm.at[wid], srcv)
    pltpu.sync_copy(dst_hbm.at[wid], dstv)


_AGG_SCRATCH = [
    pltpu.VMEM((CHUNKS_PER_TILE, CHUNK), jnp.int32),
    pltpu.VMEM((CHUNKS_PER_TILE, CHUNK), jnp.int32),
    pltpu.VMEM((CHUNK, AGG_D), jnp.float32),
    pltpu.VMEM((CHUNK, AGG_D), jnp.float32),
    pltpu.SemaphoreType.DMA,
    pltpu.SemaphoreType.DMA,
    pltpu.VMEM_SHARED((N_PAD, AGG_D), jnp.float32),
    pltpu.VMEM_SHARED((N_PAD, AGG_D), jnp.float32),
]


def _agg_body(table_hbm, src_hbm, dst_hbm, out_hbm, srcv, dstv, rows0, rows1,
              sem0, sem1, tbl, acc):
    c = lax.axis_index("c")
    s = lax.axis_index("s")
    _load_indices(src_hbm, dst_hbm, c * NS + s, srcv, dstv)
    _agg_pass(table_hbm, 0, out_hbm, 0, c, c, s, srcv, dstv, rows0, rows1,
              sem0, sem1, tbl, acc)


_agg64 = pl.kernel(
    _agg_body,
    out_type=jax.ShapeDtypeStruct((N_PAD, HID_DIM), jnp.float32),
    mesh=_mesh,
    scratch_types=list(_AGG_SCRATCH),
    compiler_params=_sc_params,
)


def _agg2_body(t1_hbm, src_hbm, dst_hbm, out_hbm,
               srcv, dstv, rows0, rows1, sem0, sem1, tbl, acc):
    c = lax.axis_index("c")
    s = lax.axis_index("s")
    _load_indices(src_hbm, dst_hbm, c * NS + s, srcv, dstv)
    _agg_pass(t1_hbm, 0, out_hbm, c * N_PAD, 0, c, s, srcv, dstv,
              rows0, rows1, sem0, sem1, tbl, acc)
    plsc.subcore_barrier()
    _agg_pass(t1_hbm, 1, out_hbm, c * N_PAD, 1, c, s, srcv, dstv,
              rows0, rows1, sem0, sem1, tbl, acc)


_agg64x2 = pl.kernel(
    _agg2_body,
    out_type=jax.ShapeDtypeStruct((NC * N_PAD, HID_DIM), jnp.float32),
    mesh=_mesh,
    scratch_types=list(_AGG_SCRATCH),
    compiler_params=_sc_params,
)


_BLK = 2048
_GRID = N_PAD // _BLK
_HB = N_PAD // _BLK


def _tc1_body(x_ref, w_ref, da_ref, db_ref, t1_ref):
    dinv = lax.rsqrt(da_ref[:, :1] + db_ref[:, :1] + 1.0)
    xw = jnp.dot(x_ref[...], w_ref[...], preferred_element_type=jnp.float32)
    t1_ref[...] = xw * dinv


_tc1 = pl.pallas_call(
    _tc1_body,
    grid=(_GRID,),
    in_specs=[
        pl.BlockSpec((_BLK, IN_DIM), lambda i: (i, 0)),
        pl.BlockSpec((IN_DIM, HID_DIM), lambda i: (0, 0)),
        pl.BlockSpec((_BLK, 16), lambda i: (i, 0)),
        pl.BlockSpec((_BLK, 16), lambda i: (i + _HB, 0)),
    ],
    out_specs=pl.BlockSpec((_BLK, HID_DIM), lambda i: (i, 0)),
    out_shape=jax.ShapeDtypeStruct((N_PAD, HID_DIM), jnp.float32),
)


def _tc2_body(agg0_ref, agg1_ref, t1_ref, da_ref, db_ref, b1_ref, w2_ref,
              t2_ref):
    dinv = lax.rsqrt(da_ref[:, :1] + db_ref[:, :1] + 1.0)
    h = (agg0_ref[...] + agg1_ref[...] + t1_ref[...]) * dinv + b1_ref[...]
    h = jnp.maximum(h, 0.0)
    t2_ref[...] = jnp.dot(h, w2_ref[...], preferred_element_type=jnp.float32) * dinv


_tc2 = pl.pallas_call(
    _tc2_body,
    grid=(_GRID,),
    in_specs=[
        pl.BlockSpec((_BLK, HID_DIM), lambda i: (i, 0)),
        pl.BlockSpec((_BLK, HID_DIM), lambda i: (i + _HB, 0)),
        pl.BlockSpec((_BLK, HID_DIM), lambda i: (i, 0)),
        pl.BlockSpec((_BLK, 16), lambda i: (i, 0)),
        pl.BlockSpec((_BLK, 16), lambda i: (i + _HB, 0)),
        pl.BlockSpec((1, HID_DIM), lambda i: (0, 0)),
        pl.BlockSpec((HID_DIM, HID_DIM), lambda i: (0, 0)),
    ],
    out_specs=pl.BlockSpec((_BLK, HID_DIM), lambda i: (i, 0)),
    out_shape=jax.ShapeDtypeStruct((N_PAD, HID_DIM), jnp.float32),
)


def _tc3_body(agg_ref, t2_ref, da_ref, db_ref, b2_ref, out_ref):
    dinv = lax.rsqrt(da_ref[:, :1] + db_ref[:, :1] + 1.0)
    agg = agg_ref[...]
    out_ref[...] = ((agg[:, :OUT_DIM] + agg[:, OUT_DIM:] + t2_ref[:, :OUT_DIM])
                    * dinv + b2_ref[...])


_tc3 = pl.pallas_call(
    _tc3_body,
    grid=(_GRID,),
    in_specs=[
        pl.BlockSpec((_BLK, HID_DIM), lambda i: (i, 0)),
        pl.BlockSpec((_BLK, HID_DIM), lambda i: (i, 0)),
        pl.BlockSpec((_BLK, 16), lambda i: (i, 0)),
        pl.BlockSpec((_BLK, 16), lambda i: (i + _HB, 0)),
        pl.BlockSpec((1, OUT_DIM), lambda i: (0, 0)),
    ],
    out_specs=pl.BlockSpec((_BLK, OUT_DIM), lambda i: (i, 0)),
    out_shape=jax.ShapeDtypeStruct((N_NODES, OUT_DIM), jnp.float32),
)


def kernel(x, edge_index, W1, b1, W2, b2):
    ei = edge_index.astype(jnp.int32)
    src_c = ei[0].reshape(NW, CHUNKS_PER_TILE, CHUNK)
    dst_c = ei[1].reshape(NW, CHUNKS_PER_TILE, CHUNK)

    deg2 = _deg_call(dst_c)

    t1 = _tc1(x, W1, deg2, deg2)
    agg1p = _agg64x2(t1, src_c, dst_c)
    w2cat = jnp.concatenate([W2, W2], axis=1)
    t2x = _tc2(agg1p, agg1p, t1, deg2, deg2,
               b1.reshape(1, HID_DIM), w2cat)
    agg2p = _agg64(t2x, src_c, dst_c)
    out = _tc3(agg2p, t2x, deg2, deg2, b2.reshape(1, OUT_DIM))
    return out

# --- scband reference (transcript-rebuilt; emitter-appended) ---
"""Pipeline reference for scband-gnn-7868380086469 (READ-ONLY COPY).

The authoritative reference and input builder live on the scoring server;
editing this copy changes nothing except your own understanding.
"""

import jax, jax.numpy as jnp
import numpy as np

N_NODES = 10000
IN_DIM = 128
HID_DIM = 128
OUT_DIM = 64
N_EDGES = 320000


def gcn_conv(x, edge_index, W, b, num_nodes):
    # PyG GCNConv: add self-loops, symmetric normalization, linear transform,
    # scatter-add aggregation, bias.
    src = edge_index[0]
    dst = edge_index[1]
    loop = jnp.arange(num_nodes, dtype=edge_index.dtype)
    src = jnp.concatenate([src, loop])
    dst = jnp.concatenate([dst, loop])
    deg = jnp.zeros((num_nodes,), dtype=x.dtype).at[dst].add(1.0)
    dinv = jnp.where(deg > 0, jax.lax.rsqrt(deg), 0.0)
    norm = dinv[src] * dinv[dst]
    xw = x @ W  # [N, out]
    msgs = xw[src] * norm[:, None]  # gather by src
    out = jnp.zeros((num_nodes, W.shape[1]), dtype=x.dtype).at[dst].add(msgs)  # scatter-add by dst
    return out + b


def setup_inputs(seed: int = 0) -> dict:
    key = jax.random.key(seed)
    k1, k2, k3, k4, k5, k6 = jax.random.split(key, 6)
    x = jax.random.normal(k1, (N_NODES, IN_DIM), dtype=jnp.float32)
    edge_index = jax.random.randint(k2, (2, N_EDGES), 0, N_NODES, dtype=jnp.int64)
    s1 = (6.0 / (IN_DIM + HID_DIM)) ** 0.5
    s2 = (6.0 / (HID_DIM + OUT_DIM)) ** 0.5
    W1 = jax.random.uniform(k3, (IN_DIM, HID_DIM), dtype=jnp.float32, minval=-s1, maxval=s1)
    b1 = jnp.zeros((HID_DIM,), dtype=jnp.float32)
    W2 = jax.random.uniform(k4, (HID_DIM, OUT_DIM), dtype=jnp.float32, minval=-s2, maxval=s2)
    b2 = jnp.zeros((OUT_DIM,), dtype=jnp.float32)
    return {"x": x, "edge_index": edge_index, "W1": W1, "b1": b1, "W2": W2, "b2": b2}


def reference(x, edge_index, W1, b1, W2, b2):
    h = gcn_conv(x, edge_index, W1, b1, N_NODES)
    h = jax.nn.relu(h)
    # dropout is identity in eval mode
    out = gcn_conv(h, edge_index, W2, b2, N_NODES)
    return out

if __name__ == "__main__":
    import jax
    _d = setup_inputs()
    print(jax.jit(kernel)(*tuple(_d.values())))

</pallas_src>

<mosaic_0001>
#map = affine_map<(d0, d1) -> (0, 0, 0)>
#map1 = affine_map<(d0, d1) -> (0, 0)>
module attributes {stable_mosaic.version = 14 : i64} {
  func.func @_deg_body(%arg0: i32, %arg1: i32, %arg2: memref<32x125x80xi32, #tpu.memory_space<hbm>>, %arg3: memref<20480x16xf32, #tpu.memory_space<hbm>>, %arg4: memref<125x80xi32, #tpu.memory_space<vmem>>, %arg5: memref<80x16xf32, #tpu.memory_space<vmem>>, %arg6: memref<640x16xf32, #tpu.memory_space<vmem>>, %arg7: memref<!tpu.dma_semaphore, #tpu.memory_space<semaphore_mem>>, %arg8: memref<10240x16xf32, #tpu.memory_space<vmem_shared>>) attributes {dimension_semantics = [#tpu.dimension_semantics<core_parallel>, #tpu.dimension_semantics<subcore_parallel>], iteration_bounds = array<i64: 2, 16>, scalar_prefetch = 0 : i64, scratch_operands = 5 : i64, tpu.core_type = #tpu.core_type<sc_vector_subcore>, window_params = [{transform_indices = #map}, {transform_indices = #map1}]} {
    %mul3A = arith.constant 16 : i32
    %mul3A_0 = arith.muli %arg0, %mul3A : i32
    %add3A = arith.addi %mul3A_0, %arg1 : i32
    "tpu.region"() ({
      %run_scoped3A = tpu.sem_alloc : memref<!tpu.dma_semaphore, #tpu.memory_space<semaphore_mem>>
      %dma_start3A = arith.constant 0 : i32
      %dma_start3A_39 = arith.constant 0 : i32
      %dma_start3A_40 = tpu.memref_slice %arg2[%add3A, %dma_start3A, %dma_start3A_39] : memref<32x125x80xi32, #tpu.memory_space<hbm>> -> memref<1x125x80xi32, #tpu.memory_space<hbm>>
      %dma_start3A_41 = tpu.memref_squeeze %dma_start3A_40 : memref<1x125x80xi32, #tpu.memory_space<hbm>> -> memref<125x80xi32, #tpu.memory_space<hbm>>
      %dma_start3A_42 = arith.constant 0 : i32
      %dma_start3A_43 = arith.constant 0 : i32
      %dma_start3A_44 = tpu.memref_slice %arg2[%add3A, %dma_start3A_42, %dma_start3A_43] : memref<32x125x80xi32, #tpu.memory_space<hbm>> -> memref<1x125x80xi32, #tpu.memory_space<hbm>>
      %dma_start3A_45 = tpu.memref_squeeze %dma_start3A_44 : memref<1x125x80xi32, #tpu.memory_space<hbm>> -> memref<125x80xi32, #tpu.memory_space<hbm>>
      tpu.enqueue_dma source(%dma_start3A_45 : memref<125x80xi32, #tpu.memory_space<hbm>>) target(%arg4 : memref<125x80xi32, #tpu.memory_space<vmem>>) target_semaphore(%run_scoped3A : memref<!tpu.dma_semaphore, #tpu.memory_space<semaphore_mem>>)
      %dma_wait3A = arith.constant 0 : i32
      %dma_wait3A_46 = arith.constant 0 : i32
      %dma_wait3A_47 = tpu.memref_slice %arg2[%add3A, %dma_wait3A, %dma_wait3A_46] : memref<32x125x80xi32, #tpu.memory_space<hbm>> -> memref<1x125x80xi32, #tpu.memory_space<hbm>>
      %dma_wait3A_48 = tpu.memref_squeeze %dma_wait3A_47 : memref<1x125x80xi32, #tpu.memory_space<hbm>> -> memref<125x80xi32, #tpu.memory_space<hbm>>
      %dma_wait3A_49 = arith.constant 0 : i32
      %dma_wait3A_50 = arith.constant 0 : i32
      %dma_wait3A_51 = tpu.memref_slice %arg2[%add3A, %dma_wait3A_49, %dma_wait3A_50] : memref<32x125x80xi32, #tpu.memory_space<hbm>> -> memref<1x125x80xi32, #tpu.memory_space<hbm>>
      %dma_wait3A_52 = tpu.memref_squeeze %dma_wait3A_51 : memref<1x125x80xi32, #tpu.memory_space<hbm>> -> memref<125x80xi32, #tpu.memory_space<hbm>>
      tpu.wait_dma2 semaphore(%run_scoped3A : memref<!tpu.dma_semaphore, #tpu.memory_space<semaphore_mem>>) src(%dma_wait3A_52 : memref<125x80xi32, #tpu.memory_space<hbm>>) dst(%arg4 : memref<125x80xi32, #tpu.memory_space<vmem>>)
      tpu.yield
    }) : () -> ()
    %broadcast_in_dim3A = arith.constant 0.000000e+00 : f32
    %broadcast_in_dim3A_1 = vector.broadcast %broadcast_in_dim3A : f32 to vector<16xf32>
    %broadcast_in_dim3A_2 = arith.constant 1.000000e+00 : f32
    %broadcast_in_dim3A_3 = vector.broadcast %broadcast_in_dim3A_2 : f32 to vector<16xf32>
    %scan3A = arith.constant 0 : i32
    %scan3A_4 = arith.constant 0 : i32
    %scan3A_5 = arith.constant 80 : i32
    %scan3A_6 = arith.addi %scan3A_4, %scan3A_5 : i32
    %scan3A_7 = arith.constant 1 : i32
    %scan3A_8 = scf.for %scan3A_39 = %scan3A_4 to %scan3A_6 step %scan3A_7 iter_args(%scan3A_40 = %scan3A) -> (i32)  : i32 {
      %swap3A = arith.index_cast %scan3A_39 : i32 to index
      %swap3A_41 = arith.constant 0 : index
      %swap3A_42 = tpu.vector_load %arg5[%swap3A, %swap3A_41] {strides = array<i32>} : memref<80x16xf32, #tpu.memory_space<vmem>>, vector<1x16xf32>,
      %swap3A_43 = vector.shape_cast %swap3A_42 : vector<1x16xf32> to vector<16xf32>
      %swap3A_44 = vector.shape_cast %broadcast_in_dim3A_3 : vector<16xf32> to vector<1x16xf32>
      tpu.vector_store %arg5[%swap3A, %swap3A_41], %swap3A_44 {strides = array<i32>} : memref<80x16xf32, #tpu.memory_space<vmem>>, vector<1x16xf32>,
      %scan3A_45 = arith.constant 0 : i32
      scf.yield %scan3A_45 : i32
    }
    %scan3A_9 = arith.constant 80 : i32
    %scan3A_10 = arith.constant 0 : i32
    %scan3A_11 = arith.constant 0 : i32
    %scan3A_12 = arith.constant 640 : i32
    %scan3A_13 = arith.addi %scan3A_11, %scan3A_12 : i32
    %scan3A_14 = arith.constant 1 : i32
    %scan3A_15 = scf.for %scan3A_39 = %scan3A_11 to %scan3A_13 step %scan3A_14 iter_args(%scan3A_40 = %scan3A_10) -> (i32)  : i32 {
      %swap3A = arith.index_cast %scan3A_39 : i32 to index
      %swap3A_41 = arith.constant 0 : index
      %swap3A_42 = tpu.vector_load %arg6[%swap3A, %swap3A_41] {strides = array<i32>} : memref<640x16xf32, #tpu.memory_space<vmem>>, vector<1x16xf32>,
      %swap3A_43 = vector.shape_cast %swap3A_42 : vector<1x16xf32> to vector<16xf32>
      %swap3A_44 = vector.shape_cast %broadcast_in_dim3A_1 : vector<16xf32> to vector<1x16xf32>
      tpu.vector_store %arg6[%swap3A, %swap3A_41], %swap3A_44 {strides = array<i32>} : memref<640x16xf32, #tpu.memory_space<vmem>>, vector<1x16xf32>,
      %scan3A_45 = arith.constant 0 : i32
      scf.yield %scan3A_45 : i32
    }
    %scan3A_16 = arith.constant 640 : i32
    %mul3A_17 = arith.constant 640 : i32
    %mul3A_18 = arith.muli %arg1, %mul3A_17 : i32
    "tpu.region"() ({
      %run_scoped3A = tpu.sem_alloc : memref<!tpu.dma_semaphore, #tpu.memory_space<semaphore_mem>>
      %dma_start3A = arith.constant 0 : i32
      %dma_start3A_39 = tpu.memref_slice %arg8[%mul3A_18, %dma_start3A] : memref<10240x16xf32, #tpu.memory_space<vmem_shared>> -> memref<640x16xf32, #tpu.memory_space<vmem_shared>>
      %dma_start3A_40 = arith.constant 0 : i32
      %dma_start3A_41 = tpu.memref_slice %arg8[%mul3A_18, %dma_start3A_40] : memref<10240x16xf32, #tpu.memory_space<vmem_shared>> -> memref<640x16xf32, #tpu.memory_space<vmem_shared>>
      tpu.enqueue_dma source(%arg6 : memref<640x16xf32, #tpu.memory_space<vmem>>) target(%dma_start3A_41 : memref<640x16xf32, #tpu.memory_space<vmem_shared>>) target_semaphore(%run_scoped3A : memref<!tpu.dma_semaphore, #tpu.memory_space<semaphore_mem>>)
      %dma_wait3A = arith.constant 0 : i32
      %dma_wait3A_42 = tpu.memref_slice %arg8[%mul3A_18, %dma_wait3A] : memref<10240x16xf32, #tpu.memory_space<vmem_shared>> -> memref<640x16xf32, #tpu.memory_space<vmem_shared>>
      %dma_wait3A_43 = arith.constant 0 : i32
      %dma_wait3A_44 = tpu.memref_slice %arg8[%mul3A_18, %dma_wait3A_43] : memref<10240x16xf32, #tpu.memory_space<vmem_shared>> -> memref<640x16xf32, #tpu.memory_space<vmem_shared>>
      tpu.wait_dma2 semaphore(%run_scoped3A : memref<!tpu.dma_semaphore, #tpu.memory_space<semaphore_mem>>) src(%arg6 : memref<640x16xf32, #tpu.memory_space<vmem>>) dst(%dma_wait3A_44 : memref<640x16xf32, #tpu.memory_space<vmem_shared>>)
      tpu.yield
    }) : () -> ()
    %barrier3A = arith.constant 0 : index
    tpu.barrier barrier_id(%barrier3A)
    %scan3A_19 = arith.constant 0 : i32
    %scan3A_20 = arith.constant 0 : i32
    %scan3A_21 = arith.constant 125 : i32
    %scan3A_22 = arith.addi %scan3A_20, %scan3A_21 : i32
    %scan3A_23 = arith.constant 1 : i32
    %scan3A_24 = scf.for %scan3A_39 = %scan3A_20 to %scan3A_22 step %scan3A_23 iter_args(%scan3A_40 = %scan3A_19) -> (i32)  : i32 {
      %dma_start3A = arith.constant 0 : i32
      %dma_start3A_41 = tpu.memref_slice %arg4[%scan3A_39, %dma_start3A] : memref<125x80xi32, #tpu.memory_space<vmem>> -> memref<1x80xi32, #tpu.memory_space<vmem>>
      %dma_start3A_42 = tpu.memref_squeeze %dma_start3A_41 : memref<1x80xi32, #tpu.memory_space<vmem>> -> memref<80xi32, #tpu.memory_space<vmem>>
      %dma_start3A_43 = arith.constant 0 : i32
      %dma_start3A_44 = arith.constant 0 : i32
      %dma_start3A_45 = tpu.memref_slice %arg8[%dma_start3A_43, %dma_start3A_44] : memref<10240x16xf32, #tpu.memory_space<vmem_shared>> -> memref<10240x16xf32, #tpu.memory_space<vmem_shared>>
      tpu.enqueue_indirect_dma source(%arg5 : memref<80x16xf32, #tpu.memory_space<vmem>>) target(%dma_start3A_45 : memref<10240x16xf32, #tpu.memory_space<vmem_shared>>) offsets(%dma_start3A_42 : memref<80xi32, #tpu.memory_space<vmem>>) semaphore(%arg7 : memref<!tpu.dma_semaphore, #tpu.memory_space<semaphore_mem>>) {add = true}
      %scan3A_46 = arith.constant 0 : i32
      scf.yield %scan3A_46 : i32
    }
    %scan3A_25 = arith.constant 125 : i32
    %scan3A_26 = arith.constant 0 : i32
    %scan3A_27 = arith.constant 0 : i32
    %scan3A_28 = arith.constant 125 : i32
    %scan3A_29 = arith.addi %scan3A_27, %scan3A_28 : i32
    %scan3A_30 = arith.constant 1 : i32
    %scan3A_31 = scf.for %scan3A_39 = %scan3A_27 to %scan3A_29 step %scan3A_30 iter_args(%scan3A_40 = %scan3A_26) -> (i32)  : i32 {
      %dma_wait3A = arith.constant 0 : i32
      %dma_wait3A_41 = arith.constant 0 : i32
      %dma_wait3A_42 = tpu.memref_slice %arg4[%dma_wait3A, %dma_wait3A_41] : memref<125x80xi32, #tpu.memory_space<vmem>> -> memref<1x80xi32, #tpu.memory_space<vmem>>
      %dma_wait3A_43 = tpu.memref_squeeze %dma_wait3A_42 : memref<1x80xi32, #tpu.memory_space<vmem>> -> memref<80xi32, #tpu.memory_space<vmem>>
      %dma_wait3A_44 = arith.constant 0 : i32
      %dma_wait3A_45 = arith.constant 0 : i32
      %dma_wait3A_46 = tpu.memref_slice %arg8[%dma_wait3A_44, %dma_wait3A_45] : memref<10240x16xf32, #tpu.memory_space<vmem_shared>> -> memref<10240x16xf32, #tpu.memory_space<vmem_shared>>
      tpu.wait_indirect_dma semaphore(%arg7 : memref<!tpu.dma_semaphore, #tpu.memory_space<semaphore_mem>>) src(%arg5 : memref<80x16xf32, #tpu.memory_space<vmem>>) dst(%dma_wait3A_46 : memref<10240x16xf32, #tpu.memory_space<vmem_shared>>)
      %scan3A_47 = arith.constant 0 : i32
      scf.yield %scan3A_47 : i32
    }
    %scan3A_32 = arith.constant 125 : i32
    %barrier3A_33 = arith.constant 0 : index
    tpu.barrier barrier_id(%barrier3A_33)
    %mul3A_34 = arith.constant 640 : i32
    %mul3A_35 = arith.muli %arg1, %mul3A_34 : i32
    %mul3A_36 = arith.constant 10240 : i32
    %mul3A_37 = arith.muli %arg0, %mul3A_36 : i32
    %add3A_38 = arith.addi %mul3A_37, %mul3A_35 : i32
    "tpu.region"() ({
      %run_scoped3A = tpu.sem_alloc : memref<!tpu.dma_semaphore, #tpu.memory_space<semaphore_mem>>
      %dma_start3A = arith.constant 0 : i32
      %dma_start3A_39 = tpu.memref_slice %arg3[%add3A_38, %dma_start3A] : memref<20480x16xf32, #tpu.memory_space<hbm>> -> memref<640x16xf32, #tpu.memory_space<hbm>>
      %dma_start3A_40 = arith.constant 0 : i32
      %dma_start3A_41 = tpu.memref_slice %arg8[%mul3A_35, %dma_start3A_40] : memref<10240x16xf32, #tpu.memory_space<vmem_shared>> -> memref<640x16xf32, #tpu.memory_space<vmem_shared>>
      tpu.enqueue_dma source(%dma_start3A_41 : memref<640x16xf32, #tpu.memory_space<vmem_shared>>) target(%dma_start3A_39 : memref<640x16xf32, #tpu.memory_space<hbm>>) target_semaphore(%run_scoped3A : memref<!tpu.dma_semaphore, #tpu.memory_space<semaphore_mem>>)
      %dma_wait3A = arith.constant 0 : i32
      %dma_wait3A_42 = tpu.memref_slice %arg3[%add3A_38, %dma_wait3A] : memref<20480x16xf32, #tpu.memory_space<hbm>> -> memref<640x16xf32, #tpu.memory_space<hbm>>
      %dma_wait3A_43 = arith.constant 0 : i32
      %dma_wait3A_44 = tpu.memref_slice %arg8[%mul3A_35, %dma_wait3A_43] : memref<10240x16xf32, #tpu.memory_space<vmem_shared>> -> memref<640x16xf32, #tpu.memory_space<vmem_shared>>
      tpu.wait_dma2 semaphore(%run_scoped3A : memref<!tpu.dma_semaphore, #tpu.memory_space<semaphore_mem>>) src(%dma_wait3A_44 : memref<640x16xf32, #tpu.memory_space<vmem_shared>>) dst(%dma_wait3A_42 : memref<640x16xf32, #tpu.memory_space<hbm>>)
      tpu.yield
    }) : () -> ()
    return
  }
}

#map = affine_map<(d0, d1) -> (0, 0)>
#map1 = affine_map<(d0, d1) -> (0, 0, 0)>
module attributes {stable_mosaic.version = 14 : i64} {
  func.func @_agg_body(%arg0: i32, %arg1: i32, %arg2: memref<10240x128xf32, #tpu.memory_space<hbm>>, %arg3: memref<32x125x80xi32, #tpu.memory_space<hbm>>, %arg4: memref<32x125x80xi32, #tpu.memory_space<hbm>>, %arg5: memref<10240x128xf32, #tpu.memory_space<hbm>>, %arg6: memref<125x80xi32, #tpu.memory_space<vmem>>, %arg7: memref<125x80xi32, #tpu.memory_space<vmem>>, %arg8: memref<80x64xf32, #tpu.memory_space<vmem>>, %arg9: memref<80x64xf32, #tpu.memory_space<vmem>>, %arg10: memref<!tpu.dma_semaphore, #tpu.memory_space<semaphore_mem>>, %arg11: memref<!tpu.dma_semaphore, #tpu.memory_space<semaphore_mem>>, %arg12: memref<10240x64xf32, #tpu.memory_space<vmem_shared>>, %arg13: memref<10240x64xf32, #tpu.memory_space<vmem_shared>>) attributes {dimension_semantics = [#tpu.dimension_semantics<core_parallel>, #tpu.dimension_semantics<subcore_parallel>], iteration_bounds = array<i64: 2, 16>, scalar_prefetch = 0 : i64, scratch_operands = 8 : i64, tpu.core_type = #tpu.core_type<sc_vector_subcore>, window_params = [{transform_indices = #map}, {transform_indices = #map1}, {transform_indices = #map1}, {transform_indices = #map}]} {
    %mul3A = arith.constant 16 : i32
    %mul3A_0 = arith.muli %arg0, %mul3A : i32
    %add3A = arith.addi %mul3A_0, %arg1 : i32
    "tpu.region"() ({
      %run_scoped3A_50 = tpu.sem_alloc : memref<!tpu.dma_semaphore, #tpu.memory_space<semaphore_mem>>
      %dma_start3A_51 = arith.constant 0 : i32
      %dma_start3A_52 = arith.constant 0 : i32
      %dma_start3A_53 = tpu.memref_slice %arg3[%add3A, %dma_start3A_51, %dma_start3A_52] : memref<32x125x80xi32, #tpu.memory_space<hbm>> -> memref<1x125x80xi32, #tpu.memory_space<hbm>>
      %dma_start3A_54 = tpu.memref_squeeze %dma_start3A_53 : memref<1x125x80xi32, #tpu.memory_space<hbm>> -> memref<125x80xi32, #tpu.memory_space<hbm>>
      %dma_start3A_55 = arith.constant 0 : i32
      %dma_start3A_56 = arith.constant 0 : i32
      %dma_start3A_57 = tpu.memref_slice %arg3[%add3A, %dma_start3A_55, %dma_start3A_56] : memref<32x125x80xi32, #tpu.memory_space<hbm>> -> memref<1x125x80xi32, #tpu.memory_space<hbm>>
      %dma_start3A_58 = tpu.memref_squeeze %dma_start3A_57 : memref<1x125x80xi32, #tpu.memory_space<hbm>> -> memref<125x80xi32, #tpu.memory_space<hbm>>
      tpu.enqueue_dma source(%dma_start3A_58 : memref<125x80xi32, #tpu.memory_space<hbm>>) target(%arg6 : memref<125x80xi32, #tpu.memory_space<vmem>>) target_semaphore(%run_scoped3A_50 : memref<!tpu.dma_semaphore, #tpu.memory_space<semaphore_mem>>)
      %dma_wait3A_59 = arith.constant 0 : i32
      %dma_wait3A_60 = arith.constant 0 : i32
      %dma_wait3A_61 = tpu.memref_slice %arg3[%add3A, %dma_wait3A_59, %dma_wait3A_60] : memref<32x125x80xi32, #tpu.memory_space<hbm>> -> memref<1x125x80xi32, #tpu.memory_space<hbm>>
      %dma_wait3A_62 = tpu.memref_squeeze %dma_wait3A_61 : memref<1x125x80xi32, #tpu.memory_space<hbm>> -> memref<125x80xi32, #tpu.memory_space<hbm>>
      %dma_wait3A_63 = arith.constant 0 : i32
      %dma_wait3A_64 = arith.constant 0 : i32
      %dma_wait3A_65 = tpu.memref_slice %arg3[%add3A, %dma_wait3A_63, %dma_wait3A_64] : memref<32x125x80xi32, #tpu.memory_space<hbm>> -> memref<1x125x80xi32, #tpu.memory_space<hbm>>
      %dma_wait3A_66 = tpu.memref_squeeze %dma_wait3A_65 : memref<1x125x80xi32, #tpu.memory_space<hbm>> -> memref<125x80xi32, #tpu.memory_space<hbm>>
      tpu.wait_dma2 semaphore(%run_scoped3A_50 : memref<!tpu.dma_semaphore, #tpu.memory_space<semaphore_mem>>) src(%dma_wait3A_66 : memref<125x80xi32, #tpu.memory_space<hbm>>) dst(%arg6 : memref<125x80xi32, #tpu.memory_space<vmem>>)
      tpu.yield
    }) : () -> ()
    "tpu.region"() ({
      %run_scoped3A_50 = tpu.sem_alloc : memref<!tpu.dma_semaphore, #tpu.memory_space<semaphore_mem>>
      %dma_start3A_51 = arith.constant 0 : i32
      %dma_start3A_52 = arith.constant 0 : i32
      %dma_start3A_53 = tpu.memref_slice %arg4[%add3A, %dma_start3A_51, %dma_start3A_52] : memref<32x125x80xi32, #tpu.memory_space<hbm>> -> memref<1x125x80xi32, #tpu.memory_space<hbm>>
      %dma_start3A_54 = tpu.memref_squeeze %dma_start3A_53 : memref<1x125x80xi32, #tpu.memory_space<hbm>> -> memref<125x80xi32, #tpu.memory_space<hbm>>
      %dma_start3A_55 = arith.constant 0 : i32
      %dma_start3A_56 = arith.constant 0 : i32
      %dma_start3A_57 = tpu.memref_slice %arg4[%add3A, %dma_start3A_55, %dma_start3A_56] : memref<32x125x80xi32, #tpu.memory_space<hbm>> -> memref<1x125x80xi32, #tpu.memory_space<hbm>>
      %dma_start3A_58 = tpu.memref_squeeze %dma_start3A_57 : memref<1x125x80xi32, #tpu.memory_space<hbm>> -> memref<125x80xi32, #tpu.memory_space<hbm>>
      tpu.enqueue_dma source(%dma_start3A_58 : memref<125x80xi32, #tpu.memory_space<hbm>>) target(%arg7 : memref<125x80xi32, #tpu.memory_space<vmem>>) target_semaphore(%run_scoped3A_50 : memref<!tpu.dma_semaphore, #tpu.memory_space<semaphore_mem>>)
      %dma_wait3A_59 = arith.constant 0 : i32
      %dma_wait3A_60 = arith.constant 0 : i32
      %dma_wait3A_61 = tpu.memref_slice %arg4[%add3A, %dma_wait3A_59, %dma_wait3A_60] : memref<32x125x80xi32, #tpu.memory_space<hbm>> -> memref<1x125x80xi32, #tpu.memory_space<hbm>>
      %dma_wait3A_62 = tpu.memref_squeeze %dma_wait3A_61 : memref<1x125x80xi32, #tpu.memory_space<hbm>> -> memref<125x80xi32, #tpu.memory_space<hbm>>
      %dma_wait3A_63 = arith.constant 0 : i32
      %dma_wait3A_64 = arith.constant 0 : i32
      %dma_wait3A_65 = tpu.memref_slice %arg4[%add3A, %dma_wait3A_63, %dma_wait3A_64] : memref<32x125x80xi32, #tpu.memory_space<hbm>> -> memref<1x125x80xi32, #tpu.memory_space<hbm>>
      %dma_wait3A_66 = tpu.memref_squeeze %dma_wait3A_65 : memref<1x125x80xi32, #tpu.memory_space<hbm>> -> memref<125x80xi32, #tpu.memory_space<hbm>>
      tpu.wait_dma2 semaphore(%run_scoped3A_50 : memref<!tpu.dma_semaphore, #tpu.memory_space<semaphore_mem>>) src(%dma_wait3A_66 : memref<125x80xi32, #tpu.memory_space<hbm>>) dst(%arg7 : memref<125x80xi32, #tpu.memory_space<vmem>>)
      tpu.yield
    }) : () -> ()
    %broadcast_in_dim3A = arith.constant 0.000000e+00 : f32
    %broadcast_in_dim3A_1 = vector.broadcast %broadcast_in_dim3A : f32 to vector<16xf32>
    %scan3A = arith.constant 0 : i32
    %scan3A_2 = arith.constant 0 : i32
    %scan3A_3 = arith.constant 80 : i32
    %scan3A_4 = arith.addi %scan3A_2, %scan3A_3 : i32
    %scan3A_5 = arith.constant 1 : i32
    %scan3A_6 = scf.for %scan3A_50 = %scan3A_2 to %scan3A_4 step %scan3A_5 iter_args(%scan3A_51 = %scan3A) -> (i32)  : i32 {
      %swap3A = arith.index_cast %scan3A_50 : i32 to index
      %swap3A_52 = arith.constant 0 : index
      %swap3A_53 = tpu.vector_load %arg8[%swap3A, %swap3A_52] {strides = array<i32>} : memref<80x64xf32, #tpu.memory_space<vmem>>, vector<1x16xf32>,
      %swap3A_54 = vector.shape_cast %swap3A_53 : vector<1x16xf32> to vector<16xf32>
      %swap3A_55 = vector.shape_cast %broadcast_in_dim3A_1 : vector<16xf32> to vector<1x16xf32>
      tpu.vector_store %arg8[%swap3A, %swap3A_52], %swap3A_55 {strides = array<i32>} : memref<80x64xf32, #tpu.memory_space<vmem>>, vector<1x16xf32>,
      %swap3A_56 = arith.index_cast %scan3A_50 : i32 to index
      %swap3A_57 = arith.constant 16 : index
      %swap3A_58 = tpu.vector_load %arg8[%swap3A_56, %swap3A_57] {strides = array<i32>} : memref<80x64xf32, #tpu.memory_space<vmem>>, vector<1x16xf32>,
      %swap3A_59 = vector.shape_cast %swap3A_58 : vector<1x16xf32> to vector<16xf32>
      %swap3A_60 = vector.shape_cast %broadcast_in_dim3A_1 : vector<16xf32> to vector<1x16xf32>
      tpu.vector_store %arg8[%swap3A_56, %swap3A_57], %swap3A_60 {strides = array<i32>} : memref<80x64xf32, #tpu.memory_space<vmem>>, vector<1x16xf32>,
      %swap3A_61 = arith.index_cast %scan3A_50 : i32 to index
      %swap3A_62 = arith.constant 32 : index
      %swap3A_63 = tpu.vector_load %arg8[%swap3A_61, %swap3A_62] {strides = array<i32>} : memref<80x64xf32, #tpu.memory_space<vmem>>, vector<1x16xf32>,
      %swap3A_64 = vector.shape_cast %swap3A_63 : vector<1x16xf32> to vector<16xf32>
      %swap3A_65 = vector.shape_cast %broadcast_in_dim3A_1 : vector<16xf32> to vector<1x16xf32>
      tpu.vector_store %arg8[%swap3A_61, %swap3A_62], %swap3A_65 {strides = array<i32>} : memref<80x64xf32, #tpu.memory_space<vmem>>, vector<1x16xf32>,
      %swap3A_66 = arith.index_cast %scan3A_50 : i32 to index
      %swap3A_67 = arith.constant 48 : index
      %swap3A_68 = tpu.vector_load %arg8[%swap3A_66, %swap3A_67] {strides = array<i32>} : memref<80x64xf32, #tpu.memory_space<vmem>>, vector<1x16xf32>,
      %swap3A_69 = vector.shape_cast %swap3A_68 : vector<1x16xf32> to vector<16xf32>
      %swap3A_70 = vector.shape_cast %broadcast_in_dim3A_1 : vector<16xf32> to vector<1x16xf32>
      tpu.vector_store %arg8[%swap3A_66, %swap3A_67], %swap3A_70 {strides = array<i32>} : memref<80x64xf32, #tpu.memory_space<vmem>>, vector<1x16xf32>,
      %scan3A_71 = arith.constant 0 : i32
      scf.yield %scan3A_71 : i32
    }
    %scan3A_7 = arith.constant 80 : i32
    %mul3A_8 = arith.constant 640 : i32
    %mul3A_9 = arith.muli %arg1, %mul3A_8 : i32
    %add3A_10 = arith.constant 0 : i32
    %add3A_11 = arith.addi %mul3A_9, %add3A_10 : i32
    "tpu.region"() ({
      %run_scoped3A_50 = tpu.sem_alloc : memref<!tpu.dma_semaphore, #tpu.memory_space<semaphore_mem>>
      %dma_start3A_51 = arith.constant 0 : i32
      %dma_start3A_52 = tpu.memref_slice %arg13[%add3A_11, %dma_start3A_51] : memref<10240x64xf32, #tpu.memory_space<vmem_shared>> -> memref<80x64xf32, #tpu.memory_space<vmem_shared>>
      %dma_start3A_53 = arith.constant 0 : i32
      %dma_start3A_54 = tpu.memref_slice %arg13[%add3A_11, %dma_start3A_53] : memref<10240x64xf32, #tpu.memory_space<vmem_shared>> -> memref<80x64xf32, #tpu.memory_space<vmem_shared>>
      tpu.enqueue_dma source(%arg8 : memref<80x64xf32, #tpu.memory_space<vmem>>) target(%dma_start3A_54 : memref<80x64xf32, #tpu.memory_space<vmem_shared>>) target_semaphore(%run_scoped3A_50 : memref<!tpu.dma_semaphore, #tpu.memory_space<semaphore_mem>>)
      %dma_wait3A_55 = arith.constant 0 : i32
      %dma_wait3A_56 = tpu.memref_slice %arg13[%add3A_11, %dma_wait3A_55] : memref<10240x64xf32, #tpu.memory_space<vmem_shared>> -> memref<80x64xf32, #tpu.memory_space<vmem_shared>>
      %dma_wait3A_57 = arith.constant 0 : i32
      %dma_wait3A_58 = tpu.memref_slice %arg13[%add3A_11, %dma_wait3A_57] : memref<10240x64xf32, #tpu.memory_space<vmem_shared>> -> memref<80x64xf32, #tpu.memory_space<vmem_shared>>
      tpu.wait_dma2 semaphore(%run_scoped3A_50 : memref<!tpu.dma_semaphore, #tpu.memory_space<semaphore_mem>>) src(%arg8 : memref<80x64xf32, #tpu.memory_space<vmem>>) dst(%dma_wait3A_58 : memref<80x64xf32, #tpu.memory_space<vmem_shared>>)
      tpu.yield
    }) : () -> ()
    %add3A_12 = arith.constant 80 : i32
    %add3A_13 = arith.addi %mul3A_9, %add3A_12 : i32
    "tpu.region"() ({
      %run_scoped3A_50 = tpu.sem_alloc : memref<!tpu.dma_semaphore, #tpu.memory_space<semaphore_mem>>
      %dma_start3A_51 = arith.constant 0 : i32
      %dma_start3A_52 = tpu.memref_slice %arg13[%add3A_13, %dma_start3A_51] : memref<10240x64xf32, #tpu.memory_space<vmem_shared>> -> memref<80x64xf32, #tpu.memory_space<vmem_shared>>
      %dma_start3A_53 = arith.constant 0 : i32
      %dma_start3A_54 = tpu.memref_slice %arg13[%add3A_13, %dma_start3A_53] : memref<10240x64xf32, #tpu.memory_space<vmem_shared>> -> memref<80x64xf32, #tpu.memory_space<vmem_shared>>
      tpu.enqueue_dma source(%arg8 : memref<80x64xf32, #tpu.memory_space<vmem>>) target(%dma_start3A_54 : memref<80x64xf32, #tpu.memory_space<vmem_shared>>) target_semaphore(%run_scoped3A_50 : memref<!tpu.dma_semaphore, #tpu.memory_space<semaphore_mem>>)
      %dma_wait3A_55 = arith.constant 0 : i32
      %dma_wait3A_56 = tpu.memref_slice %arg13[%add3A_13, %dma_wait3A_55] : memref<10240x64xf32, #tpu.memory_space<vmem_shared>> -> memref<80x64xf32, #tpu.memory_space<vmem_shared>>
      %dma_wait3A_57 = arith.constant 0 : i32
      %dma_wait3A_58 = tpu.memref_slice %arg13[%add3A_13, %dma_wait3A_57] : memref<10240x64xf32, #tpu.memory_space<vmem_shared>> -> memref<80x64xf32, #tpu.memory_space<vmem_shared>>
      tpu.wait_dma2 semaphore(%run_scoped3A_50 : memref<!tpu.dma_semaphore, #tpu.memory_space<semaphore_mem>>) src(%arg8 : memref<80x64xf32, #tpu.memory_space<vmem>>) dst(%dma_wait3A_58 : memref<80x64xf32, #tpu.memory_space<vmem_shared>>)
      tpu.yield
    }) : () -> ()
    %add3A_14 = arith.constant 160 : i32
    %add3A_15 = arith.addi %mul3A_9, %add3A_14 : i32
    "tpu.region"() ({
      %run_scoped3A_50 = tpu.sem_alloc : memref<!tpu.dma_semaphore, #tpu.memory_space<semaphore_mem>>
      %dma_start3A_51 = arith.constant 0 : i32
      %dma_start3A_52 = tpu.memref_slice %arg13[%add3A_15, %dma_start3A_51] : memref<10240x64xf32, #tpu.memory_space<vmem_shared>> -> memref<80x64xf32, #tpu.memory_space<vmem_shared>>
      %dma_start3A_53 = arith.constant 0 : i32
      %dma_start3A_54 = tpu.memref_slice %arg13[%add3A_15, %dma_start3A_53] : memref<10240x64xf32, #tpu.memory_space<vmem_shared>> -> memref<80x64xf32, #tpu.memory_space<vmem_shared>>
      tpu.enqueue_dma source(%arg8 : memref<80x64xf32, #tpu.memory_space<vmem>>) target(%dma_start3A_54 : memref<80x64xf32, #tpu.memory_space<vmem_shared>>) target_semaphore(%run_scoped3A_50 : memref<!tpu.dma_semaphore, #tpu.memory_space<semaphore_mem>>)
      %dma_wait3A_55 = arith.constant 0 : i32
      %dma_wait3A_56 = tpu.memref_slice %arg13[%add3A_15, %dma_wait3A_55] : memref<10240x64xf32, #tpu.memory_space<vmem_shared>> -> memref<80x64xf32, #tpu.memory_space<vmem_shared>>
      %dma_wait3A_57 = arith.constant 0 : i32
      %dma_wait3A_58 = tpu.memref_slice %arg13[%add3A_15, %dma_wait3A_57] : memref<10240x64xf32, #tpu.memory_space<vmem_shared>> -> memref<80x64xf32, #tpu.memory_space<vmem_shared>>
      tpu.wait_dma2 semaphore(%run_scoped3A_50 : memref<!tpu.dma_semaphore, #tpu.memory_space<semaphore_mem>>) src(%arg8 : memref<80x64xf32, #tpu.memory_space<vmem>>) dst(%dma_wait3A_58 : memref<80x64xf32, #tpu.memory_space<vmem_shared>>)
      tpu.yield
    }) : () -> ()
    %add3A_16 = arith.constant 240 : i32
    %add3A_17 = arith.addi %mul3A_9, %add3A_16 : i32
    "tpu.region"() ({
      %run_scoped3A_50 = tpu.sem_alloc : memref<!tpu.dma_semaphore, #tpu.memory_space<semaphore_mem>>
      %dma_start3A_51 = arith.constant 0 : i32
      %dma_start3A_52 = tpu.memref_slice %arg13[%add3A_17, %dma_start3A_51] : memref<10240x64xf32, #tpu.memory_space<vmem_shared>> -> memref<80x64xf32, #tpu.memory_space<vmem_shared>>
      %dma_start3A_53 = arith.constant 0 : i32
      %dma_start3A_54 = tpu.memref_slice %arg13[%add3A_17, %dma_start3A_53] : memref<10240x64xf32, #tpu.memory_space<vmem_shared>> -> memref<80x64xf32, #tpu.memory_space<vmem_shared>>
      tpu.enqueue_dma source(%arg8 : memref<80x64xf32, #tpu.memory_space<vmem>>) target(%dma_start3A_54 : memref<80x64xf32, #tpu.memory_space<vmem_shared>>) target_semaphore(%run_scoped3A_50 : memref<!tpu.dma_semaphore, #tpu.memory_space<semaphore_mem>>)
      %dma_wait3A_55 = arith.constant 0 : i32
      %dma_wait3A_56 = tpu.memref_slice %arg13[%add3A_17, %dma_wait3A_55] : memref<10240x64xf32, #tpu.memory_space<vmem_shared>> -> memref<80x64xf32, #tpu.memory_space<vmem_shared>>
      %dma_wait3A_57 = arith.constant 0 : i32
      %dma_wait3A_58 = tpu.memref_slice %arg13[%add3A_17, %dma_wait3A_57] : memref<10240x64xf32, #tpu.memory_space<vmem_shared>> -> memref<80x64xf32, #tpu.memory_space<vmem_shared>>
      tpu.wait_dma2 semaphore(%run_scoped3A_50 : memref<!tpu.dma_semaphore, #tpu.memory_space<semaphore_mem>>) src(%arg8 : memref<80x64xf32, #tpu.memory_space<vmem>>) dst(%dma_wait3A_58 : memref<80x64xf32, #tpu.memory_space<vmem_shared>>)
      tpu.yield
    }) : () -> ()
    %add3A_18 = arith.constant 320 : i32
    %add3A_19 = arith.addi %mul3A_9, %add3A_18 : i32
    "tpu.region"() ({
      %run_scoped3A_50 = tpu.sem_alloc : memref<!tpu.dma_semaphore, #tpu.memory_space<semaphore_mem>>
      %dma_start3A_51 = arith.constant 0 : i32
      %dma_start3A_52 = tpu.memref_slice %arg13[%add3A_19, %dma_start3A_51] : memref<10240x64xf32, #tpu.memory_space<vmem_shared>> -> memref<80x64xf32, #tpu.memory_space<vmem_shared>>
      %dma_start3A_53 = arith.constant 0 : i32
      %dma_start3A_54 = tpu.memref_slice %arg13[%add3A_19, %dma_start3A_53] : memref<10240x64xf32, #tpu.memory_space<vmem_shared>> -> memref<80x64xf32, #tpu.memory_space<vmem_shared>>
      tpu.enqueue_dma source(%arg8 : memref<80x64xf32, #tpu.memory_space<vmem>>) target(%dma_start3A_54 : memref<80x64xf32, #tpu.memory_space<vmem_shared>>) target_semaphore(%run_scoped3A_50 : memref<!tpu.dma_semaphore, #tpu.memory_space<semaphore_mem>>)
      %dma_wait3A_55 = arith.constant 0 : i32
      %dma_wait3A_56 = tpu.memref_slice %arg13[%add3A_19, %dma_wait3A_55] : memref<10240x64xf32, #tpu.memory_space<vmem_shared>> -> memref<80x64xf32, #tpu.memory_space<vmem_shared>>
      %dma_wait3A_57 = arith.constant 0 : i32
      %dma_wait3A_58 = tpu.memref_slice %arg13[%add3A_19, %dma_wait3A_57] : memref<10240x64xf32, #tpu.memory_space<vmem_shared>> -> memref<80x64xf32, #tpu.memory_space<vmem_shared>>
      tpu.wait_dma2 semaphore(%run_scoped3A_50 : memref<!tpu.dma_semaphore, #tpu.memory_space<semaphore_mem>>) src(%arg8 : memref<80x64xf32, #tpu.memory_space<vmem>>) dst(%dma_wait3A_58 : memref<80x64xf32, #tpu.memory_space<vmem_shared>>)
      tpu.yield
    }) : () -> ()
    %add3A_20 = arith.constant 400 : i32
    %add3A_21 = arith.addi %mul3A_9, %add3A_20 : i32
    "tpu.region"() ({
      %run_scoped3A_50 = tpu.sem_alloc : memref<!tpu.dma_semaphore, #tpu.memory_space<semaphore_mem>>
      %dma_start3A_51 = arith.constant 0 : i32
      %dma_start3A_52 = tpu.memref_slice %arg13[%add3A_21, %dma_start3A_51] : memref<10240x64xf32, #tpu.memory_space<vmem_shared>> -> memref<80x64xf32, #tpu.memory_space<vmem_shared>>
      %dma_start3A_53 = arith.constant 0 : i32
      %dma_start3A_54 = tpu.memref_slice %arg13[%add3A_21, %dma_start3A_53] : memref<10240x64xf32, #tpu.memory_space<vmem_shared>> -> memref<80x64xf32, #tpu.memory_space<vmem_shared>>
      tpu.enqueue_dma source(%arg8 : memref<80x64xf32, #tpu.memory_space<vmem>>) target(%dma_start3A_54 : memref<80x64xf32, #tpu.memory_space<vmem_shared>>) target_semaphore(%run_scoped3A_50 : memref<!tpu.dma_semaphore, #tpu.memory_space<semaphore_mem>>)
      %dma_wait3A_55 = arith.constant 0 : i32
      %dma_wait3A_56 = tpu.memref_slice %arg13[%add3A_21, %dma_wait3A_55] : memref<10240x64xf32, #tpu.memory_space<vmem_shared>> -> memref<80x64xf32, #tpu.memory_space<vmem_shared>>
      %dma_wait3A_57 = arith.constant 0 : i32
      %dma_wait3A_58 = tpu.memref_slice %arg13[%add3A_21, %dma_wait3A_57] : memref<10240x64xf32, #tpu.memory_space<vmem_shared>> -> memref<80x64xf32, #tpu.memory_space<vmem_shared>>
      tpu.wait_dma2 semaphore(%run_scoped3A_50 : memref<!tpu.dma_semaphore, #tpu.memory_space<semaphore_mem>>) src(%arg8 : memref<80x64xf32, #tpu.memory_space<vmem>>) dst(%dma_wait3A_58 : memref<80x64xf32, #tpu.memory_space<vmem_shared>>)
      tpu.yield
    }) : () -> ()
    %add3A_22 = arith.constant 480 : i32
    %add3A_23 = arith.addi %mul3A_9, %add3A_22 : i32
    "tpu.region"() ({
      %run_scoped3A_50 = tpu.sem_alloc : memref<!tpu.dma_semaphore, #tpu.memory_space<semaphore_mem>>
      %dma_start3A_51 = arith.constant 0 : i32
      %dma_start3A_52 = tpu.memref_slice %arg13[%add3A_23, %dma_start3A_51] : memref<10240x64xf32, #tpu.memory_space<vmem_shared>> -> memref<80x64xf32, #tpu.memory_space<vmem_shared>>
      %dma_start3A_53 = arith.constant 0 : i32
      %dma_start3A_54 = tpu.memref_slice %arg13[%add3A_23, %dma_start3A_53] : memref<10240x64xf32, #tpu.memory_space<vmem_shared>> -> memref<80x64xf32, #tpu.memory_space<vmem_shared>>
      tpu.enqueue_dma source(%arg8 : memref<80x64xf32, #tpu.memory_space<vmem>>) target(%dma_start3A_54 : memref<80x64xf32, #tpu.memory_space<vmem_shared>>) target_semaphore(%run_scoped3A_50 : memref<!tpu.dma_semaphore, #tpu.memory_space<semaphore_mem>>)
      %dma_wait3A_55 = arith.constant 0 : i32
      %dma_wait3A_56 = tpu.memref_slice %arg13[%add3A_23, %dma_wait3A_55] : memref<10240x64xf32, #tpu.memory_space<vmem_shared>> -> memref<80x64xf32, #tpu.memory_space<vmem_shared>>
      %dma_wait3A_57 = arith.constant 0 : i32
      %dma_wait3A_58 = tpu.memref_slice %arg13[%add3A_23, %dma_wait3A_57] : memref<10240x64xf32, #tpu.memory_space<vmem_shared>> -> memref<80x64xf32, #tpu.memory_space<vmem_shared>>
      tpu.wait_dma2 semaphore(%run_scoped3A_50 : memref<!tpu.dma_semaphore, #tpu.memory_space<semaphore_mem>>) src(%arg8 : memref<80x64xf32, #tpu.memory_space<vmem>>) dst(%dma_wait3A_58 : memref<80x64xf32, #tpu.memory_space<vmem_shared>>)
      tpu.yield
    }) : () -> ()
    %add3A_24 = arith.constant 560 : i32
    %add3A_25 = arith.addi %mul3A_9, %add3A_24 : i32
    "tpu.region"() ({
      %run_scoped3A_50 = tpu.sem_alloc : memref<!tpu.dma_semaphore, #tpu.memory_space<semaphore_mem>>
      %dma_start3A_51 = arith.constant 0 : i32
      %dma_start3A_52 = tpu.memref_slice %arg13[%add3A_25, %dma_start3A_51] : memref<10240x64xf32, #tpu.memory_space<vmem_shared>> -> memref<80x64xf32, #tpu.memory_space<vmem_shared>>
      %dma_start3A_53 = arith.constant 0 : i32
      %dma_start3A_54 = tpu.memref_slice %arg13[%add3A_25, %dma_start3A_53] : memref<10240x64xf32, #tpu.memory_space<vmem_shared>> -> memref<80x64xf32, #tpu.memory_space<vmem_shared>>
      tpu.enqueue_dma source(%arg8 : memref<80x64xf32, #tpu.memory_space<vmem>>) target(%dma_start3A_54 : memref<80x64xf32, #tpu.memory_space<vmem_shared>>) target_semaphore(%run_scoped3A_50 : memref<!tpu.dma_semaphore, #tpu.memory_space<semaphore_mem>>)
      %dma_wait3A_55 = arith.constant 0 : i32
      %dma_wait3A_56 = tpu.memref_slice %arg13[%add3A_25, %dma_wait3A_55] : memref<10240x64xf32, #tpu.memory_space<vmem_shared>> -> memref<80x64xf32, #tpu.memory_space<vmem_shared>>
      %dma_wait3A_57 = arith.constant 0 : i32
      %dma_wait3A_58 = tpu.memref_slice %arg13[%add3A_25, %dma_wait3A_57] : memref<10240x64xf32, #tpu.memory_space<vmem_shared>> -> memref<80x64xf32, #tpu.memory_space<vmem_shared>>
      tpu.wait_dma2 semaphore(%run_scoped3A_50 : memref<!tpu.dma_semaphore, #tpu.memory_space<semaphore_mem>>) src(%arg8 : memref<80x64xf32, #tpu.memory_space<vmem>>) dst(%dma_wait3A_58 : memref<80x64xf32, #tpu.memory_space<vmem_shared>>)
      tpu.yield
    }) : () -> ()
    "tpu.region"() ({
      %run_scoped3A_50 = tpu.sem_alloc : memref<!tpu.dma_semaphore, #tpu.memory_space<semaphore_mem>>
      %dma_start3A_51 = arith.constant 0 : i32
      %dma_start3A_52 = tpu.memref_slice %arg12[%mul3A_9, %dma_start3A_51] : memref<10240x64xf32, #tpu.memory_space<vmem_shared>> -> memref<640x64xf32, #tpu.memory_space<vmem_shared>>
      %dma_start3A_53 = arith.constant 0 : i32
      %dma_start3A_54 = tpu.memref_slice %arg2[%mul3A_9, %dma_start3A_53] : memref<10240x128xf32, #tpu.memory_space<hbm>> -> memref<640x64xf32, #tpu.memory_space<hbm>>
      tpu.enqueue_dma source(%dma_start3A_54 : memref<640x64xf32, #tpu.memory_space<hbm>>) target(%dma_start3A_52 : memref<640x64xf32, #tpu.memory_space<vmem_shared>>) target_semaphore(%run_scoped3A_50 : memref<!tpu.dma_semaphore, #tpu.memory_space<semaphore_mem>>)
      %dma_wait3A_55 = arith.constant 0 : i32
      %dma_wait3A_56 = tpu.memref_slice %arg12[%mul3A_9, %dma_wait3A_55] : memref<10240x64xf32, #tpu.memory_space<vmem_shared>> -> memref<640x64xf32, #tpu.memory_space<vmem_shared>>
      %dma_wait3A_57 = arith.constant 0 : i32
      %dma_wait3A_58 = tpu.memref_slice %arg2[%mul3A_9, %dma_wait3A_57] : memref<10240x128xf32, #tpu.memory_space<hbm>> -> memref<640x64xf32, #tpu.memory_space<hbm>>
      tpu.wait_dma2 semaphore(%run_scoped3A_50 : memref<!tpu.dma_semaphore, #tpu.memory_space<semaphore_mem>>) src(%dma_wait3A_58 : memref<640x64xf32, #tpu.memory_space<hbm>>) dst(%dma_wait3A_56 : memref<640x64xf32, #tpu.memory_space<vmem_shared>>)
      tpu.yield
    }) : () -> ()
    %barrier3A = arith.constant 0 : index
    tpu.barrier barrier_id(%barrier3A)
    %dma_start3A = arith.constant 0 : i32
    %dma_start3A_26 = arith.constant 0 : i32
    %dma_start3A_27 = tpu.memref_slice %arg6[%dma_start3A, %dma_start3A_26] : memref<125x80xi32, #tpu.memory_space<vmem>> -> memref<1x80xi32, #tpu.memory_space<vmem>>
    %dma_start3A_28 = tpu.memref_squeeze %dma_start3A_27 : memref<1x80xi32, #tpu.memory_space<vmem>> -> memref<80xi32, #tpu.memory_space<vmem>>
    %dma_start3A_29 = arith.constant 0 : i32
    %dma_start3A_30 = arith.constant 0 : i32
    %dma_start3A_31 = tpu.memref_slice %arg12[%dma_start3A_29, %dma_start3A_30] : memref<10240x64xf32, #tpu.memory_space<vmem_shared>> -> memref<10240x64xf32, #tpu.memory_space<vmem_shared>>
    tpu.enqueue_indirect_dma source(%dma_start3A_31 : memref<10240x64xf32, #tpu.memory_space<vmem_shared>>) target(%arg8 : memref<80x64xf32, #tpu.memory_space<vmem>>) offsets(%dma_start3A_28 : memref<80xi32, #tpu.memory_space<vmem>>) semaphore(%arg10 : memref<!tpu.dma_semaphore, #tpu.memory_space<semaphore_mem>>)
    %scan3A_32 = arith.constant 0 : i32
    %scan3A_33 = arith.constant 0 : i32
    %scan3A_34 = arith.constant 62 : i32
    %scan3A_35 = arith.addi %scan3A_33, %scan3A_34 : i32
    %scan3A_36 = arith.constant 1 : i32
    %scan3A_37 = scf.for %scan3A_50 = %scan3A_33 to %scan3A_35 step %scan3A_36 iter_args(%scan3A_51 = %scan3A_32) -> (i32)  : i32 {
      %mul3A_52 = arith.constant 2 : i32
      %mul3A_53 = arith.muli %mul3A_52, %scan3A_50 : i32
      %add3A_54 = arith.constant 1 : i32
      %add3A_55 = arith.addi %mul3A_53, %add3A_54 : i32
      %dma_start3A_56 = arith.constant 0 : i32
      %dma_start3A_57 = tpu.memref_slice %arg6[%add3A_55, %dma_start3A_56] : memref<125x80xi32, #tpu.memory_space<vmem>> -> memref<1x80xi32, #tpu.memory_space<vmem>>
      %dma_start3A_58 = tpu.memref_squeeze %dma_start3A_57 : memref<1x80xi32, #tpu.memory_space<vmem>> -> memref<80xi32, #tpu.memory_space<vmem>>
      %dma_start3A_59 = arith.constant 0 : i32
      %dma_start3A_60 = arith.constant 0 : i32
      %dma_start3A_61 = tpu.memref_slice %arg12[%dma_start3A_59, %dma_start3A_60] : memref<10240x64xf32, #tpu.memory_space<vmem_shared>> -> memref<10240x64xf32, #tpu.memory_space<vmem_shared>>
      tpu.enqueue_indirect_dma source(%dma_start3A_61 : memref<10240x64xf32, #tpu.memory_space<vmem_shared>>) target(%arg9 : memref<80x64xf32, #tpu.memory_space<vmem>>) offsets(%dma_start3A_58 : memref<80xi32, #tpu.memory_space<vmem>>) semaphore(%arg11 : memref<!tpu.dma_semaphore, #tpu.memory_space<semaphore_mem>>)
      %dma_wait3A_62 = arith.constant 0 : i32
      %dma_wait3A_63 = tpu.memref_slice %arg6[%mul3A_53, %dma_wait3A_62] : memref<125x80xi32, #tpu.memory_space<vmem>> -> memref<1x80xi32, #tpu.memory_space<vmem>>
      %dma_wait3A_64 = tpu.memref_squeeze %dma_wait3A_63 : memref<1x80xi32, #tpu.memory_space<vmem>> -> memref<80xi32, #tpu.memory_space<vmem>>
      %dma_wait3A_65 = arith.constant 0 : i32
      %dma_wait3A_66 = arith.constant 0 : i32
      %dma_wait3A_67 = tpu.memref_slice %arg12[%dma_wait3A_65, %dma_wait3A_66] : memref<10240x64xf32, #tpu.memory_space<vmem_shared>> -> memref<10240x64xf32, #tpu.memory_space<vmem_shared>>
      tpu.wait_indirect_dma semaphore(%arg10 : memref<!tpu.dma_semaphore, #tpu.memory_space<semaphore_mem>>) src(%dma_wait3A_67 : memref<10240x64xf32, #tpu.memory_space<vmem_shared>>) dst(%arg8 : memref<80x64xf32, #tpu.memory_space<vmem>>)
      "tpu.region"() ({
        %run_scoped3A_87 = tpu.sem_alloc : memref<!tpu.dma_semaphore, #tpu.memory_space<semaphore_mem>>
        %dma_start3A_88 = arith.constant 0 : i32
        %dma_start3A_89 = tpu.memref_slice %arg7[%mul3A_53, %dma_start3A_88] : memref<125x80xi32, #tpu.memory_space<vmem>> -> memref<1x80xi32, #tpu.memory_space<vmem>>
        %dma_start3A_90 = tpu.memref_squeeze %dma_start3A_89 : memref<1x80xi32, #tpu.memory_space<vmem>> -> memref<80xi32, #tpu.memory_space<vmem>>
        %dma_start3A_91 = arith.constant 0 : i32
        %dma_start3A_92 = arith.constant 0 : i32
        %dma_start3A_93 = tpu.memref_slice %arg13[%dma_start3A_91, %dma_start3A_92] : memref<10240x64xf32, #tpu.memory_space<vmem_shared>> -> memref<10240x64xf32, #tpu.memory_space<vmem_shared>>
        tpu.enqueue_indirect_dma source(%arg8 : memref<80x64xf32, #tpu.memory_space<vmem>>) target(%dma_start3A_93 : memref<10240x64xf32, #tpu.memory_space<vmem_shared>>) offsets(%dma_start3A_90 : memref<80xi32, #tpu.memory_space<vmem>>) semaphore(%run_scoped3A_87 : memref<!tpu.dma_semaphore, #tpu.memory_space<semaphore_mem>>) {add = true}
        %dma_wait3A_94 = arith.constant 0 : i32
        %dma_wait3A_95 = tpu.memref_slice %arg7[%mul3A_53, %dma_wait3A_94] : memref<125x80xi32, #tpu.memory_space<vmem>> -> memref<1x80xi32, #tpu.memory_space<vmem>>
        %dma_wait3A_96 = tpu.memref_squeeze %dma_wait3A_95 : memref<1x80xi32, #tpu.memory_space<vmem>> -> memref<80xi32, #tpu.memory_space<vmem>>
        %dma_wait3A_97 = arith.constant 0 : i32
        %dma_wait3A_98 = arith.constant 0 : i32
        %dma_wait3A_99 = tpu.memref_slice %arg13[%dma_wait3A_97, %dma_wait3A_98] : memref<10240x64xf32, #tpu.memory_space<vmem_shared>> -> memref<10240x64xf32, #tpu.memory_space<vmem_shared>>
        tpu.wait_indirect_dma semaphore(%run_scoped3A_87 : memref<!tpu.dma_semaphore, #tpu.memory_space<semaphore_mem>>) src(%arg8 : memref<80x64xf32, #tpu.memory_space<vmem>>) dst(%dma_wait3A_99 : memref<10240x64xf32, #tpu.memory_space<vmem_shared>>)
        tpu.yield
      }) : () -> ()
      %add3A_68 = arith.constant 2 : i32
      %add3A_69 = arith.addi %mul3A_53, %add3A_68 : i32
      %dma_start3A_70 = arith.constant 0 : i32
      %dma_start3A_71 = tpu.memref_slice %arg6[%add3A_69, %dma_start3A_70] : memref<125x80xi32, #tpu.memory_space<vmem>> -> memref<1x80xi32, #tpu.memory_space<vmem>>
      %dma_start3A_72 = tpu.memref_squeeze %dma_start3A_71 : memref<1x80xi32, #tpu.memory_space<vmem>> -> memref<80xi32, #tpu.memory_space<vmem>>
      %dma_start3A_73 = arith.constant 0 : i32
      %dma_start3A_74 = arith.constant 0 : i32
      %dma_start3A_75 = tpu.memref_slice %arg12[%dma_start3A_73, %dma_start3A_74] : memref<10240x64xf32, #tpu.memory_space<vmem_shared>> -> memref<10240x64xf32, #tpu.memory_space<vmem_shared>>
      tpu.enqueue_indirect_dma source(%dma_start3A_75 : memref<10240x64xf32, #tpu.memory_space<vmem_shared>>) target(%arg8 : memref<80x64xf32, #tpu.memory_space<vmem>>) offsets(%dma_start3A_72 : memref<80xi32, #tpu.memory_space<vmem>>) semaphore(%arg10 : memref<!tpu.dma_semaphore, #tpu.memory_space<semaphore_mem>>)
      %add3A_76 = arith.constant 1 : i32
      %add3A_77 = arith.addi %mul3A_53, %add3A_76 : i32
      %dma_wait3A_78 = arith.constant 0 : i32
      %dma_wait3A_79 = tpu.memref_slice %arg6[%add3A_77, %dma_wait3A_78] : memref<125x80xi32, #tpu.memory_space<vmem>> -> memref<1x80xi32, #tpu.memory_space<vmem>>
      %dma_wait3A_80 = tpu.memref_squeeze %dma_wait3A_79 : memref<1x80xi32, #tpu.memory_space<vmem>> -> memref<80xi32, #tpu.memory_space<vmem>>
      %dma_wait3A_81 = arith.constant 0 : i32
      %dma_wait3A_82 = arith.constant 0 : i32
      %dma_wait3A_83 = tpu.memref_slice %arg12[%dma_wait3A_81, %dma_wait3A_82] : memref<10240x64xf32, #tpu.memory_space<vmem_shared>> -> memref<10240x64xf32, #tpu.memory_space<vmem_shared>>
      tpu.wait_indirect_dma semaphore(%arg11 : memref<!tpu.dma_semaphore, #tpu.memory_space<semaphore_mem>>) src(%dma_wait3A_83 : memref<10240x64xf32, #tpu.memory_space<vmem_shared>>) dst(%arg9 : memref<80x64xf32, #tpu.memory_space<vmem>>)
      %add3A_84 = arith.constant 1 : i32
      %add3A_85 = arith.addi %mul3A_53, %add3A_84 : i32
      "tpu.region"() ({
        %run_scoped3A_87 = tpu.sem_alloc : memref<!tpu.dma_semaphore, #tpu.memory_space<semaphore_mem>>
        %dma_start3A_88 = arith.constant 0 : i32
        %dma_start3A_89 = tpu.memref_slice %arg7[%add3A_85, %dma_start3A_88] : memref<125x80xi32, #tpu.memory_space<vmem>> -> memref<1x80xi32, #tpu.memory_space<vmem>>
        %dma_start3A_90 = tpu.memref_squeeze %dma_start3A_89 : memref<1x80xi32, #tpu.memory_space<vmem>> -> memref<80xi32, #tpu.memory_space<vmem>>
        %dma_start3A_91 = arith.constant 0 : i32
        %dma_start3A_92 = arith.constant 0 : i32
        %dma_start3A_93 = tpu.memref_slice %arg13[%dma_start3A_91, %dma_start3A_92] : memref<10240x64xf32, #tpu.memory_space<vmem_shared>> -> memref<10240x64xf32, #tpu.memory_space<vmem_shared>>
        tpu.enqueue_indirect_dma source(%arg9 : memref<80x64xf32, #tpu.memory_space<vmem>>) target(%dma_start3A_93 : memref<10240x64xf32, #tpu.memory_space<vmem_shared>>) offsets(%dma_start3A_90 : memref<80xi32, #tpu.memory_space<vmem>>) semaphore(%run_scoped3A_87 : memref<!tpu.dma_semaphore, #tpu.memory_space<semaphore_mem>>) {add = true}
        %dma_wait3A_94 = arith.constant 0 : i32
        %dma_wait3A_95 = tpu.memref_slice %arg7[%add3A_85, %dma_wait3A_94] : memref<125x80xi32, #tpu.memory_space<vmem>> -> memref<1x80xi32, #tpu.memory_space<vmem>>
        %dma_wait3A_96 = tpu.memref_squeeze %dma_wait3A_95 : memref<1x80xi32, #tpu.memory_space<vmem>> -> memref<80xi32, #tpu.memory_space<vmem>>
        %dma_wait3A_97 = arith.constant 0 : i32
        %dma_wait3A_98 = arith.constant 0 : i32
        %dma_wait3A_99 = tpu.memref_slice %arg13[%dma_wait3A_97, %dma_wait3A_98] : memref<10240x64xf32, #tpu.memory_space<vmem_shared>> -> memref<10240x64xf32, #tpu.memory_space<vmem_shared>>
        tpu.wait_indirect_dma semaphore(%run_scoped3A_87 : memref<!tpu.dma_semaphore, #tpu.memory_space<semaphore_mem>>) src(%arg9 : memref<80x64xf32, #tpu.memory_space<vmem>>) dst(%dma_wait3A_99 : memref<10240x64xf32, #tpu.memory_space<vmem_shared>>)
        tpu.yield
      }) : () -> ()
      %scan3A_86 = arith.constant 0 : i32
      scf.yield %scan3A_86 : i32
    }
    %scan3A_38 = arith.constant 62 : i32
    %dma_wait3A = arith.constant 124 : i32
    %dma_wait3A_39 = arith.constant 0 : i32
    %dma_wait3A_40 = tpu.memref_slice %arg6[%dma_wait3A, %dma_wait3A_39] : memref<125x80xi32, #tpu.memory_space<vmem>> -> memref<1x80xi32, #tpu.memory_space<vmem>>
    %dma_wait3A_41 = tpu.memref_squeeze %dma_wait3A_40 : memref<1x80xi32, #tpu.memory_space<vmem>> -> memref<80xi32, #tpu.memory_space<vmem>>
    %dma_wait3A_42 = arith.constant 0 : i32
    %dma_wait3A_43 = arith.constant 0 : i32
    %dma_wait3A_44 = tpu.memref_slice %arg12[%dma_wait3A_42, %dma_wait3A_43] : memref<10240x64xf32, #tpu.memory_space<vmem_shared>> -> memref<10240x64xf32, #tpu.memory_space<vmem_shared>>
    tpu.wait_indirect_dma semaphore(%arg10 : memref<!tpu.dma_semaphore, #tpu.memory_space<semaphore_mem>>) src(%dma_wait3A_44 : memref<10240x64xf32, #tpu.memory_space<vmem_shared>>) dst(%arg8 : memref<80x64xf32, #tpu.memory_space<vmem>>)
    %run_scoped3A = arith.constant 124 : i32
    "tpu.region"() ({
      %run_scoped3A_50 = tpu.sem_alloc : memref<!tpu.dma_semaphore, #tpu.memory_space<semaphore_mem>>
      %dma_start3A_51 = arith.constant 0 : i32
      %dma_start3A_52 = tpu.memref_slice %arg7[%run_scoped3A, %dma_start3A_51] : memref<125x80xi32, #tpu.memory_space<vmem>> -> memref<1x80xi32, #tpu.memory_space<vmem>>
      %dma_start3A_53 = tpu.memref_squeeze %dma_start3A_52 : memref<1x80xi32, #tpu.memory_space<vmem>> -> memref<80xi32, #tpu.memory_space<vmem>>
      %dma_start3A_54 = arith.constant 0 : i32
      %dma_start3A_55 = arith.constant 0 : i32
      %dma_start3A_56 = tpu.memref_slice %arg13[%dma_start3A_54, %dma_start3A_55] : memref<10240x64xf32, #tpu.memory_space<vmem_shared>> -> memref<10240x64xf32, #tpu.memory_space<vmem_shared>>
      tpu.enqueue_indirect_dma source(%arg8 : memref<80x64xf32, #tpu.memory_space<vmem>>) target(%dma_start3A_56 : memref<10240x64xf32, #tpu.memory_space<vmem_shared>>) offsets(%dma_start3A_53 : memref<80xi32, #tpu.memory_space<vmem>>) semaphore(%run_scoped3A_50 : memref<!tpu.dma_semaphore, #tpu.memory_space<semaphore_mem>>) {add = true}
      %dma_wait3A_57 = arith.constant 0 : i32
      %dma_wait3A_58 = tpu.memref_slice %arg7[%run_scoped3A, %dma_wait3A_57] : memref<125x80xi32, #tpu.memory_space<vmem>> -> memref<1x80xi32, #tpu.memory_space<vmem>>
      %dma_wait3A_59 = tpu.memref_squeeze %dma_wait3A_58 : memref<1x80xi32, #tpu.memory_space<vmem>> -> memref<80xi32, #tpu.memory_space<vmem>>
      %dma_wait3A_60 = arith.constant 0 : i32
      %dma_wait3A_61 = arith.constant 0 : i32
      %dma_wait3A_62 = tpu.memref_slice %arg13[%dma_wait3A_60, %dma_wait3A_61] : memref<10240x64xf32, #tpu.memory_space<vmem_shared>> -> memref<10240x64xf32, #tpu.memory_space<vmem_shared>>
      tpu.wait_indirect_dma semaphore(%run_scoped3A_50 : memref<!tpu.dma_semaphore, #tpu.memory_space<semaphore_mem>>) src(%arg8 : memref<80x64xf32, #tpu.memory_space<vmem>>) dst(%dma_wait3A_62 : memref<10240x64xf32, #tpu.memory_space<vmem_shared>>)
      tpu.yield
    }) : () -> ()
    %barrier3A_45 = arith.constant 0 : index
    tpu.barrier barrier_id(%barrier3A_45)
    %add3A_46 = arith.constant 0 : i32
    %add3A_47 = arith.addi %add3A_46, %mul3A_9 : i32
    %mul3A_48 = arith.constant 64 : i32
    %mul3A_49 = arith.muli %arg0, %mul3A_48 : i32
    "tpu.region"() ({
      %run_scoped3A_50 = tpu.sem_alloc : memref<!tpu.dma_semaphore, #tpu.memory_space<semaphore_mem>>
      %dma_start3A_51 = tpu.memref_slice %arg5[%add3A_47, %mul3A_49] : memref<10240x128xf32, #tpu.memory_space<hbm>> -> memref<640x64xf32, #tpu.memory_space<hbm>>
      %dma_start3A_52 = arith.constant 0 : i32
      %dma_start3A_53 = tpu.memref_slice %arg13[%mul3A_9, %dma_start3A_52] : memref<10240x64xf32, #tpu.memory_space<vmem_shared>> -> memref<640x64xf32, #tpu.memory_space<vmem_shared>>
      tpu.enqueue_dma source(%dma_start3A_53 : memref<640x64xf32, #tpu.memory_space<vmem_shared>>) target(%dma_start3A_51 : memref<640x64xf32, #tpu.memory_space<hbm>>) target_semaphore(%run_scoped3A_50 : memref<!tpu.dma_semaphore, #tpu.memory_space<semaphore_mem>>)
      %dma_wait3A_54 = tpu.memref_slice %arg5[%add3A_47, %mul3A_49] : memref<10240x128xf32, #tpu.memory_space<hbm>> -> memref<640x64xf32, #tpu.memory_space<hbm>>
      %dma_wait3A_55 = arith.constant 0 : i32
      %dma_wait3A_56 = tpu.memref_slice %arg13[%mul3A_9, %dma_wait3A_55] : memref<10240x64xf32, #tpu.memory_space<vmem_shared>> -> memref<640x64xf32, #tpu.memory_space<vmem_shared>>
      tpu.wait_dma2 semaphore(%run_scoped3A_50 : memref<!tpu.dma_semaphore, #tpu.memory_space<semaphore_mem>>) src(%dma_wait3A_56 : memref<640x64xf32, #tpu.memory_space<vmem_shared>>) dst(%dma_wait3A_54 : memref<640x64xf32, #tpu.memory_space<hbm>>)
      tpu.yield
    }) : () -> ()
    return
  }
}

#map = affine_map<(d0, d1) -> (0, 0)>
#map1 = affine_map<(d0, d1) -> (0, 0, 0)>
module attributes {stable_mosaic.version = 14 : i64} {
  func.func @_agg2_body(%arg0: i32, %arg1: i32, %arg2: memref<10240x128xf32, #tpu.memory_space<hbm>>, %arg3: memref<32x125x80xi32, #tpu.memory_space<hbm>>, %arg4: memref<32x125x80xi32, #tpu.memory_space<hbm>>, %arg5: memref<20480x128xf32, #tpu.memory_space<hbm>>, %arg6: memref<125x80xi32, #tpu.memory_space<vmem>>, %arg7: memref<125x80xi32, #tpu.memory_space<vmem>>, %arg8: memref<80x64xf32, #tpu.memory_space<vmem>>, %arg9: memref<80x64xf32, #tpu.memory_space<vmem>>, %arg10: memref<!tpu.dma_semaphore, #tpu.memory_space<semaphore_mem>>, %arg11: memref<!tpu.dma_semaphore, #tpu.memory_space<semaphore_mem>>, %arg12: memref<10240x64xf32, #tpu.memory_space<vmem_shared>>, %arg13: memref<10240x64xf32, #tpu.memory_space<vmem_shared>>) attributes {dimension_semantics = [#tpu.dimension_semantics<core_parallel>, #tpu.dimension_semantics<subcore_parallel>], iteration_bounds = array<i64: 2, 16>, scalar_prefetch = 0 : i64, scratch_operands = 8 : i64, tpu.core_type = #tpu.core_type<sc_vector_subcore>, window_params = [{transform_indices = #map}, {transform_indices = #map1}, {transform_indices = #map1}, {transform_indices = #map}]} {
    %mul3A = arith.constant 16 : i32
    %mul3A_0 = arith.muli %arg0, %mul3A : i32
    %add3A = arith.addi %mul3A_0, %arg1 : i32
    "tpu.region"() ({
      %run_scoped3A_104 = tpu.sem_alloc : memref<!tpu.dma_semaphore, #tpu.memory_space<semaphore_mem>>
      %dma_start3A_105 = arith.constant 0 : i32
      %dma_start3A_106 = arith.constant 0 : i32
      %dma_start3A_107 = tpu.memref_slice %arg3[%add3A, %dma_start3A_105, %dma_start3A_106] : memref<32x125x80xi32, #tpu.memory_space<hbm>> -> memref<1x125x80xi32, #tpu.memory_space<hbm>>
      %dma_start3A_108 = tpu.memref_squeeze %dma_start3A_107 : memref<1x125x80xi32, #tpu.memory_space<hbm>> -> memref<125x80xi32, #tpu.memory_space<hbm>>
      %dma_start3A_109 = arith.constant 0 : i32
      %dma_start3A_110 = arith.constant 0 : i32
      %dma_start3A_111 = tpu.memref_slice %arg3[%add3A, %dma_start3A_109, %dma_start3A_110] : memref<32x125x80xi32, #tpu.memory_space<hbm>> -> memref<1x125x80xi32, #tpu.memory_space<hbm>>
      %dma_start3A_112 = tpu.memref_squeeze %dma_start3A_111 : memref<1x125x80xi32, #tpu.memory_space<hbm>> -> memref<125x80xi32, #tpu.memory_space<hbm>>
      tpu.enqueue_dma source(%dma_start3A_112 : memref<125x80xi32, #tpu.memory_space<hbm>>) target(%arg6 : memref<125x80xi32, #tpu.memory_space<vmem>>) target_semaphore(%run_scoped3A_104 : memref<!tpu.dma_semaphore, #tpu.memory_space<semaphore_mem>>)
      %dma_wait3A_113 = arith.constant 0 : i32
      %dma_wait3A_114 = arith.constant 0 : i32
      %dma_wait3A_115 = tpu.memref_slice %arg3[%add3A, %dma_wait3A_113, %dma_wait3A_114] : memref<32x125x80xi32, #tpu.memory_space<hbm>> -> memref<1x125x80xi32, #tpu.memory_space<hbm>>
      %dma_wait3A_116 = tpu.memref_squeeze %dma_wait3A_115 : memref<1x125x80xi32, #tpu.memory_space<hbm>> -> memref<125x80xi32, #tpu.memory_space<hbm>>
      %dma_wait3A_117 = arith.constant 0 : i32
      %dma_wait3A_118 = arith.constant 0 : i32
      %dma_wait3A_119 = tpu.memref_slice %arg3[%add3A, %dma_wait3A_117, %dma_wait3A_118] : memref<32x125x80xi32, #tpu.memory_space<hbm>> -> memref<1x125x80xi32, #tpu.memory_space<hbm>>
      %dma_wait3A_120 = tpu.memref_squeeze %dma_wait3A_119 : memref<1x125x80xi32, #tpu.memory_space<hbm>> -> memref<125x80xi32, #tpu.memory_space<hbm>>
      tpu.wait_dma2 semaphore(%run_scoped3A_104 : memref<!tpu.dma_semaphore, #tpu.memory_space<semaphore_mem>>) src(%dma_wait3A_120 : memref<125x80xi32, #tpu.memory_space<hbm>>) dst(%arg6 : memref<125x80xi32, #tpu.memory_space<vmem>>)
      tpu.yield
    }) : () -> ()
    "tpu.region"() ({
      %run_scoped3A_104 = tpu.sem_alloc : memref<!tpu.dma_semaphore, #tpu.memory_space<semaphore_mem>>
      %dma_start3A_105 = arith.constant 0 : i32
      %dma_start3A_106 = arith.constant 0 : i32
      %dma_start3A_107 = tpu.memref_slice %arg4[%add3A, %dma_start3A_105, %dma_start3A_106] : memref<32x125x80xi32, #tpu.memory_space<hbm>> -> memref<1x125x80xi32, #tpu.memory_space<hbm>>
      %dma_start3A_108 = tpu.memref_squeeze %dma_start3A_107 : memref<1x125x80xi32, #tpu.memory_space<hbm>> -> memref<125x80xi32, #tpu.memory_space<hbm>>
      %dma_start3A_109 = arith.constant 0 : i32
      %dma_start3A_110 = arith.constant 0 : i32
      %dma_start3A_111 = tpu.memref_slice %arg4[%add3A, %dma_start3A_109, %dma_start3A_110] : memref<32x125x80xi32, #tpu.memory_space<hbm>> -> memref<1x125x80xi32, #tpu.memory_space<hbm>>
      %dma_start3A_112 = tpu.memref_squeeze %dma_start3A_111 : memref<1x125x80xi32, #tpu.memory_space<hbm>> -> memref<125x80xi32, #tpu.memory_space<hbm>>
      tpu.enqueue_dma source(%dma_start3A_112 : memref<125x80xi32, #tpu.memory_space<hbm>>) target(%arg7 : memref<125x80xi32, #tpu.memory_space<vmem>>) target_semaphore(%run_scoped3A_104 : memref<!tpu.dma_semaphore, #tpu.memory_space<semaphore_mem>>)
      %dma_wait3A_113 = arith.constant 0 : i32
      %dma_wait3A_114 = arith.constant 0 : i32
      %dma_wait3A_115 = tpu.memref_slice %arg4[%add3A, %dma_wait3A_113, %dma_wait3A_114] : memref<32x125x80xi32, #tpu.memory_space<hbm>> -> memref<1x125x80xi32, #tpu.memory_space<hbm>>
      %dma_wait3A_116 = tpu.memref_squeeze %dma_wait3A_115 : memref<1x125x80xi32, #tpu.memory_space<hbm>> -> memref<125x80xi32, #tpu.memory_space<hbm>>
      %dma_wait3A_117 = arith.constant 0 : i32
      %dma_wait3A_118 = arith.constant 0 : i32
      %dma_wait3A_119 = tpu.memref_slice %arg4[%add3A, %dma_wait3A_117, %dma_wait3A_118] : memref<32x125x80xi32, #tpu.memory_space<hbm>> -> memref<1x125x80xi32, #tpu.memory_space<hbm>>
      %dma_wait3A_120 = tpu.memref_squeeze %dma_wait3A_119 : memref<1x125x80xi32, #tpu.memory_space<hbm>> -> memref<125x80xi32, #tpu.memory_space<hbm>>
      tpu.wait_dma2 semaphore(%run_scoped3A_104 : memref<!tpu.dma_semaphore, #tpu.memory_space<semaphore_mem>>) src(%dma_wait3A_120 : memref<125x80xi32, #tpu.memory_space<hbm>>) dst(%arg7 : memref<125x80xi32, #tpu.memory_space<vmem>>)
      tpu.yield
    }) : () -> ()
    %mul3A_1 = arith.constant 10240 : i32
    %mul3A_2 = arith.muli %arg0, %mul3A_1 : i32
    %broadcast_in_dim3A = arith.constant 0.000000e+00 : f32
    %broadcast_in_dim3A_3 = vector.broadcast %broadcast_in_dim3A : f32 to vector<16xf32>
    %scan3A = arith.constant 0 : i32
    %scan3A_4 = arith.constant 0 : i32
    %scan3A_5 = arith.constant 80 : i32
    %scan3A_6 = arith.addi %scan3A_4, %scan3A_5 : i32
    %scan3A_7 = arith.constant 1 : i32
    %scan3A_8 = scf.for %scan3A_104 = %scan3A_4 to %scan3A_6 step %scan3A_7 iter_args(%scan3A_105 = %scan3A) -> (i32)  : i32 {
      %swap3A = arith.index_cast %scan3A_104 : i32 to index
      %swap3A_106 = arith.constant 0 : index
      %swap3A_107 = tpu.vector_load %arg8[%swap3A, %swap3A_106] {strides = array<i32>} : memref<80x64xf32, #tpu.memory_space<vmem>>, vector<1x16xf32>,
      %swap3A_108 = vector.shape_cast %swap3A_107 : vector<1x16xf32> to vector<16xf32>
      %swap3A_109 = vector.shape_cast %broadcast_in_dim3A_3 : vector<16xf32> to vector<1x16xf32>
      tpu.vector_store %arg8[%swap3A, %swap3A_106], %swap3A_109 {strides = array<i32>} : memref<80x64xf32, #tpu.memory_space<vmem>>, vector<1x16xf32>,
      %swap3A_110 = arith.index_cast %scan3A_104 : i32 to index
      %swap3A_111 = arith.constant 16 : index
      %swap3A_112 = tpu.vector_load %arg8[%swap3A_110, %swap3A_111] {strides = array<i32>} : memref<80x64xf32, #tpu.memory_space<vmem>>, vector<1x16xf32>,
      %swap3A_113 = vector.shape_cast %swap3A_112 : vector<1x16xf32> to vector<16xf32>
      %swap3A_114 = vector.shape_cast %broadcast_in_dim3A_3 : vector<16xf32> to vector<1x16xf32>
      tpu.vector_store %arg8[%swap3A_110, %swap3A_111], %swap3A_114 {strides = array<i32>} : memref<80x64xf32, #tpu.memory_space<vmem>>, vector<1x16xf32>,
      %swap3A_115 = arith.index_cast %scan3A_104 : i32 to index
      %swap3A_116 = arith.constant 32 : index
      %swap3A_117 = tpu.vector_load %arg8[%swap3A_115, %swap3A_116] {strides = array<i32>} : memref<80x64xf32, #tpu.memory_space<vmem>>, vector<1x16xf32>,
      %swap3A_118 = vector.shape_cast %swap3A_117 : vector<1x16xf32> to vector<16xf32>
      %swap3A_119 = vector.shape_cast %broadcast_in_dim3A_3 : vector<16xf32> to vector<1x16xf32>
      tpu.vector_store %arg8[%swap3A_115, %swap3A_116], %swap3A_119 {strides = array<i32>} : memref<80x64xf32, #tpu.memory_space<vmem>>, vector<1x16xf32>,
      %swap3A_120 = arith.index_cast %scan3A_104 : i32 to index
      %swap3A_121 = arith.constant 48 : index
      %swap3A_122 = tpu.vector_load %arg8[%swap3A_120, %swap3A_121] {strides = array<i32>} : memref<80x64xf32, #tpu.memory_space<vmem>>, vector<1x16xf32>,
      %swap3A_123 = vector.shape_cast %swap3A_122 : vector<1x16xf32> to vector<16xf32>
      %swap3A_124 = vector.shape_cast %broadcast_in_dim3A_3 : vector<16xf32> to vector<1x16xf32>
      tpu.vector_store %arg8[%swap3A_120, %swap3A_121], %swap3A_124 {strides = array<i32>} : memref<80x64xf32, #tpu.memory_space<vmem>>, vector<1x16xf32>,
      %scan3A_125 = arith.constant 0 : i32
      scf.yield %scan3A_125 : i32
    }
    %scan3A_9 = arith.constant 80 : i32
    %mul3A_10 = arith.constant 640 : i32
    %mul3A_11 = arith.muli %arg1, %mul3A_10 : i32
    %add3A_12 = arith.constant 0 : i32
    %add3A_13 = arith.addi %mul3A_11, %add3A_12 : i32
    "tpu.region"() ({
      %run_scoped3A_104 = tpu.sem_alloc : memref<!tpu.dma_semaphore, #tpu.memory_space<semaphore_mem>>
      %dma_start3A_105 = arith.constant 0 : i32
      %dma_start3A_106 = tpu.memref_slice %arg13[%add3A_13, %dma_start3A_105] : memref<10240x64xf32, #tpu.memory_space<vmem_shared>> -> memref<80x64xf32, #tpu.memory_space<vmem_shared>>
      %dma_start3A_107 = arith.constant 0 : i32
      %dma_start3A_108 = tpu.memref_slice %arg13[%add3A_13, %dma_start3A_107] : memref<10240x64xf32, #tpu.memory_space<vmem_shared>> -> memref<80x64xf32, #tpu.memory_space<vmem_shared>>
      tpu.enqueue_dma source(%arg8 : memref<80x64xf32, #tpu.memory_space<vmem>>) target(%dma_start3A_108 : memref<80x64xf32, #tpu.memory_space<vmem_shared>>) target_semaphore(%run_scoped3A_104 : memref<!tpu.dma_semaphore, #tpu.memory_space<semaphore_mem>>)
      %dma_wait3A_109 = arith.constant 0 : i32
      %dma_wait3A_110 = tpu.memref_slice %arg13[%add3A_13, %dma_wait3A_109] : memref<10240x64xf32, #tpu.memory_space<vmem_shared>> -> memref<80x64xf32, #tpu.memory_space<vmem_shared>>
      %dma_wait3A_111 = arith.constant 0 : i32
      %dma_wait3A_112 = tpu.memref_slice %arg13[%add3A_13, %dma_wait3A_111] : memref<10240x64xf32, #tpu.memory_space<vmem_shared>> -> memref<80x64xf32, #tpu.memory_space<vmem_shared>>
      tpu.wait_dma2 semaphore(%run_scoped3A_104 : memref<!tpu.dma_semaphore, #tpu.memory_space<semaphore_mem>>) src(%arg8 : memref<80x64xf32, #tpu.memory_space<vmem>>) dst(%dma_wait3A_112 : memref<80x64xf32, #tpu.memory_space<vmem_shared>>)
      tpu.yield
    }) : () -> ()
    %add3A_14 = arith.constant 80 : i32
    %add3A_15 = arith.addi %mul3A_11, %add3A_14 : i32
    "tpu.region"() ({
      %run_scoped3A_104 = tpu.sem_alloc : memref<!tpu.dma_semaphore, #tpu.memory_space<semaphore_mem>>
      %dma_start3A_105 = arith.constant 0 : i32
      %dma_start3A_106 = tpu.memref_slice %arg13[%add3A_15, %dma_start3A_105] : memref<10240x64xf32, #tpu.memory_space<vmem_shared>> -> memref<80x64xf32, #tpu.memory_space<vmem_shared>>
      %dma_start3A_107 = arith.constant 0 : i32
      %dma_start3A_108 = tpu.memref_slice %arg13[%add3A_15, %dma_start3A_107] : memref<10240x64xf32, #tpu.memory_space<vmem_shared>> -> memref<80x64xf32, #tpu.memory_space<vmem_shared>>
      tpu.enqueue_dma source(%arg8 : memref<80x64xf32, #tpu.memory_space<vmem>>) target(%dma_start3A_108 : memref<80x64xf32, #tpu.memory_space<vmem_shared>>) target_semaphore(%run_scoped3A_104 : memref<!tpu.dma_semaphore, #tpu.memory_space<semaphore_mem>>)
      %dma_wait3A_109 = arith.constant 0 : i32
      %dma_wait3A_110 = tpu.memref_slice %arg13[%add3A_15, %dma_wait3A_109] : memref<10240x64xf32, #tpu.memory_space<vmem_shared>> -> memref<80x64xf32, #tpu.memory_space<vmem_shared>>
      %dma_wait3A_111 = arith.constant 0 : i32
      %dma_wait3A_112 = tpu.memref_slice %arg13[%add3A_15, %dma_wait3A_111] : memref<10240x64xf32, #tpu.memory_space<vmem_shared>> -> memref<80x64xf32, #tpu.memory_space<vmem_shared>>
      tpu.wait_dma2 semaphore(%run_scoped3A_104 : memref<!tpu.dma_semaphore, #tpu.memory_space<semaphore_mem>>) src(%arg8 : memref<80x64xf32, #tpu.memory_space<vmem>>) dst(%dma_wait3A_112 : memref<80x64xf32, #tpu.memory_space<vmem_shared>>)
      tpu.yield
    }) : () -> ()
    %add3A_16 = arith.constant 160 : i32
    %add3A_17 = arith.addi %mul3A_11, %add3A_16 : i32
    "tpu.region"() ({
      %run_scoped3A_104 = tpu.sem_alloc : memref<!tpu.dma_semaphore, #tpu.memory_space<semaphore_mem>>
      %dma_start3A_105 = arith.constant 0 : i32
      %dma_start3A_106 = tpu.memref_slice %arg13[%add3A_17, %dma_start3A_105] : memref<10240x64xf32, #tpu.memory_space<vmem_shared>> -> memref<80x64xf32, #tpu.memory_space<vmem_shared>>
      %dma_start3A_107 = arith.constant 0 : i32
      %dma_start3A_108 = tpu.memref_slice %arg13[%add3A_17, %dma_start3A_107] : memref<10240x64xf32, #tpu.memory_space<vmem_shared>> -> memref<80x64xf32, #tpu.memory_space<vmem_shared>>
      tpu.enqueue_dma source(%arg8 : memref<80x64xf32, #tpu.memory_space<vmem>>) target(%dma_start3A_108 : memref<80x64xf32, #tpu.memory_space<vmem_shared>>) target_semaphore(%run_scoped3A_104 : memref<!tpu.dma_semaphore, #tpu.memory_space<semaphore_mem>>)
      %dma_wait3A_109 = arith.constant 0 : i32
      %dma_wait3A_110 = tpu.memref_slice %arg13[%add3A_17, %dma_wait3A_109] : memref<10240x64xf32, #tpu.memory_space<vmem_shared>> -> memref<80x64xf32, #tpu.memory_space<vmem_shared>>
      %dma_wait3A_111 = arith.constant 0 : i32
      %dma_wait3A_112 = tpu.memref_slice %arg13[%add3A_17, %dma_wait3A_111] : memref<10240x64xf32, #tpu.memory_space<vmem_shared>> -> memref<80x64xf32, #tpu.memory_space<vmem_shared>>
      tpu.wait_dma2 semaphore(%run_scoped3A_104 : memref<!tpu.dma_semaphore, #tpu.memory_space<semaphore_mem>>) src(%arg8 : memref<80x64xf32, #tpu.memory_space<vmem>>) dst(%dma_wait3A_112 : memref<80x64xf32, #tpu.memory_space<vmem_shared>>)
      tpu.yield
    }) : () -> ()
    %add3A_18 = arith.constant 240 : i32
    %add3A_19 = arith.addi %mul3A_11, %add3A_18 : i32
    "tpu.region"() ({
      %run_scoped3A_104 = tpu.sem_alloc : memref<!tpu.dma_semaphore, #tpu.memory_space<semaphore_mem>>
      %dma_start3A_105 = arith.constant 0 : i32
      %dma_start3A_106 = tpu.memref_slice %arg13[%add3A_19, %dma_start3A_105] : memref<10240x64xf32, #tpu.memory_space<vmem_shared>> -> memref<80x64xf32, #tpu.memory_space<vmem_shared>>
      %dma_start3A_107 = arith.constant 0 : i32
      %dma_start3A_108 = tpu.memref_slice %arg13[%add3A_19, %dma_start3A_107] : memref<10240x64xf32, #tpu.memory_space<vmem_shared>> -> memref<80x64xf32, #tpu.memory_space<vmem_shared>>
      tpu.enqueue_dma source(%arg8 : memref<80x64xf32, #tpu.memory_space<vmem>>) target(%dma_start3A_108 : memref<80x64xf32, #tpu.memory_space<vmem_shared>>) target_semaphore(%run_scoped3A_104 : memref<!tpu.dma_semaphore, #tpu.memory_space<semaphore_mem>>)
      %dma_wait3A_109 = arith.constant 0 : i32
      %dma_wait3A_110 = tpu.memref_slice %arg13[%add3A_19, %dma_wait3A_109] : memref<10240x64xf32, #tpu.memory_space<vmem_shared>> -> memref<80x64xf32, #tpu.memory_space<vmem_shared>>
      %dma_wait3A_111 = arith.constant 0 : i32
      %dma_wait3A_112 = tpu.memref_slice %arg13[%add3A_19, %dma_wait3A_111] : memref<10240x64xf32, #tpu.memory_space<vmem_shared>> -> memref<80x64xf32, #tpu.memory_space<vmem_shared>>
      tpu.wait_dma2 semaphore(%run_scoped3A_104 : memref<!tpu.dma_semaphore, #tpu.memory_space<semaphore_mem>>) src(%arg8 : memref<80x64xf32, #tpu.memory_space<vmem>>) dst(%dma_wait3A_112 : memref<80x64xf32, #tpu.memory_space<vmem_shared>>)
      tpu.yield
    }) : () -> ()
    %add3A_20 = arith.constant 320 : i32
    %add3A_21 = arith.addi %mul3A_11, %add3A_20 : i32
    "tpu.region"() ({
      %run_scoped3A_104 = tpu.sem_alloc : memref<!tpu.dma_semaphore, #tpu.memory_space<semaphore_mem>>
      %dma_start3A_105 = arith.constant 0 : i32
      %dma_start3A_106 = tpu.memref_slice %arg13[%add3A_21, %dma_start3A_105] : memref<10240x64xf32, #tpu.memory_space<vmem_shared>> -> memref<80x64xf32, #tpu.memory_space<vmem_shared>>
      %dma_start3A_107 = arith.constant 0 : i32
      %dma_start3A_108 = tpu.memref_slice %arg13[%add3A_21, %dma_start3A_107] : memref<10240x64xf32, #tpu.memory_space<vmem_shared>> -> memref<80x64xf32, #tpu.memory_space<vmem_shared>>
      tpu.enqueue_dma source(%arg8 : memref<80x64xf32, #tpu.memory_space<vmem>>) target(%dma_start3A_108 : memref<80x64xf32, #tpu.memory_space<vmem_shared>>) target_semaphore(%run_scoped3A_104 : memref<!tpu.dma_semaphore, #tpu.memory_space<semaphore_mem>>)
      %dma_wait3A_109 = arith.constant 0 : i32
      %dma_wait3A_110 = tpu.memref_slice %arg13[%add3A_21, %dma_wait3A_109] : memref<10240x64xf32, #tpu.memory_space<vmem_shared>> -> memref<80x64xf32, #tpu.memory_space<vmem_shared>>
      %dma_wait3A_111 = arith.constant 0 : i32
      %dma_wait3A_112 = tpu.memref_slice %arg13[%add3A_21, %dma_wait3A_111] : memref<10240x64xf32, #tpu.memory_space<vmem_shared>> -> memref<80x64xf32, #tpu.memory_space<vmem_shared>>
      tpu.wait_dma2 semaphore(%run_scoped3A_104 : memref<!tpu.dma_semaphore, #tpu.memory_space<semaphore_mem>>) src(%arg8 : memref<80x64xf32, #tpu.memory_space<vmem>>) dst(%dma_wait3A_112 : memref<80x64xf32, #tpu.memory_space<vmem_shared>>)
      tpu.yield
    }) : () -> ()
    %add3A_22 = arith.constant 400 : i32
    %add3A_23 = arith.addi %mul3A_11, %add3A_22 : i32
    "tpu.region"() ({
      %run_scoped3A_104 = tpu.sem_alloc : memref<!tpu.dma_semaphore, #tpu.memory_space<semaphore_mem>>
      %dma_start3A_105 = arith.constant 0 : i32
      %dma_start3A_106 = tpu.memref_slice %arg13[%add3A_23, %dma_start3A_105] : memref<10240x64xf32, #tpu.memory_space<vmem_shared>> -> memref<80x64xf32, #tpu.memory_space<vmem_shared>>
      %dma_start3A_107 = arith.constant 0 : i32
      %dma_start3A_108 = tpu.memref_slice %arg13[%add3A_23, %dma_start3A_107] : memref<10240x64xf32, #tpu.memory_space<vmem_shared>> -> memref<80x64xf32, #tpu.memory_space<vmem_shared>>
      tpu.enqueue_dma source(%arg8 : memref<80x64xf32, #tpu.memory_space<vmem>>) target(%dma_start3A_108 : memref<80x64xf32, #tpu.memory_space<vmem_shared>>) target_semaphore(%run_scoped3A_104 : memref<!tpu.dma_semaphore, #tpu.memory_space<semaphore_mem>>)
      %dma_wait3A_109 = arith.constant 0 : i32
      %dma_wait3A_110 = tpu.memref_slice %arg13[%add3A_23, %dma_wait3A_109] : memref<10240x64xf32, #tpu.memory_space<vmem_shared>> -> memref<80x64xf32, #tpu.memory_space<vmem_shared>>
      %dma_wait3A_111 = arith.constant 0 : i32
      %dma_wait3A_112 = tpu.memref_slice %arg13[%add3A_23, %dma_wait3A_111] : memref<10240x64xf32, #tpu.memory_space<vmem_shared>> -> memref<80x64xf32, #tpu.memory_space<vmem_shared>>
      tpu.wait_dma2 semaphore(%run_scoped3A_104 : memref<!tpu.dma_semaphore, #tpu.memory_space<semaphore_mem>>) src(%arg8 : memref<80x64xf32, #tpu.memory_space<vmem>>) dst(%dma_wait3A_112 : memref<80x64xf32, #tpu.memory_space<vmem_shared>>)
      tpu.yield
    }) : () -> ()
    %add3A_24 = arith.constant 480 : i32
    %add3A_25 = arith.addi %mul3A_11, %add3A_24 : i32
    "tpu.region"() ({
      %run_scoped3A_104 = tpu.sem_alloc : memref<!tpu.dma_semaphore, #tpu.memory_space<semaphore_mem>>
      %dma_start3A_105 = arith.constant 0 : i32
      %dma_start3A_106 = tpu.memref_slice %arg13[%add3A_25, %dma_start3A_105] : memref<10240x64xf32, #tpu.memory_space<vmem_shared>> -> memref<80x64xf32, #tpu.memory_space<vmem_shared>>
      %dma_start3A_107 = arith.constant 0 : i32
      %dma_start3A_108 = tpu.memref_slice %arg13[%add3A_25, %dma_start3A_107] : memref<10240x64xf32, #tpu.memory_space<vmem_shared>> -> memref<80x64xf32, #tpu.memory_space<vmem_shared>>
      tpu.enqueue_dma source(%arg8 : memref<80x64xf32, #tpu.memory_space<vmem>>) target(%dma_start3A_108 : memref<80x64xf32, #tpu.memory_space<vmem_shared>>) target_semaphore(%run_scoped3A_104 : memref<!tpu.dma_semaphore, #tpu.memory_space<semaphore_mem>>)
      %dma_wait3A_109 = arith.constant 0 : i32
      %dma_wait3A_110 = tpu.memref_slice %arg13[%add3A_25, %dma_wait3A_109] : memref<10240x64xf32, #tpu.memory_space<vmem_shared>> -> memref<80x64xf32, #tpu.memory_space<vmem_shared>>
      %dma_wait3A_111 = arith.constant 0 : i32
      %dma_wait3A_112 = tpu.memref_slice %arg13[%add3A_25, %dma_wait3A_111] : memref<10240x64xf32, #tpu.memory_space<vmem_shared>> -> memref<80x64xf32, #tpu.memory_space<vmem_shared>>
      tpu.wait_dma2 semaphore(%run_scoped3A_104 : memref<!tpu.dma_semaphore, #tpu.memory_space<semaphore_mem>>) src(%arg8 : memref<80x64xf32, #tpu.memory_space<vmem>>) dst(%dma_wait3A_112 : memref<80x64xf32, #tpu.memory_space<vmem_shared>>)
      tpu.yield
    }) : () -> ()
    %add3A_26 = arith.constant 560 : i32
    %add3A_27 = arith.addi %mul3A_11, %add3A_26 : i32
    "tpu.region"() ({
      %run_scoped3A_104 = tpu.sem_alloc : memref<!tpu.dma_semaphore, #tpu.memory_space<semaphore_mem>>
      %dma_start3A_105 = arith.constant 0 : i32
      %dma_start3A_106 = tpu.memref_slice %arg13[%add3A_27, %dma_start3A_105] : memref<10240x64xf32, #tpu.memory_space<vmem_shared>> -> memref<80x64xf32, #tpu.memory_space<vmem_shared>>
      %dma_start3A_107 = arith.constant 0 : i32
      %dma_start3A_108 = tpu.memref_slice %arg13[%add3A_27, %dma_start3A_107] : memref<10240x64xf32, #tpu.memory_space<vmem_shared>> -> memref<80x64xf32, #tpu.memory_space<vmem_shared>>
      tpu.enqueue_dma source(%arg8 : memref<80x64xf32, #tpu.memory_space<vmem>>) target(%dma_start3A_108 : memref<80x64xf32, #tpu.memory_space<vmem_shared>>) target_semaphore(%run_scoped3A_104 : memref<!tpu.dma_semaphore, #tpu.memory_space<semaphore_mem>>)
      %dma_wait3A_109 = arith.constant 0 : i32
      %dma_wait3A_110 = tpu.memref_slice %arg13[%add3A_27, %dma_wait3A_109] : memref<10240x64xf32, #tpu.memory_space<vmem_shared>> -> memref<80x64xf32, #tpu.memory_space<vmem_shared>>
      %dma_wait3A_111 = arith.constant 0 : i32
      %dma_wait3A_112 = tpu.memref_slice %arg13[%add3A_27, %dma_wait3A_111] : memref<10240x64xf32, #tpu.memory_space<vmem_shared>> -> memref<80x64xf32, #tpu.memory_space<vmem_shared>>
      tpu.wait_dma2 semaphore(%run_scoped3A_104 : memref<!tpu.dma_semaphore, #tpu.memory_space<semaphore_mem>>) src(%arg8 : memref<80x64xf32, #tpu.memory_space<vmem>>) dst(%dma_wait3A_112 : memref<80x64xf32, #tpu.memory_space<vmem_shared>>)
      tpu.yield
    }) : () -> ()
    "tpu.region"() ({
      %run_scoped3A_104 = tpu.sem_alloc : memref<!tpu.dma_semaphore, #tpu.memory_space<semaphore_mem>>
      %dma_start3A_105 = arith.constant 0 : i32
      %dma_start3A_106 = tpu.memref_slice %arg12[%mul3A_11, %dma_start3A_105] : memref<10240x64xf32, #tpu.memory_space<vmem_shared>> -> memref<640x64xf32, #tpu.memory_space<vmem_shared>>
      %dma_start3A_107 = arith.constant 0 : i32
      %dma_start3A_108 = tpu.memref_slice %arg2[%mul3A_11, %dma_start3A_107] : memref<10240x128xf32, #tpu.memory_space<hbm>> -> memref<640x64xf32, #tpu.memory_space<hbm>>
      tpu.enqueue_dma source(%dma_start3A_108 : memref<640x64xf32, #tpu.memory_space<hbm>>) target(%dma_start3A_106 : memref<640x64xf32, #tpu.memory_space<vmem_shared>>) target_semaphore(%run_scoped3A_104 : memref<!tpu.dma_semaphore, #tpu.memory_space<semaphore_mem>>)
      %dma_wait3A_109 = arith.constant 0 : i32
      %dma_wait3A_110 = tpu.memref_slice %arg12[%mul3A_11, %dma_wait3A_109] : memref<10240x64xf32, #tpu.memory_space<vmem_shared>> -> memref<640x64xf32, #tpu.memory_space<vmem_shared>>
      %dma_wait3A_111 = arith.constant 0 : i32
      %dma_wait3A_112 = tpu.memref_slice %arg2[%mul3A_11, %dma_wait3A_111] : memref<10240x128xf32, #tpu.memory_space<hbm>> -> memref<640x64xf32, #tpu.memory_space<hbm>>
      tpu.wait_dma2 semaphore(%run_scoped3A_104 : memref<!tpu.dma_semaphore, #tpu.memory_space<semaphore_mem>>) src(%dma_wait3A_112 : memref<640x64xf32, #tpu.memory_space<hbm>>) dst(%dma_wait3A_110 : memref<640x64xf32, #tpu.memory_space<vmem_shared>>)
      tpu.yield
    }) : () -> ()
    %barrier3A = arith.constant 0 : index
    tpu.barrier barrier_id(%barrier3A)
    %dma_start3A = arith.constant 0 : i32
    %dma_start3A_28 = arith.constant 0 : i32
    %dma_start3A_29 = tpu.memref_slice %arg6[%dma_start3A, %dma_start3A_28] : memref<125x80xi32, #tpu.memory_space<vmem>> -> memref<1x80xi32, #tpu.memory_space<vmem>>
    %dma_start3A_30 = tpu.memref_squeeze %dma_start3A_29 : memref<1x80xi32, #tpu.memory_space<vmem>> -> memref<80xi32, #tpu.memory_space<vmem>>
    %dma_start3A_31 = arith.constant 0 : i32
    %dma_start3A_32 = arith.constant 0 : i32
    %dma_start3A_33 = tpu.memref_slice %arg12[%dma_start3A_31, %dma_start3A_32] : memref<10240x64xf32, #tpu.memory_space<vmem_shared>> -> memref<10240x64xf32, #tpu.memory_space<vmem_shared>>
    tpu.enqueue_indirect_dma source(%dma_start3A_33 : memref<10240x64xf32, #tpu.memory_space<vmem_shared>>) target(%arg8 : memref<80x64xf32, #tpu.memory_space<vmem>>) offsets(%dma_start3A_30 : memref<80xi32, #tpu.memory_space<vmem>>) semaphore(%arg10 : memref<!tpu.dma_semaphore, #tpu.memory_space<semaphore_mem>>)
    %scan3A_34 = arith.constant 0 : i32
    %scan3A_35 = arith.constant 0 : i32
    %scan3A_36 = arith.constant 62 : i32
    %scan3A_37 = arith.addi %scan3A_35, %scan3A_36 : i32
    %scan3A_38 = arith.constant 1 : i32
    %scan3A_39 = scf.for %scan3A_104 = %scan3A_35 to %scan3A_37 step %scan3A_38 iter_args(%scan3A_105 = %scan3A_34) -> (i32)  : i32 {
      %mul3A_106 = arith.constant 2 : i32
      %mul3A_107 = arith.muli %mul3A_106, %scan3A_104 : i32
      %add3A_108 = arith.constant 1 : i32
      %add3A_109 = arith.addi %mul3A_107, %add3A_108 : i32
      %dma_start3A_110 = arith.constant 0 : i32
      %dma_start3A_111 = tpu.memref_slice %arg6[%add3A_109, %dma_start3A_110] : memref<125x80xi32, #tpu.memory_space<vmem>> -> memref<1x80xi32, #tpu.memory_space<vmem>>
      %dma_start3A_112 = tpu.memref_squeeze %dma_start3A_111 : memref<1x80xi32, #tpu.memory_space<vmem>> -> memref<80xi32, #tpu.memory_space<vmem>>
      %dma_start3A_113 = arith.constant 0 : i32
      %dma_start3A_114 = arith.constant 0 : i32
      %dma_start3A_115 = tpu.memref_slice %arg12[%dma_start3A_113, %dma_start3A_114] : memref<10240x64xf32, #tpu.memory_space<vmem_shared>> -> memref<10240x64xf32, #tpu.memory_space<vmem_shared>>
      tpu.enqueue_indirect_dma source(%dma_start3A_115 : memref<10240x64xf32, #tpu.memory_space<vmem_shared>>) target(%arg9 : memref<80x64xf32, #tpu.memory_space<vmem>>) offsets(%dma_start3A_112 : memref<80xi32, #tpu.memory_space<vmem>>) semaphore(%arg11 : memref<!tpu.dma_semaphore, #tpu.memory_space<semaphore_mem>>)
      %dma_wait3A_116 = arith.constant 0 : i32
      %dma_wait3A_117 = tpu.memref_slice %arg6[%mul3A_107, %dma_wait3A_116] : memref<125x80xi32, #tpu.memory_space<vmem>> -> memref<1x80xi32, #tpu.memory_space<vmem>>
      %dma_wait3A_118 = tpu.memref_squeeze %dma_wait3A_117 : memref<1x80xi32, #tpu.memory_space<vmem>> -> memref<80xi32, #tpu.memory_space<vmem>>
      %dma_wait3A_119 = arith.constant 0 : i32
      %dma_wait3A_120 = arith.constant 0 : i32
      %dma_wait3A_121 = tpu.memref_slice %arg12[%dma_wait3A_119, %dma_wait3A_120] : memref<10240x64xf32, #tpu.memory_space<vmem_shared>> -> memref<10240x64xf32, #tpu.memory_space<vmem_shared>>
      tpu.wait_indirect_dma semaphore(%arg10 : memref<!tpu.dma_semaphore, #tpu.memory_space<semaphore_mem>>) src(%dma_wait3A_121 : memref<10240x64xf32, #tpu.memory_space<vmem_shared>>) dst(%arg8 : memref<80x64xf32, #tpu.memory_space<vmem>>)
      "tpu.region"() ({
        %run_scoped3A_141 = tpu.sem_alloc : memref<!tpu.dma_semaphore, #tpu.memory_space<semaphore_mem>>
        %dma_start3A_142 = arith.constant 0 : i32
        %dma_start3A_143 = tpu.memref_slice %arg7[%mul3A_107, %dma_start3A_142] : memref<125x80xi32, #tpu.memory_space<vmem>> -> memref<1x80xi32, #tpu.memory_space<vmem>>
        %dma_start3A_144 = tpu.memref_squeeze %dma_start3A_143 : memref<1x80xi32, #tpu.memory_space<vmem>> -> memref<80xi32, #tpu.memory_space<vmem>>
        %dma_start3A_145 = arith.constant 0 : i32
        %dma_start3A_146 = arith.constant 0 : i32
        %dma_start3A_147 = tpu.memref_slice %arg13[%dma_start3A_145, %dma_start3A_146] : memref<10240x64xf32, #tpu.memory_space<vmem_shared>> -> memref<10240x64xf32, #tpu.memory_space<vmem_shared>>
        tpu.enqueue_indirect_dma source(%arg8 : memref<80x64xf32, #tpu.memory_space<vmem>>) target(%dma_start3A_147 : memref<10240x64xf32, #tpu.memory_space<vmem_shared>>) offsets(%dma_start3A_144 : memref<80xi32, #tpu.memory_space<vmem>>) semaphore(%run_scoped3A_141 : memref<!tpu.dma_semaphore, #tpu.memory_space<semaphore_mem>>) {add = true}
        %dma_wait3A_148 = arith.constant 0 : i32
        %dma_wait3A_149 = tpu.memref_slice %arg7[%mul3A_107, %dma_wait3A_148] : memref<125x80xi32, #tpu.memory_space<vmem>> -> memref<1x80xi32, #tpu.memory_space<vmem>>
        %dma_wait3A_150 = tpu.memref_squeeze %dma_wait3A_149 : memref<1x80xi32, #tpu.memory_space<vmem>> -> memref<80xi32, #tpu.memory_space<vmem>>
        %dma_wait3A_151 = arith.constant 0 : i32
        %dma_wait3A_152 = arith.constant 0 : i32
        %dma_wait3A_153 = tpu.memref_slice %arg13[%dma_wait3A_151, %dma_wait3A_152] : memref<10240x64xf32, #tpu.memory_space<vmem_shared>> -> memref<10240x64xf32, #tpu.memory_space<vmem_shared>>
        tpu.wait_indirect_dma semaphore(%run_scoped3A_141 : memref<!tpu.dma_semaphore, #tpu.memory_space<semaphore_mem>>) src(%arg8 : memref<80x64xf32, #tpu.memory_space<vmem>>) dst(%dma_wait3A_153 : memref<10240x64xf32, #tpu.memory_space<vmem_shared>>)
        tpu.yield
      }) : () -> ()
      %add3A_122 = arith.constant 2 : i32
      %add3A_123 = arith.addi %mul3A_107, %add3A_122 : i32
      %dma_start3A_124 = arith.constant 0 : i32
      %dma_start3A_125 = tpu.memref_slice %arg6[%add3A_123, %dma_start3A_124] : memref<125x80xi32, #tpu.memory_space<vmem>> -> memref<1x80xi32, #tpu.memory_space<vmem>>
      %dma_start3A_126 = tpu.memref_squeeze %dma_start3A_125 : memref<1x80xi32, #tpu.memory_space<vmem>> -> memref<80xi32, #tpu.memory_space<vmem>>
      %dma_start3A_127 = arith.constant 0 : i32
      %dma_start3A_128 = arith.constant 0 : i32
      %dma_start3A_129 = tpu.memref_slice %arg12[%dma_start3A_127, %dma_start3A_128] : memref<10240x64xf32, #tpu.memory_space<vmem_shared>> -> memref<10240x64xf32, #tpu.memory_space<vmem_shared>>
      tpu.enqueue_indirect_dma source(%dma_start3A_129 : memref<10240x64xf32, #tpu.memory_space<vmem_shared>>) target(%arg8 : memref<80x64xf32, #tpu.memory_space<vmem>>) offsets(%dma_start3A_126 : memref<80xi32, #tpu.memory_space<vmem>>) semaphore(%arg10 : memref<!tpu.dma_semaphore, #tpu.memory_space<semaphore_mem>>)
      %add3A_130 = arith.constant 1 : i32
      %add3A_131 = arith.addi %mul3A_107, %add3A_130 : i32
      %dma_wait3A_132 = arith.constant 0 : i32
      %dma_wait3A_133 = tpu.memref_slice %arg6[%add3A_131, %dma_wait3A_132] : memref<125x80xi32, #tpu.memory_space<vmem>> -> memref<1x80xi32, #tpu.memory_space<vmem>>
      %dma_wait3A_134 = tpu.memref_squeeze %dma_wait3A_133 : memref<1x80xi32, #tpu.memory_space<vmem>> -> memref<80xi32, #tpu.memory_space<vmem>>
      %dma_wait3A_135 = arith.constant 0 : i32
      %dma_wait3A_136 = arith.constant 0 : i32
      %dma_wait3A_137 = tpu.memref_slice %arg12[%dma_wait3A_135, %dma_wait3A_136] : memref<10240x64xf32, #tpu.memory_space<vmem_shared>> -> memref<10240x64xf32, #tpu.memory_space<vmem_shared>>
      tpu.wait_indirect_dma semaphore(%arg11 : memref<!tpu.dma_semaphore, #tpu.memory_space<semaphore_mem>>) src(%dma_wait3A_137 : memref<10240x64xf32, #tpu.memory_space<vmem_shared>>) dst(%arg9 : memref<80x64xf32, #tpu.memory_space<vmem>>)
      %add3A_138 = arith.constant 1 : i32
      %add3A_139 = arith.addi %mul3A_107, %add3A_138 : i32
      "tpu.region"() ({
        %run_scoped3A_141 = tpu.sem_alloc : memref<!tpu.dma_semaphore, #tpu.memory_space<semaphore_mem>>
        %dma_start3A_142 = arith.constant 0 : i32
        %dma_start3A_143 = tpu.memref_slice %arg7[%add3A_139, %dma_start3A_142] : memref<125x80xi32, #tpu.memory_space<vmem>> -> memref<1x80xi32, #tpu.memory_space<vmem>>
        %dma_start3A_144 = tpu.memref_squeeze %dma_start3A_143 : memref<1x80xi32, #tpu.memory_space<vmem>> -> memref<80xi32, #tpu.memory_space<vmem>>
        %dma_start3A_145 = arith.constant 0 : i32
        %dma_start3A_146 = arith.constant 0 : i32
        %dma_start3A_147 = tpu.memref_slice %arg13[%dma_start3A_145, %dma_start3A_146] : memref<10240x64xf32, #tpu.memory_space<vmem_shared>> -> memref<10240x64xf32, #tpu.memory_space<vmem_shared>>
        tpu.enqueue_indirect_dma source(%arg9 : memref<80x64xf32, #tpu.memory_space<vmem>>) target(%dma_start3A_147 : memref<10240x64xf32, #tpu.memory_space<vmem_shared>>) offsets(%dma_start3A_144 : memref<80xi32, #tpu.memory_space<vmem>>) semaphore(%run_scoped3A_141 : memref<!tpu.dma_semaphore, #tpu.memory_space<semaphore_mem>>) {add = true}
        %dma_wait3A_148 = arith.constant 0 : i32
        %dma_wait3A_149 = tpu.memref_slice %arg7[%add3A_139, %dma_wait3A_148] : memref<125x80xi32, #tpu.memory_space<vmem>> -> memref<1x80xi32, #tpu.memory_space<vmem>>
        %dma_wait3A_150 = tpu.memref_squeeze %dma_wait3A_149 : memref<1x80xi32, #tpu.memory_space<vmem>> -> memref<80xi32, #tpu.memory_space<vmem>>
        %dma_wait3A_151 = arith.constant 0 : i32
        %dma_wait3A_152 = arith.constant 0 : i32
        %dma_wait3A_153 = tpu.memref_slice %arg13[%dma_wait3A_151, %dma_wait3A_152] : memref<10240x64xf32, #tpu.memory_space<vmem_shared>> -> memref<10240x64xf32, #tpu.memory_space<vmem_shared>>
        tpu.wait_indirect_dma semaphore(%run_scoped3A_141 : memref<!tpu.dma_semaphore, #tpu.memory_space<semaphore_mem>>) src(%arg9 : memref<80x64xf32, #tpu.memory_space<vmem>>) dst(%dma_wait3A_153 : memref<10240x64xf32, #tpu.memory_space<vmem_shared>>)
        tpu.yield
      }) : () -> ()
      %scan3A_140 = arith.constant 0 : i32
      scf.yield %scan3A_140 : i32
    }
    %scan3A_40 = arith.constant 62 : i32
    %dma_wait3A = arith.constant 124 : i32
    %dma_wait3A_41 = arith.constant 0 : i32
    %dma_wait3A_42 = tpu.memref_slice %arg6[%dma_wait3A, %dma_wait3A_41] : memref<125x80xi32, #tpu.memory_space<vmem>> -> memref<1x80xi32, #tpu.memory_space<vmem>>
    %dma_wait3A_43 = tpu.memref_squeeze %dma_wait3A_42 : memref<1x80xi32, #tpu.memory_space<vmem>> -> memref<80xi32, #tpu.memory_space<vmem>>
    %dma_wait3A_44 = arith.constant 0 : i32
    %dma_wait3A_45 = arith.constant 0 : i32
    %dma_wait3A_46 = tpu.memref_slice %arg12[%dma_wait3A_44, %dma_wait3A_45] : memref<10240x64xf32, #tpu.memory_space<vmem_shared>> -> memref<10240x64xf32, #tpu.memory_space<vmem_shared>>
    tpu.wait_indirect_dma semaphore(%arg10 : memref<!tpu.dma_semaphore, #tpu.memory_space<semaphore_mem>>) src(%dma_wait3A_46 : memref<10240x64xf32, #tpu.memory_space<vmem_shared>>) dst(%arg8 : memref<80x64xf32, #tpu.memory_space<vmem>>)
    %run_scoped3A = arith.constant 124 : i32
    "tpu.region"() ({
      %run_scoped3A_104 = tpu.sem_alloc : memref<!tpu.dma_semaphore, #tpu.memory_space<semaphore_mem>>
      %dma_start3A_105 = arith.constant 0 : i32
      %dma_start3A_106 = tpu.memref_slice %arg7[%run_scoped3A, %dma_start3A_105] : memref<125x80xi32, #tpu.memory_space<vmem>> -> memref<1x80xi32, #tpu.memory_space<vmem>>
      %dma_start3A_107 = tpu.memref_squeeze %dma_start3A_106 : memref<1x80xi32, #tpu.memory_space<vmem>> -> memref<80xi32, #tpu.memory_space<vmem>>
      %dma_start3A_108 = arith.constant 0 : i32
      %dma_start3A_109 = arith.constant 0 : i32
      %dma_start3A_110 = tpu.memref_slice %arg13[%dma_start3A_108, %dma_start3A_109] : memref<10240x64xf32, #tpu.memory_space<vmem_shared>> -> memref<10240x64xf32, #tpu.memory_space<vmem_shared>>
      tpu.enqueue_indirect_dma source(%arg8 : memref<80x64xf32, #tpu.memory_space<vmem>>) target(%dma_start3A_110 : memref<10240x64xf32, #tpu.memory_space<vmem_shared>>) offsets(%dma_start3A_107 : memref<80xi32, #tpu.memory_space<vmem>>) semaphore(%run_scoped3A_104 : memref<!tpu.dma_semaphore, #tpu.memory_space<semaphore_mem>>) {add = true}
      %dma_wait3A_111 = arith.constant 0 : i32
      %dma_wait3A_112 = tpu.memref_slice %arg7[%run_scoped3A, %dma_wait3A_111] : memref<125x80xi32, #tpu.memory_space<vmem>> -> memref<1x80xi32, #tpu.memory_space<vmem>>
      %dma_wait3A_113 = tpu.memref_squeeze %dma_wait3A_112 : memref<1x80xi32, #tpu.memory_space<vmem>> -> memref<80xi32, #tpu.memory_space<vmem>>
      %dma_wait3A_114 = arith.constant 0 : i32
      %dma_wait3A_115 = arith.constant 0 : i32
      %dma_wait3A_116 = tpu.memref_slice %arg13[%dma_wait3A_114, %dma_wait3A_115] : memref<10240x64xf32, #tpu.memory_space<vmem_shared>> -> memref<10240x64xf32, #tpu.memory_space<vmem_shared>>
      tpu.wait_indirect_dma semaphore(%run_scoped3A_104 : memref<!tpu.dma_semaphore, #tpu.memory_space<semaphore_mem>>) src(%arg8 : memref<80x64xf32, #tpu.memory_space<vmem>>) dst(%dma_wait3A_116 : memref<10240x64xf32, #tpu.memory_space<vmem_shared>>)
      tpu.yield
    }) : () -> ()
    %barrier3A_47 = arith.constant 0 : index
    tpu.barrier barrier_id(%barrier3A_47)
    %add3A_48 = arith.addi %mul3A_2, %mul3A_11 : i32
    "tpu.region"() ({
      %run_scoped3A_104 = tpu.sem_alloc : memref<!tpu.dma_semaphore, #tpu.memory_space<semaphore_mem>>
      %dma_start3A_105 = arith.constant 0 : i32
      %dma_start3A_106 = tpu.memref_slice %arg5[%add3A_48, %dma_start3A_105] : memref<20480x128xf32, #tpu.memory_space<hbm>> -> memref<640x64xf32, #tpu.memory_space<hbm>>
      %dma_start3A_107 = arith.constant 0 : i32
      %dma_start3A_108 = tpu.memref_slice %arg13[%mul3A_11, %dma_start3A_107] : memref<10240x64xf32, #tpu.memory_space<vmem_shared>> -> memref<640x64xf32, #tpu.memory_space<vmem_shared>>
      tpu.enqueue_dma source(%dma_start3A_108 : memref<640x64xf32, #tpu.memory_space<vmem_shared>>) target(%dma_start3A_106 : memref<640x64xf32, #tpu.memory_space<hbm>>) target_semaphore(%run_scoped3A_104 : memref<!tpu.dma_semaphore, #tpu.memory_space<semaphore_mem>>)
      %dma_wait3A_109 = arith.constant 0 : i32
      %dma_wait3A_110 = tpu.memref_slice %arg5[%add3A_48, %dma_wait3A_109] : memref<20480x128xf32, #tpu.memory_space<hbm>> -> memref<640x64xf32, #tpu.memory_space<hbm>>
      %dma_wait3A_111 = arith.constant 0 : i32
      %dma_wait3A_112 = tpu.memref_slice %arg13[%mul3A_11, %dma_wait3A_111] : memref<10240x64xf32, #tpu.memory_space<vmem_shared>> -> memref<640x64xf32, #tpu.memory_space<vmem_shared>>
      tpu.wait_dma2 semaphore(%run_scoped3A_104 : memref<!tpu.dma_semaphore, #tpu.memory_space<semaphore_mem>>) src(%dma_wait3A_112 : memref<640x64xf32, #tpu.memory_space<vmem_shared>>) dst(%dma_wait3A_110 : memref<640x64xf32, #tpu.memory_space<hbm>>)
      tpu.yield
    }) : () -> ()
    %barrier3A_49 = arith.constant 0 : index
    tpu.barrier barrier_id(%barrier3A_49)
    %mul3A_50 = arith.constant 10240 : i32
    %mul3A_51 = arith.muli %arg0, %mul3A_50 : i32
    %broadcast_in_dim3A_52 = arith.constant 0.000000e+00 : f32
    %broadcast_in_dim3A_53 = vector.broadcast %broadcast_in_dim3A_52 : f32 to vector<16xf32>
    %scan3A_54 = arith.constant 0 : i32
    %scan3A_55 = arith.constant 0 : i32
    %scan3A_56 = arith.constant 80 : i32
    %scan3A_57 = arith.addi %scan3A_55, %scan3A_56 : i32
    %scan3A_58 = arith.constant 1 : i32
    %scan3A_59 = scf.for %scan3A_104 = %scan3A_55 to %scan3A_57 step %scan3A_58 iter_args(%scan3A_105 = %scan3A_54) -> (i32)  : i32 {
      %swap3A = arith.index_cast %scan3A_104 : i32 to index
      %swap3A_106 = arith.constant 0 : index
      %swap3A_107 = tpu.vector_load %arg8[%swap3A, %swap3A_106] {strides = array<i32>} : memref<80x64xf32, #tpu.memory_space<vmem>>, vector<1x16xf32>,
      %swap3A_108 = vector.shape_cast %swap3A_107 : vector<1x16xf32> to vector<16xf32>
      %swap3A_109 = vector.shape_cast %broadcast_in_dim3A_53 : vector<16xf32> to vector<1x16xf32>
      tpu.vector_store %arg8[%swap3A, %swap3A_106], %swap3A_109 {strides = array<i32>} : memref<80x64xf32, #tpu.memory_space<vmem>>, vector<1x16xf32>,
      %swap3A_110 = arith.index_cast %scan3A_104 : i32 to index
      %swap3A_111 = arith.constant 16 : index
      %swap3A_112 = tpu.vector_load %arg8[%swap3A_110, %swap3A_111] {strides = array<i32>} : memref<80x64xf32, #tpu.memory_space<vmem>>, vector<1x16xf32>,
      %swap3A_113 = vector.shape_cast %swap3A_112 : vector<1x16xf32> to vector<16xf32>
      %swap3A_114 = vector.shape_cast %broadcast_in_dim3A_53 : vector<16xf32> to vector<1x16xf32>
      tpu.vector_store %arg8[%swap3A_110, %swap3A_111], %swap3A_114 {strides = array<i32>} : memref<80x64xf32, #tpu.memory_space<vmem>>, vector<1x16xf32>,
      %swap3A_115 = arith.index_cast %scan3A_104 : i32 to index
      %swap3A_116 = arith.constant 32 : index
      %swap3A_117 = tpu.vector_load %arg8[%swap3A_115, %swap3A_116] {strides = array<i32>} : memref<80x64xf32, #tpu.memory_space<vmem>>, vector<1x16xf32>,
      %swap3A_118 = vector.shape_cast %swap3A_117 : vector<1x16xf32> to vector<16xf32>
      %swap3A_119 = vector.shape_cast %broadcast_in_dim3A_53 : vector<16xf32> to vector<1x16xf32>
      tpu.vector_store %arg8[%swap3A_115, %swap3A_116], %swap3A_119 {strides = array<i32>} : memref<80x64xf32, #tpu.memory_space<vmem>>, vector<1x16xf32>,
      %swap3A_120 = arith.index_cast %scan3A_104 : i32 to index
      %swap3A_121 = arith.constant 48 : index
      %swap3A_122 = tpu.vector_load %arg8[%swap3A_120, %swap3A_121] {strides = array<i32>} : memref<80x64xf32, #tpu.memory_space<vmem>>, vector<1x16xf32>,
      %swap3A_123 = vector.shape_cast %swap3A_122 : vector<1x16xf32> to vector<16xf32>
      %swap3A_124 = vector.shape_cast %broadcast_in_dim3A_53 : vector<16xf32> to vector<1x16xf32>
      tpu.vector_store %arg8[%swap3A_120, %swap3A_121], %swap3A_124 {strides = array<i32>} : memref<80x64xf32, #tpu.memory_space<vmem>>, vector<1x16xf32>,
      %scan3A_125 = arith.constant 0 : i32
      scf.yield %scan3A_125 : i32
    }
    %scan3A_60 = arith.constant 80 : i32
    %mul3A_61 = arith.constant 640 : i32
    %mul3A_62 = arith.muli %arg1, %mul3A_61 : i32
    %add3A_63 = arith.constant 0 : i32
    %add3A_64 = arith.addi %mul3A_62, %add3A_63 : i32
    "tpu.region"() ({
      %run_scoped3A_104 = tpu.sem_alloc : memref<!tpu.dma_semaphore, #tpu.memory_space<semaphore_mem>>
      %dma_start3A_105 = arith.constant 0 : i32
      %dma_start3A_106 = tpu.memref_slice %arg13[%add3A_64, %dma_start3A_105] : memref<10240x64xf32, #tpu.memory_space<vmem_shared>> -> memref<80x64xf32, #tpu.memory_space<vmem_shared>>
      %dma_start3A_107 = arith.constant 0 : i32
      %dma_start3A_108 = tpu.memref_slice %arg13[%add3A_64, %dma_start3A_107] : memref<10240x64xf32, #tpu.memory_space<vmem_shared>> -> memref<80x64xf32, #tpu.memory_space<vmem_shared>>
      tpu.enqueue_dma source(%arg8 : memref<80x64xf32, #tpu.memory_space<vmem>>) target(%dma_start3A_108 : memref<80x64xf32, #tpu.memory_space<vmem_shared>>) target_semaphore(%run_scoped3A_104 : memref<!tpu.dma_semaphore, #tpu.memory_space<semaphore_mem>>)
      %dma_wait3A_109 = arith.constant 0 : i32
      %dma_wait3A_110 = tpu.memref_slice %arg13[%add3A_64, %dma_wait3A_109] : memref<10240x64xf32, #tpu.memory_space<vmem_shared>> -> memref<80x64xf32, #tpu.memory_space<vmem_shared>>
      %dma_wait3A_111 = arith.constant 0 : i32
      %dma_wait3A_112 = tpu.memref_slice %arg13[%add3A_64, %dma_wait3A_111] : memref<10240x64xf32, #tpu.memory_space<vmem_shared>> -> memref<80x64xf32, #tpu.memory_space<vmem_shared>>
      tpu.wait_dma2 semaphore(%run_scoped3A_104 : memref<!tpu.dma_semaphore, #tpu.memory_space<semaphore_mem>>) src(%arg8 : memref<80x64xf32, #tpu.memory_space<vmem>>) dst(%dma_wait3A_112 : memref<80x64xf32, #tpu.memory_space<vmem_shared>>)
      tpu.yield
    }) : () -> ()
    %add3A_65 = arith.constant 80 : i32
    %add3A_66 = arith.addi %mul3A_62, %add3A_65 : i32
    "tpu.region"() ({
      %run_scoped3A_104 = tpu.sem_alloc : memref<!tpu.dma_semaphore, #tpu.memory_space<semaphore_mem>>
      %dma_start3A_105 = arith.constant 0 : i32
      %dma_start3A_106 = tpu.memref_slice %arg13[%add3A_66, %dma_start3A_105] : memref<10240x64xf32, #tpu.memory_space<vmem_shared>> -> memref<80x64xf32, #tpu.memory_space<vmem_shared>>
      %dma_start3A_107 = arith.constant 0 : i32
      %dma_start3A_108 = tpu.memref_slice %arg13[%add3A_66, %dma_start3A_107] : memref<10240x64xf32, #tpu.memory_space<vmem_shared>> -> memref<80x64xf32, #tpu.memory_space<vmem_shared>>
      tpu.enqueue_dma source(%arg8 : memref<80x64xf32, #tpu.memory_space<vmem>>) target(%dma_start3A_108 : memref<80x64xf32, #tpu.memory_space<vmem_shared>>) target_semaphore(%run_scoped3A_104 : memref<!tpu.dma_semaphore, #tpu.memory_space<semaphore_mem>>)
      %dma_wait3A_109 = arith.constant 0 : i32
      %dma_wait3A_110 = tpu.memref_slice %arg13[%add3A_66, %dma_wait3A_109] : memref<10240x64xf32, #tpu.memory_space<vmem_shared>> -> memref<80x64xf32, #tpu.memory_space<vmem_shared>>
      %dma_wait3A_111 = arith.constant 0 : i32
      %dma_wait3A_112 = tpu.memref_slice %arg13[%add3A_66, %dma_wait3A_111] : memref<10240x64xf32, #tpu.memory_space<vmem_shared>> -> memref<80x64xf32, #tpu.memory_space<vmem_shared>>
      tpu.wait_dma2 semaphore(%run_scoped3A_104 : memref<!tpu.dma_semaphore, #tpu.memory_space<semaphore_mem>>) src(%arg8 : memref<80x64xf32, #tpu.memory_space<vmem>>) dst(%dma_wait3A_112 : memref<80x64xf32, #tpu.memory_space<vmem_shared>>)
      tpu.yield
    }) : () -> ()
    %add3A_67 = arith.constant 160 : i32
    %add3A_68 = arith.addi %mul3A_62, %add3A_67 : i32
    "tpu.region"() ({
      %run_scoped3A_104 = tpu.sem_alloc : memref<!tpu.dma_semaphore, #tpu.memory_space<semaphore_mem>>
      %dma_start3A_105 = arith.constant 0 : i32
      %dma_start3A_106 = tpu.memref_slice %arg13[%add3A_68, %dma_start3A_105] : memref<10240x64xf32, #tpu.memory_space<vmem_shared>> -> memref<80x64xf32, #tpu.memory_space<vmem_shared>>
      %dma_start3A_107 = arith.constant 0 : i32
      %dma_start3A_108 = tpu.memref_slice %arg13[%add3A_68, %dma_start3A_107] : memref<10240x64xf32, #tpu.memory_space<vmem_shared>> -> memref<80x64xf32, #tpu.memory_space<vmem_shared>>
      tpu.enqueue_dma source(%arg8 : memref<80x64xf32, #tpu.memory_space<vmem>>) target(%dma_start3A_108 : memref<80x64xf32, #tpu.memory_space<vmem_shared>>) target_semaphore(%run_scoped3A_104 : memref<!tpu.dma_semaphore, #tpu.memory_space<semaphore_mem>>)
      %dma_wait3A_109 = arith.constant 0 : i32
      %dma_wait3A_110 = tpu.memref_slice %arg13[%add3A_68, %dma_wait3A_109] : memref<10240x64xf32, #tpu.memory_space<vmem_shared>> -> memref<80x64xf32, #tpu.memory_space<vmem_shared>>
      %dma_wait3A_111 = arith.constant 0 : i32
      %dma_wait3A_112 = tpu.memref_slice %arg13[%add3A_68, %dma_wait3A_111] : memref<10240x64xf32, #tpu.memory_space<vmem_shared>> -> memref<80x64xf32, #tpu.memory_space<vmem_shared>>
      tpu.wait_dma2 semaphore(%run_scoped3A_104 : memref<!tpu.dma_semaphore, #tpu.memory_space<semaphore_mem>>) src(%arg8 : memref<80x64xf32, #tpu.memory_space<vmem>>) dst(%dma_wait3A_112 : memref<80x64xf32, #tpu.memory_space<vmem_shared>>)
      tpu.yield
    }) : () -> ()
    %add3A_69 = arith.constant 240 : i32
    %add3A_70 = arith.addi %mul3A_62, %add3A_69 : i32
    "tpu.region"() ({
      %run_scoped3A_104 = tpu.sem_alloc : memref<!tpu.dma_semaphore, #tpu.memory_space<semaphore_mem>>
      %dma_start3A_105 = arith.constant 0 : i32
      %dma_start3A_106 = tpu.memref_slice %arg13[%add3A_70, %dma_start3A_105] : memref<10240x64xf32, #tpu.memory_space<vmem_shared>> -> memref<80x64xf32, #tpu.memory_space<vmem_shared>>
      %dma_start3A_107 = arith.constant 0 : i32
      %dma_start3A_108 = tpu.memref_slice %arg13[%add3A_70, %dma_start3A_107] : memref<10240x64xf32, #tpu.memory_space<vmem_shared>> -> memref<80x64xf32, #tpu.memory_space<vmem_shared>>
      tpu.enqueue_dma source(%arg8 : memref<80x64xf32, #tpu.memory_space<vmem>>) target(%dma_start3A_108 : memref<80x64xf32, #tpu.memory_space<vmem_shared>>) target_semaphore(%run_scoped3A_104 : memref<!tpu.dma_semaphore, #tpu.memory_space<semaphore_mem>>)
      %dma_wait3A_109 = arith.constant 0 : i32
      %dma_wait3A_110 = tpu.memref_slice %arg13[%add3A_70, %dma_wait3A_109] : memref<10240x64xf32, #tpu.memory_space<vmem_shared>> -> memref<80x64xf32, #tpu.memory_space<vmem_shared>>
      %dma_wait3A_111 = arith.constant 0 : i32
      %dma_wait3A_112 = tpu.memref_slice %arg13[%add3A_70, %dma_wait3A_111] : memref<10240x64xf32, #tpu.memory_space<vmem_shared>> -> memref<80x64xf32, #tpu.memory_space<vmem_shared>>
      tpu.wait_dma2 semaphore(%run_scoped3A_104 : memref<!tpu.dma_semaphore, #tpu.memory_space<semaphore_mem>>) src(%arg8 : memref<80x64xf32, #tpu.memory_space<vmem>>) dst(%dma_wait3A_112 : memref<80x64xf32, #tpu.memory_space<vmem_shared>>)
      tpu.yield
    }) : () -> ()
    %add3A_71 = arith.constant 320 : i32
    %add3A_72 = arith.addi %mul3A_62, %add3A_71 : i32
    "tpu.region"() ({
      %run_scoped3A_104 = tpu.sem_alloc : memref<!tpu.dma_semaphore, #tpu.memory_space<semaphore_mem>>
      %dma_start3A_105 = arith.constant 0 : i32
      %dma_start3A_106 = tpu.memref_slice %arg13[%add3A_72, %dma_start3A_105] : memref<10240x64xf32, #tpu.memory_space<vmem_shared>> -> memref<80x64xf32, #tpu.memory_space<vmem_shared>>
      %dma_start3A_107 = arith.constant 0 : i32
      %dma_start3A_108 = tpu.memref_slice %arg13[%add3A_72, %dma_start3A_107] : memref<10240x64xf32, #tpu.memory_space<vmem_shared>> -> memref<80x64xf32, #tpu.memory_space<vmem_shared>>
      tpu.enqueue_dma source(%arg8 : memref<80x64xf32, #tpu.memory_space<vmem>>) target(%dma_start3A_108 : memref<80x64xf32, #tpu.memory_space<vmem_shared>>) target_semaphore(%run_scoped3A_104 : memref<!tpu.dma_semaphore, #tpu.memory_space<semaphore_mem>>)
      %dma_wait3A_109 = arith.constant 0 : i32
      %dma_wait3A_110 = tpu.memref_slice %arg13[%add3A_72, %dma_wait3A_109] : memref<10240x64xf32, #tpu.memory_space<vmem_shared>> -> memref<80x64xf32, #tpu.memory_space<vmem_shared>>
      %dma_wait3A_111 = arith.constant 0 : i32
      %dma_wait3A_112 = tpu.memref_slice %arg13[%add3A_72, %dma_wait3A_111] : memref<10240x64xf32, #tpu.memory_space<vmem_shared>> -> memref<80x64xf32, #tpu.memory_space<vmem_shared>>
      tpu.wait_dma2 semaphore(%run_scoped3A_104 : memref<!tpu.dma_semaphore, #tpu.memory_space<semaphore_mem>>) src(%arg8 : memref<80x64xf32, #tpu.memory_space<vmem>>) dst(%dma_wait3A_112 : memref<80x64xf32, #tpu.memory_space<vmem_shared>>)
      tpu.yield
    }) : () -> ()
    %add3A_73 = arith.constant 400 : i32
    %add3A_74 = arith.addi %mul3A_62, %add3A_73 : i32
    "tpu.region"() ({
      %run_scoped3A_104 = tpu.sem_alloc : memref<!tpu.dma_semaphore, #tpu.memory_space<semaphore_mem>>
      %dma_start3A_105 = arith.constant 0 : i32
      %dma_start3A_106 = tpu.memref_slice %arg13[%add3A_74, %dma_start3A_105] : memref<10240x64xf32, #tpu.memory_space<vmem_shared>> -> memref<80x64xf32, #tpu.memory_space<vmem_shared>>
      %dma_start3A_107 = arith.constant 0 : i32
      %dma_start3A_108 = tpu.memref_slice %arg13[%add3A_74, %dma_start3A_107] : memref<10240x64xf32, #tpu.memory_space<vmem_shared>> -> memref<80x64xf32, #tpu.memory_space<vmem_shared>>
      tpu.enqueue_dma source(%arg8 : memref<80x64xf32, #tpu.memory_space<vmem>>) target(%dma_start3A_108 : memref<80x64xf32, #tpu.memory_space<vmem_shared>>) target_semaphore(%run_scoped3A_104 : memref<!tpu.dma_semaphore, #tpu.memory_space<semaphore_mem>>)
      %dma_wait3A_109 = arith.constant 0 : i32
      %dma_wait3A_110 = tpu.memref_slice %arg13[%add3A_74, %dma_wait3A_109] : memref<10240x64xf32, #tpu.memory_space<vmem_shared>> -> memref<80x64xf32, #tpu.memory_space<vmem_shared>>
      %dma_wait3A_111 = arith.constant 0 : i32
      %dma_wait3A_112 = tpu.memref_slice %arg13[%add3A_74, %dma_wait3A_111] : memref<10240x64xf32, #tpu.memory_space<vmem_shared>> -> memref<80x64xf32, #tpu.memory_space<vmem_shared>>
      tpu.wait_dma2 semaphore(%run_scoped3A_104 : memref<!tpu.dma_semaphore, #tpu.memory_space<semaphore_mem>>) src(%arg8 : memref<80x64xf32, #tpu.memory_space<vmem>>) dst(%dma_wait3A_112 : memref<80x64xf32, #tpu.memory_space<vmem_shared>>)
      tpu.yield
    }) : () -> ()
    %add3A_75 = arith.constant 480 : i32
    %add3A_76 = arith.addi %mul3A_62, %add3A_75 : i32
    "tpu.region"() ({
      %run_scoped3A_104 = tpu.sem_alloc : memref<!tpu.dma_semaphore, #tpu.memory_space<semaphore_mem>>
      %dma_start3A_105 = arith.constant 0 : i32
      %dma_start3A_106 = tpu.memref_slice %arg13[%add3A_76, %dma_start3A_105] : memref<10240x64xf32, #tpu.memory_space<vmem_shared>> -> memref<80x64xf32, #tpu.memory_space<vmem_shared>>
      %dma_start3A_107 = arith.constant 0 : i32
      %dma_start3A_108 = tpu.memref_slice %arg13[%add3A_76, %dma_start3A_107] : memref<10240x64xf32, #tpu.memory_space<vmem_shared>> -> memref<80x64xf32, #tpu.memory_space<vmem_shared>>
      tpu.enqueue_dma source(%arg8 : memref<80x64xf32, #tpu.memory_space<vmem>>) target(%dma_start3A_108 : memref<80x64xf32, #tpu.memory_space<vmem_shared>>) target_semaphore(%run_scoped3A_104 : memref<!tpu.dma_semaphore, #tpu.memory_space<semaphore_mem>>)
      %dma_wait3A_109 = arith.constant 0 : i32
      %dma_wait3A_110 = tpu.memref_slice %arg13[%add3A_76, %dma_wait3A_109] : memref<10240x64xf32, #tpu.memory_space<vmem_shared>> -> memref<80x64xf32, #tpu.memory_space<vmem_shared>>
      %dma_wait3A_111 = arith.constant 0 : i32
      %dma_wait3A_112 = tpu.memref_slice %arg13[%add3A_76, %dma_wait3A_111] : memref<10240x64xf32, #tpu.memory_space<vmem_shared>> -> memref<80x64xf32, #tpu.memory_space<vmem_shared>>
      tpu.wait_dma2 semaphore(%run_scoped3A_104 : memref<!tpu.dma_semaphore, #tpu.memory_space<semaphore_mem>>) src(%arg8 : memref<80x64xf32, #tpu.memory_space<vmem>>) dst(%dma_wait3A_112 : memref<80x64xf32, #tpu.memory_space<vmem_shared>>)
      tpu.yield
    }) : () -> ()
    %add3A_77 = arith.constant 560 : i32
    %add3A_78 = arith.addi %mul3A_62, %add3A_77 : i32
    "tpu.region"() ({
      %run_scoped3A_104 = tpu.sem_alloc : memref<!tpu.dma_semaphore, #tpu.memory_space<semaphore_mem>>
      %dma_start3A_105 = arith.constant 0 : i32
      %dma_start3A_106 = tpu.memref_slice %arg13[%add3A_78, %dma_start3A_105] : memref<10240x64xf32, #tpu.memory_space<vmem_shared>> -> memref<80x64xf32, #tpu.memory_space<vmem_shared>>
      %dma_start3A_107 = arith.constant 0 : i32
      %dma_start3A_108 = tpu.memref_slice %arg13[%add3A_78, %dma_start3A_107] : memref<10240x64xf32, #tpu.memory_space<vmem_shared>> -> memref<80x64xf32, #tpu.memory_space<vmem_shared>>
      tpu.enqueue_dma source(%arg8 : memref<80x64xf32, #tpu.memory_space<vmem>>) target(%dma_start3A_108 : memref<80x64xf32, #tpu.memory_space<vmem_shared>>) target_semaphore(%run_scoped3A_104 : memref<!tpu.dma_semaphore, #tpu.memory_space<semaphore_mem>>)
      %dma_wait3A_109 = arith.constant 0 : i32
      %dma_wait3A_110 = tpu.memref_slice %arg13[%add3A_78, %dma_wait3A_109] : memref<10240x64xf32, #tpu.memory_space<vmem_shared>> -> memref<80x64xf32, #tpu.memory_space<vmem_shared>>
      %dma_wait3A_111 = arith.constant 0 : i32
      %dma_wait3A_112 = tpu.memref_slice %arg13[%add3A_78, %dma_wait3A_111] : memref<10240x64xf32, #tpu.memory_space<vmem_shared>> -> memref<80x64xf32, #tpu.memory_space<vmem_shared>>
      tpu.wait_dma2 semaphore(%run_scoped3A_104 : memref<!tpu.dma_semaphore, #tpu.memory_space<semaphore_mem>>) src(%arg8 : memref<80x64xf32, #tpu.memory_space<vmem>>) dst(%dma_wait3A_112 : memref<80x64xf32, #tpu.memory_space<vmem_shared>>)
      tpu.yield
    }) : () -> ()
    "tpu.region"() ({
      %run_scoped3A_104 = tpu.sem_alloc : memref<!tpu.dma_semaphore, #tpu.memory_space<semaphore_mem>>
      %dma_start3A_105 = arith.constant 0 : i32
      %dma_start3A_106 = tpu.memref_slice %arg12[%mul3A_62, %dma_start3A_105] : memref<10240x64xf32, #tpu.memory_space<vmem_shared>> -> memref<640x64xf32, #tpu.memory_space<vmem_shared>>
      %dma_start3A_107 = arith.constant 64 : i32
      %dma_start3A_108 = tpu.memref_slice %arg2[%mul3A_62, %dma_start3A_107] : memref<10240x128xf32, #tpu.memory_space<hbm>> -> memref<640x64xf32, #tpu.memory_space<hbm>>
      tpu.enqueue_dma source(%dma_start3A_108 : memref<640x64xf32, #tpu.memory_space<hbm>>) target(%dma_start3A_106 : memref<640x64xf32, #tpu.memory_space<vmem_shared>>) target_semaphore(%run_scoped3A_104 : memref<!tpu.dma_semaphore, #tpu.memory_space<semaphore_mem>>)
      %dma_wait3A_109 = arith.constant 0 : i32
      %dma_wait3A_110 = tpu.memref_slice %arg12[%mul3A_62, %dma_wait3A_109] : memref<10240x64xf32, #tpu.memory_space<vmem_shared>> -> memref<640x64xf32, #tpu.memory_space<vmem_shared>>
      %dma_wait3A_111 = arith.constant 64 : i32
      %dma_wait3A_112 = tpu.memref_slice %arg2[%mul3A_62, %dma_wait3A_111] : memref<10240x128xf32, #tpu.memory_space<hbm>> -> memref<640x64xf32, #tpu.memory_space<hbm>>
      tpu.wait_dma2 semaphore(%run_scoped3A_104 : memref<!tpu.dma_semaphore, #tpu.memory_space<semaphore_mem>>) src(%dma_wait3A_112 : memref<640x64xf32, #tpu.memory_space<hbm>>) dst(%dma_wait3A_110 : memref<640x64xf32, #tpu.memory_space<vmem_shared>>)
      tpu.yield
    }) : () -> ()
    %barrier3A_79 = arith.constant 0 : index
    tpu.barrier barrier_id(%barrier3A_79)
    %dma_start3A_80 = arith.constant 0 : i32
    %dma_start3A_81 = arith.constant 0 : i32
    %dma_start3A_82 = tpu.memref_slice %arg6[%dma_start3A_80, %dma_start3A_81] : memref<125x80xi32, #tpu.memory_space<vmem>> -> memref<1x80xi32, #tpu.memory_space<vmem>>
    %dma_start3A_83 = tpu.memref_squeeze %dma_start3A_82 : memref<1x80xi32, #tpu.memory_space<vmem>> -> memref<80xi32, #tpu.memory_space<vmem>>
    %dma_start3A_84 = arith.constant 0 : i32
    %dma_start3A_85 = arith.constant 0 : i32
    %dma_start3A_86 = tpu.memref_slice %arg12[%dma_start3A_84, %dma_start3A_85] : memref<10240x64xf32, #tpu.memory_space<vmem_shared>> -> memref<10240x64xf32, #tpu.memory_space<vmem_shared>>
    tpu.enqueue_indirect_dma source(%dma_start3A_86 : memref<10240x64xf32, #tpu.memory_space<vmem_shared>>) target(%arg8 : memref<80x64xf32, #tpu.memory_space<vmem>>) offsets(%dma_start3A_83 : memref<80xi32, #tpu.memory_space<vmem>>) semaphore(%arg10 : memref<!tpu.dma_semaphore, #tpu.memory_space<semaphore_mem>>)
    %scan3A_87 = arith.constant 0 : i32
    %scan3A_88 = arith.constant 0 : i32
    %scan3A_89 = arith.constant 62 : i32
    %scan3A_90 = arith.addi %scan3A_88, %scan3A_89 : i32
    %scan3A_91 = arith.constant 1 : i32
    %scan3A_92 = scf.for %scan3A_104 = %scan3A_88 to %scan3A_90 step %scan3A_91 iter_args(%scan3A_105 = %scan3A_87) -> (i32)  : i32 {
      %mul3A_106 = arith.constant 2 : i32
      %mul3A_107 = arith.muli %mul3A_106, %scan3A_104 : i32
      %add3A_108 = arith.constant 1 : i32
      %add3A_109 = arith.addi %mul3A_107, %add3A_108 : i32
      %dma_start3A_110 = arith.constant 0 : i32
      %dma_start3A_111 = tpu.memref_slice %arg6[%add3A_109, %dma_start3A_110] : memref<125x80xi32, #tpu.memory_space<vmem>> -> memref<1x80xi32, #tpu.memory_space<vmem>>
      %dma_start3A_112 = tpu.memref_squeeze %dma_start3A_111 : memref<1x80xi32, #tpu.memory_space<vmem>> -> memref<80xi32, #tpu.memory_space<vmem>>
      %dma_start3A_113 = arith.constant 0 : i32
      %dma_start3A_114 = arith.constant 0 : i32
      %dma_start3A_115 = tpu.memref_slice %arg12[%dma_start3A_113, %dma_start3A_114] : memref<10240x64xf32, #tpu.memory_space<vmem_shared>> -> memref<10240x64xf32, #tpu.memory_space<vmem_shared>>
      tpu.enqueue_indirect_dma source(%dma_start3A_115 : memref<10240x64xf32, #tpu.memory_space<vmem_shared>>) target(%arg9 : memref<80x64xf32, #tpu.memory_space<vmem>>) offsets(%dma_start3A_112 : memref<80xi32, #tpu.memory_space<vmem>>) semaphore(%arg11 : memref<!tpu.dma_semaphore, #tpu.memory_space<semaphore_mem>>)
      %dma_wait3A_116 = arith.constant 0 : i32
      %dma_wait3A_117 = tpu.memref_slice %arg6[%mul3A_107, %dma_wait3A_116] : memref<125x80xi32, #tpu.memory_space<vmem>> -> memref<1x80xi32, #tpu.memory_space<vmem>>
      %dma_wait3A_118 = tpu.memref_squeeze %dma_wait3A_117 : memref<1x80xi32, #tpu.memory_space<vmem>> -> memref<80xi32, #tpu.memory_space<vmem>>
      %dma_wait3A_119 = arith.constant 0 : i32
      %dma_wait3A_120 = arith.constant 0 : i32
      %dma_wait3A_121 = tpu.memref_slice %arg12[%dma_wait3A_119, %dma_wait3A_120] : memref<10240x64xf32, #tpu.memory_space<vmem_shared>> -> memref<10240x64xf32, #tpu.memory_space<vmem_shared>>
      tpu.wait_indirect_dma semaphore(%arg10 : memref<!tpu.dma_semaphore, #tpu.memory_space<semaphore_mem>>) src(%dma_wait3A_121 : memref<10240x64xf32, #tpu.memory_space<vmem_shared>>) dst(%arg8 : memref<80x64xf32, #tpu.memory_space<vmem>>)
      "tpu.region"() ({
        %run_scoped3A_141 = tpu.sem_alloc : memref<!tpu.dma_semaphore, #tpu.memory_space<semaphore_mem>>
        %dma_start3A_142 = arith.constant 0 : i32
        %dma_start3A_143 = tpu.memref_slice %arg7[%mul3A_107, %dma_start3A_142] : memref<125x80xi32, #tpu.memory_space<vmem>> -> memref<1x80xi32, #tpu.memory_space<vmem>>
        %dma_start3A_144 = tpu.memref_squeeze %dma_start3A_143 : memref<1x80xi32, #tpu.memory_space<vmem>> -> memref<80xi32, #tpu.memory_space<vmem>>
        %dma_start3A_145 = arith.constant 0 : i32
        %dma_start3A_146 = arith.constant 0 : i32
        %dma_start3A_147 = tpu.memref_slice %arg13[%dma_start3A_145, %dma_start3A_146] : memref<10240x64xf32, #tpu.memory_space<vmem_shared>> -> memref<10240x64xf32, #tpu.memory_space<vmem_shared>>
        tpu.enqueue_indirect_dma source(%arg8 : memref<80x64xf32, #tpu.memory_space<vmem>>) target(%dma_start3A_147 : memref<10240x64xf32, #tpu.memory_space<vmem_shared>>) offsets(%dma_start3A_144 : memref<80xi32, #tpu.memory_space<vmem>>) semaphore(%run_scoped3A_141 : memref<!tpu.dma_semaphore, #tpu.memory_space<semaphore_mem>>) {add = true}
        %dma_wait3A_148 = arith.constant 0 : i32
        %dma_wait3A_149 = tpu.memref_slice %arg7[%mul3A_107, %dma_wait3A_148] : memref<125x80xi32, #tpu.memory_space<vmem>> -> memref<1x80xi32, #tpu.memory_space<vmem>>
        %dma_wait3A_150 = tpu.memref_squeeze %dma_wait3A_149 : memref<1x80xi32, #tpu.memory_space<vmem>> -> memref<80xi32, #tpu.memory_space<vmem>>
        %dma_wait3A_151 = arith.constant 0 : i32
        %dma_wait3A_152 = arith.constant 0 : i32
        %dma_wait3A_153 = tpu.memref_slice %arg13[%dma_wait3A_151, %dma_wait3A_152] : memref<10240x64xf32, #tpu.memory_space<vmem_shared>> -> memref<10240x64xf32, #tpu.memory_space<vmem_shared>>
        tpu.wait_indirect_dma semaphore(%run_scoped3A_141 : memref<!tpu.dma_semaphore, #tpu.memory_space<semaphore_mem>>) src(%arg8 : memref<80x64xf32, #tpu.memory_space<vmem>>) dst(%dma_wait3A_153 : memref<10240x64xf32, #tpu.memory_space<vmem_shared>>)
        tpu.yield
      }) : () -> ()
      %add3A_122 = arith.constant 2 : i32
      %add3A_123 = arith.addi %mul3A_107, %add3A_122 : i32
      %dma_start3A_124 = arith.constant 0 : i32
      %dma_start3A_125 = tpu.memref_slice %arg6[%add3A_123, %dma_start3A_124] : memref<125x80xi32, #tpu.memory_space<vmem>> -> memref<1x80xi32, #tpu.memory_space<vmem>>
      %dma_start3A_126 = tpu.memref_squeeze %dma_start3A_125 : memref<1x80xi32, #tpu.memory_space<vmem>> -> memref<80xi32, #tpu.memory_space<vmem>>
      %dma_start3A_127 = arith.constant 0 : i32
      %dma_start3A_128 = arith.constant 0 : i32
      %dma_start3A_129 = tpu.memref_slice %arg12[%dma_start3A_127, %dma_start3A_128] : memref<10240x64xf32, #tpu.memory_space<vmem_shared>> -> memref<10240x64xf32, #tpu.memory_space<vmem_shared>>
      tpu.enqueue_indirect_dma source(%dma_start3A_129 : memref<10240x64xf32, #tpu.memory_space<vmem_shared>>) target(%arg8 : memref<80x64xf32, #tpu.memory_space<vmem>>) offsets(%dma_start3A_126 : memref<80xi32, #tpu.memory_space<vmem>>) semaphore(%arg10 : memref<!tpu.dma_semaphore, #tpu.memory_space<semaphore_mem>>)
      %add3A_130 = arith.constant 1 : i32
      %add3A_131 = arith.addi %mul3A_107, %add3A_130 : i32
      %dma_wait3A_132 = arith.constant 0 : i32
      %dma_wait3A_133 = tpu.memref_slice %arg6[%add3A_131, %dma_wait3A_132] : memref<125x80xi32, #tpu.memory_space<vmem>> -> memref<1x80xi32, #tpu.memory_space<vmem>>
      %dma_wait3A_134 = tpu.memref_squeeze %dma_wait3A_133 : memref<1x80xi32, #tpu.memory_space<vmem>> -> memref<80xi32, #tpu.memory_space<vmem>>
      %dma_wait3A_135 = arith.constant 0 : i32
      %dma_wait3A_136 = arith.constant 0 : i32
      %dma_wait3A_137 = tpu.memref_slice %arg12[%dma_wait3A_135, %dma_wait3A_136] : memref<10240x64xf32, #tpu.memory_space<vmem_shared>> -> memref<10240x64xf32, #tpu.memory_space<vmem_shared>>
      tpu.wait_indirect_dma semaphore(%arg11 : memref<!tpu.dma_semaphore, #tpu.memory_space<semaphore_mem>>) src(%dma_wait3A_137 : memref<10240x64xf32, #tpu.memory_space<vmem_shared>>) dst(%arg9 : memref<80x64xf32, #tpu.memory_space<vmem>>)
      %add3A_138 = arith.constant 1 : i32
      %add3A_139 = arith.addi %mul3A_107, %add3A_138 : i32
      "tpu.region"() ({
        %run_scoped3A_141 = tpu.sem_alloc : memref<!tpu.dma_semaphore, #tpu.memory_space<semaphore_mem>>
        %dma_start3A_142 = arith.constant 0 : i32
        %dma_start3A_143 = tpu.memref_slice %arg7[%add3A_139, %dma_start3A_142] : memref<125x80xi32, #tpu.memory_space<vmem>> -> memref<1x80xi32, #tpu.memory_space<vmem>>
        %dma_start3A_144 = tpu.memref_squeeze %dma_start3A_143 : memref<1x80xi32, #tpu.memory_space<vmem>> -> memref<80xi32, #tpu.memory_space<vmem>>
        %dma_start3A_145 = arith.constant 0 : i32
        %dma_start3A_146 = arith.constant 0 : i32
        %dma_start3A_147 = tpu.memref_slice %arg13[%dma_start3A_145, %dma_start3A_146] : memref<10240x64xf32, #tpu.memory_space<vmem_shared>> -> memref<10240x64xf32, #tpu.memory_space<vmem_shared>>
        tpu.enqueue_indirect_dma source(%arg9 : memref<80x64xf32, #tpu.memory_space<vmem>>) target(%dma_start3A_147 : memref<10240x64xf32, #tpu.memory_space<vmem_shared>>) offsets(%dma_start3A_144 : memref<80xi32, #tpu.memory_space<vmem>>) semaphore(%run_scoped3A_141 : memref<!tpu.dma_semaphore, #tpu.memory_space<semaphore_mem>>) {add = true}
        %dma_wait3A_148 = arith.constant 0 : i32
        %dma_wait3A_149 = tpu.memref_slice %arg7[%add3A_139, %dma_wait3A_148] : memref<125x80xi32, #tpu.memory_space<vmem>> -> memref<1x80xi32, #tpu.memory_space<vmem>>
        %dma_wait3A_150 = tpu.memref_squeeze %dma_wait3A_149 : memref<1x80xi32, #tpu.memory_space<vmem>> -> memref<80xi32, #tpu.memory_space<vmem>>
        %dma_wait3A_151 = arith.constant 0 : i32
        %dma_wait3A_152 = arith.constant 0 : i32
        %dma_wait3A_153 = tpu.memref_slice %arg13[%dma_wait3A_151, %dma_wait3A_152] : memref<10240x64xf32, #tpu.memory_space<vmem_shared>> -> memref<10240x64xf32, #tpu.memory_space<vmem_shared>>
        tpu.wait_indirect_dma semaphore(%run_scoped3A_141 : memref<!tpu.dma_semaphore, #tpu.memory_space<semaphore_mem>>) src(%arg9 : memref<80x64xf32, #tpu.memory_space<vmem>>) dst(%dma_wait3A_153 : memref<10240x64xf32, #tpu.memory_space<vmem_shared>>)
        tpu.yield
      }) : () -> ()
      %scan3A_140 = arith.constant 0 : i32
      scf.yield %scan3A_140 : i32
    }
    %scan3A_93 = arith.constant 62 : i32
    %dma_wait3A_94 = arith.constant 124 : i32
    %dma_wait3A_95 = arith.constant 0 : i32
    %dma_wait3A_96 = tpu.memref_slice %arg6[%dma_wait3A_94, %dma_wait3A_95] : memref<125x80xi32, #tpu.memory_space<vmem>> -> memref<1x80xi32, #tpu.memory_space<vmem>>
    %dma_wait3A_97 = tpu.memref_squeeze %dma_wait3A_96 : memref<1x80xi32, #tpu.memory_space<vmem>> -> memref<80xi32, #tpu.memory_space<vmem>>
    %dma_wait3A_98 = arith.constant 0 : i32
    %dma_wait3A_99 = arith.constant 0 : i32
    %dma_wait3A_100 = tpu.memref_slice %arg12[%dma_wait3A_98, %dma_wait3A_99] : memref<10240x64xf32, #tpu.memory_space<vmem_shared>> -> memref<10240x64xf32, #tpu.memory_space<vmem_shared>>
    tpu.wait_indirect_dma semaphore(%arg10 : memref<!tpu.dma_semaphore, #tpu.memory_space<semaphore_mem>>) src(%dma_wait3A_100 : memref<10240x64xf32, #tpu.memory_space<vmem_shared>>) dst(%arg8 : memref<80x64xf32, #tpu.memory_space<vmem>>)
    %run_scoped3A_101 = arith.constant 124 : i32
    "tpu.region"() ({
      %run_scoped3A_104 = tpu.sem_alloc : memref<!tpu.dma_semaphore, #tpu.memory_space<semaphore_mem>>
      %dma_start3A_105 = arith.constant 0 : i32
      %dma_start3A_106 = tpu.memref_slice %arg7[%run_scoped3A_101, %dma_start3A_105] : memref<125x80xi32, #tpu.memory_space<vmem>> -> memref<1x80xi32, #tpu.memory_space<vmem>>
      %dma_start3A_107 = tpu.memref_squeeze %dma_start3A_106 : memref<1x80xi32, #tpu.memory_space<vmem>> -> memref<80xi32, #tpu.memory_space<vmem>>
      %dma_start3A_108 = arith.constant 0 : i32
      %dma_start3A_109 = arith.constant 0 : i32
      %dma_start3A_110 = tpu.memref_slice %arg13[%dma_start3A_108, %dma_start3A_109] : memref<10240x64xf32, #tpu.memory_space<vmem_shared>> -> memref<10240x64xf32, #tpu.memory_space<vmem_shared>>
      tpu.enqueue_indirect_dma source(%arg8 : memref<80x64xf32, #tpu.memory_space<vmem>>) target(%dma_start3A_110 : memref<10240x64xf32, #tpu.memory_space<vmem_shared>>) offsets(%dma_start3A_107 : memref<80xi32, #tpu.memory_space<vmem>>) semaphore(%run_scoped3A_104 : memref<!tpu.dma_semaphore, #tpu.memory_space<semaphore_mem>>) {add = true}
      %dma_wait3A_111 = arith.constant 0 : i32
      %dma_wait3A_112 = tpu.memref_slice %arg7[%run_scoped3A_101, %dma_wait3A_111] : memref<125x80xi32, #tpu.memory_space<vmem>> -> memref<1x80xi32, #tpu.memory_space<vmem>>
      %dma_wait3A_113 = tpu.memref_squeeze %dma_wait3A_112 : memref<1x80xi32, #tpu.memory_space<vmem>> -> memref<80xi32, #tpu.memory_space<vmem>>
      %dma_wait3A_114 = arith.constant 0 : i32
      %dma_wait3A_115 = arith.constant 0 : i32
      %dma_wait3A_116 = tpu.memref_slice %arg13[%dma_wait3A_114, %dma_wait3A_115] : memref<10240x64xf32, #tpu.memory_space<vmem_shared>> -> memref<10240x64xf32, #tpu.memory_space<vmem_shared>>
      tpu.wait_indirect_dma semaphore(%run_scoped3A_104 : memref<!tpu.dma_semaphore, #tpu.memory_space<semaphore_mem>>) src(%arg8 : memref<80x64xf32, #tpu.memory_space<vmem>>) dst(%dma_wait3A_116 : memref<10240x64xf32, #tpu.memory_space<vmem_shared>>)
      tpu.yield
    }) : () -> ()
    %barrier3A_102 = arith.constant 0 : index
    tpu.barrier barrier_id(%barrier3A_102)
    %add3A_103 = arith.addi %mul3A_51, %mul3A_62 : i32
    "tpu.region"() ({
      %run_scoped3A_104 = tpu.sem_alloc : memref<!tpu.dma_semaphore, #tpu.memory_space<semaphore_mem>>
      %dma_start3A_105 = arith.constant 64 : i32
      %dma_start3A_106 = tpu.memref_slice %arg5[%add3A_103, %dma_start3A_105] : memref<20480x128xf32, #tpu.memory_space<hbm>> -> memref<640x64xf32, #tpu.memory_space<hbm>>
      %dma_start3A_107 = arith.constant 0 : i32
      %dma_start3A_108 = tpu.memref_slice %arg13[%mul3A_62, %dma_start3A_107] : memref<10240x64xf32, #tpu.memory_space<vmem_shared>> -> memref<640x64xf32, #tpu.memory_space<vmem_shared>>
      tpu.enqueue_dma source(%dma_start3A_108 : memref<640x64xf32, #tpu.memory_space<vmem_shared>>) target(%dma_start3A_106 : memref<640x64xf32, #tpu.memory_space<hbm>>) target_semaphore(%run_scoped3A_104 : memref<!tpu.dma_semaphore, #tpu.memory_space<semaphore_mem>>)
      %dma_wait3A_109 = arith.constant 64 : i32
      %dma_wait3A_110 = tpu.memref_slice %arg5[%add3A_103, %dma_wait3A_109] : memref<20480x128xf32, #tpu.memory_space<hbm>> -> memref<640x64xf32, #tpu.memory_space<hbm>>
      %dma_wait3A_111 = arith.constant 0 : i32
      %dma_wait3A_112 = tpu.memref_slice %arg13[%mul3A_62, %dma_wait3A_111] : memref<10240x64xf32, #tpu.memory_space<vmem_shared>> -> memref<640x64xf32, #tpu.memory_space<vmem_shared>>
      tpu.wait_dma2 semaphore(%run_scoped3A_104 : memref<!tpu.dma_semaphore, #tpu.memory_space<semaphore_mem>>) src(%dma_wait3A_112 : memref<640x64xf32, #tpu.memory_space<vmem_shared>>) dst(%dma_wait3A_110 : memref<640x64xf32, #tpu.memory_space<hbm>>)
      tpu.yield
    }) : () -> ()
    return
  }
}

module attributes {stable_mosaic.version = 14 : i64} {
  func.func @_tc1_body(%arg0: i32, %arg1: memref<2048x128xf32, #tpu.memory_space<vmem>>, %arg2: memref<128x128xf32, #tpu.memory_space<vmem>>, %arg3: memref<2048x16xf32, #tpu.memory_space<vmem>>, %arg4: memref<2048x16xf32, #tpu.memory_space<vmem>>, %arg5: memref<2048x128xf32, #tpu.memory_space<vmem>>) attributes {dimension_semantics = [#tpu.dimension_semantics<arbitrary>], iteration_bounds = array<i64: 5>, scalar_prefetch = 0 : i64, scratch_operands = 0 : i64, tpu.core_type = #tpu.core_type<tc>, window_params = [{transform_indices = @transform_0, window_bounds = array<i64: 2048, 128>}, {pipeline_mode = #tpu.pipeline_mode<synchronous>, transform_indices = @transform_1, window_bounds = array<i64: 128, 128>}, {transform_indices = @transform_2, window_bounds = array<i64: 2048, 16>}, {transform_indices = @transform_3, window_bounds = array<i64: 2048, 16>}, {transform_indices = @transform_4, window_bounds = array<i64: 2048, 128>}]} {
    %get3A = arith.constant 0 : index
    %get3A_0 = arith.constant 0 : index
    %get3A_1 = vector.load %arg3[%get3A, %get3A_0] : memref<2048x16xf32, #tpu.memory_space<vmem>>, vector<2048x1xf32>
    %get3A_2 = arith.constant 0 : index
    %get3A_3 = arith.constant 0 : index
    %get3A_4 = vector.load %arg4[%get3A_2, %get3A_3] : memref<2048x16xf32, #tpu.memory_space<vmem>>, vector<2048x1xf32>
    %add3A = arith.addf %get3A_1, %get3A_4 : vector<2048x1xf32>
    %add3A_5 = arith.constant 1.000000e+00 : f32
    %add3A_6 = vector.broadcast %add3A_5 : f32 to vector<2048x1xf32>
    %add3A_7 = arith.addf %add3A, %add3A_6 : vector<2048x1xf32>
    %rsqrt3A = math.rsqrt %add3A_7 : vector<2048x1xf32>
    %get3A_8 = arith.constant 0 : index
    %get3A_9 = arith.constant 0 : index
    %get3A_10 = vector.load %arg1[%get3A_8, %get3A_9] : memref<2048x128xf32, #tpu.memory_space<vmem>>, vector<2048x128xf32>
    %get3A_11 = arith.constant 0 : index
    %get3A_12 = arith.constant 0 : index
    %get3A_13 = vector.load %arg2[%get3A_11, %get3A_12] : memref<128x128xf32, #tpu.memory_space<vmem>>, vector<128x128xf32>
    %dot_general3A = arith.constant dense<0.000000e+00> : vector<2048x128xf32>
    %dot_general3A_14 = tpu.matmul %get3A_10, %get3A_13, %dot_general3A {dimension_numbers = #tpu.dot_dimension_numbers<[1], [0], [0], [1], [0, 0, 1, 1], [], []>, transpose_lhs_hint = false} : vector<2048x128xf32>, vector<128x128xf32>, vector<2048x128xf32> -> vector<2048x128xf32>
    %mul3A = vector.broadcast %rsqrt3A : vector<2048x1xf32> to vector<2048x128xf32>
    %mul3A_15 = arith.mulf %dot_general3A_14, %mul3A : vector<2048x128xf32>
    %swap3A = arith.constant 0 : index
    %swap3A_16 = arith.constant 0 : index
    %swap3A_17 = vector.load %arg5[%swap3A, %swap3A_16] : memref<2048x128xf32, #tpu.memory_space<vmem>>, vector<2048x128xf32>
    tpu.vector_store %arg5[%swap3A, %swap3A_16], %mul3A_15 {strides = array<i32>} : memref<2048x128xf32, #tpu.memory_space<vmem>>, vector<2048x128xf32>,
    return
  }
  func.func @transform_0(%arg0: i32) -> (i32, i32) {
    %c0_i32 = arith.constant 0 : i32
    %c0_i32_0 = arith.constant 0 : i32
    return %arg0, %c0_i32 : i32, i32
  }
  func.func @transform_1(%arg0: i32) -> (i32, i32) {
    %c0_i32 = arith.constant 0 : i32
    %c0_i32_0 = arith.constant 0 : i32
    %c0_i32_1 = arith.constant 0 : i32
    return %c0_i32, %c0_i32_0 : i32, i32
  }
  func.func @transform_2(%arg0: i32) -> (i32, i32) {
    %c0_i32 = arith.constant 0 : i32
    %c0_i32_0 = arith.constant 0 : i32
    return %arg0, %c0_i32 : i32, i32
  }
  func.func @transform_3(%arg0: i32) -> (i32, i32) {
    %add3A = arith.constant 5 : i32
    %add3A_0 = arith.addi %arg0, %add3A : i32
    %c0_i32 = arith.constant 0 : i32
    %c0_i32_1 = arith.constant 0 : i32
    return %add3A_0, %c0_i32 : i32, i32
  }
  func.func @transform_4(%arg0: i32) -> (i32, i32) {
    %c0_i32 = arith.constant 0 : i32
    %c0_i32_0 = arith.constant 0 : i32
    return %arg0, %c0_i32 : i32, i32
  }
}

module attributes {stable_mosaic.version = 14 : i64} {
  func.func @_tc2_body(%arg0: i32, %arg1: memref<2048x128xf32, #tpu.memory_space<vmem>>, %arg2: memref<2048x128xf32, #tpu.memory_space<vmem>>, %arg3: memref<2048x128xf32, #tpu.memory_space<vmem>>, %arg4: memref<2048x16xf32, #tpu.memory_space<vmem>>, %arg5: memref<2048x16xf32, #tpu.memory_space<vmem>>, %arg6: memref<1x128xf32, #tpu.memory_space<vmem>>, %arg7: memref<128x128xf32, #tpu.memory_space<vmem>>, %arg8: memref<2048x128xf32, #tpu.memory_space<vmem>>) attributes {dimension_semantics = [#tpu.dimension_semantics<arbitrary>], iteration_bounds = array<i64: 5>, scalar_prefetch = 0 : i64, scratch_operands = 0 : i64, tpu.core_type = #tpu.core_type<tc>, window_params = [{transform_indices = @transform_0, window_bounds = array<i64: 2048, 128>}, {transform_indices = @transform_1, window_bounds = array<i64: 2048, 128>}, {transform_indices = @transform_2, window_bounds = array<i64: 2048, 128>}, {transform_indices = @transform_3, window_bounds = array<i64: 2048, 16>}, {transform_indices = @transform_4, window_bounds = array<i64: 2048, 16>}, {pipeline_mode = #tpu.pipeline_mode<synchronous>, transform_indices = @transform_5, window_bounds = array<i64: 1, 128>}, {pipeline_mode = #tpu.pipeline_mode<synchronous>, transform_indices = @transform_6, window_bounds = array<i64: 128, 128>}, {transform_indices = @transform_7, window_bounds = array<i64: 2048, 128>}]} {
    %get3A = arith.constant 0 : index
    %get3A_0 = arith.constant 0 : index
    %get3A_1 = vector.load %arg4[%get3A, %get3A_0] : memref<2048x16xf32, #tpu.memory_space<vmem>>, vector<2048x1xf32>
    %get3A_2 = arith.constant 0 : index
    %get3A_3 = arith.constant 0 : index
    %get3A_4 = vector.load %arg5[%get3A_2, %get3A_3] : memref<2048x16xf32, #tpu.memory_space<vmem>>, vector<2048x1xf32>
    %add3A = arith.addf %get3A_1, %get3A_4 : vector<2048x1xf32>
    %add3A_5 = arith.constant 1.000000e+00 : f32
    %add3A_6 = vector.broadcast %add3A_5 : f32 to vector<2048x1xf32>
    %add3A_7 = arith.addf %add3A, %add3A_6 : vector<2048x1xf32>
    %rsqrt3A = math.rsqrt %add3A_7 : vector<2048x1xf32>
    %get3A_8 = arith.constant 0 : index
    %get3A_9 = arith.constant 0 : index
    %get3A_10 = vector.load %arg1[%get3A_8, %get3A_9] : memref<2048x128xf32, #tpu.memory_space<vmem>>, vector<2048x128xf32>
    %get3A_11 = arith.constant 0 : index
    %get3A_12 = arith.constant 0 : index
    %get3A_13 = vector.load %arg2[%get3A_11, %get3A_12] : memref<2048x128xf32, #tpu.memory_space<vmem>>, vector<2048x128xf32>
    %add3A_14 = arith.addf %get3A_10, %get3A_13 : vector<2048x128xf32>
    %get3A_15 = arith.constant 0 : index
    %get3A_16 = arith.constant 0 : index
    %get3A_17 = vector.load %arg3[%get3A_15, %get3A_16] : memref<2048x128xf32, #tpu.memory_space<vmem>>, vector<2048x128xf32>
    %add3A_18 = arith.addf %add3A_14, %get3A_17 : vector<2048x128xf32>
    %mul3A = vector.broadcast %rsqrt3A : vector<2048x1xf32> to vector<2048x128xf32>
    %mul3A_19 = arith.mulf %add3A_18, %mul3A : vector<2048x128xf32>
    %get3A_20 = arith.constant 0 : index
    %get3A_21 = arith.constant 0 : index
    %get3A_22 = vector.load %arg6[%get3A_20, %get3A_21] : memref<1x128xf32, #tpu.memory_space<vmem>>, vector<1x128xf32>
    %add3A_23 = vector.broadcast %get3A_22 : vector<1x128xf32> to vector<2048x128xf32>
    %add3A_24 = arith.addf %mul3A_19, %add3A_23 : vector<2048x128xf32>
    %max3A = arith.constant 0.000000e+00 : f32
    %max3A_25 = vector.broadcast %max3A : f32 to vector<2048x128xf32>
    %max3A_26 = arith.maximumf %add3A_24, %max3A_25 : vector<2048x128xf32>
    %get3A_27 = arith.constant 0 : index
    %get3A_28 = arith.constant 0 : index
    %get3A_29 = vector.load %arg7[%get3A_27, %get3A_28] : memref<128x128xf32, #tpu.memory_space<vmem>>, vector<128x128xf32>
    %dot_general3A = arith.constant dense<0.000000e+00> : vector<2048x128xf32>
    %dot_general3A_30 = tpu.matmul %max3A_26, %get3A_29, %dot_general3A {dimension_numbers = #tpu.dot_dimension_numbers<[1], [0], [0], [1], [0, 0, 1, 1], [], []>, transpose_lhs_hint = false} : vector<2048x128xf32>, vector<128x128xf32>, vector<2048x128xf32> -> vector<2048x128xf32>
    %mul3A_31 = vector.broadcast %rsqrt3A : vector<2048x1xf32> to vector<2048x128xf32>
    %mul3A_32 = arith.mulf %dot_general3A_30, %mul3A_31 : vector<2048x128xf32>
    %swap3A = arith.constant 0 : index
    %swap3A_33 = arith.constant 0 : index
    %swap3A_34 = vector.load %arg8[%swap3A, %swap3A_33] : memref<2048x128xf32, #tpu.memory_space<vmem>>, vector<2048x128xf32>
    tpu.vector_store %arg8[%swap3A, %swap3A_33], %mul3A_32 {strides = array<i32>} : memref<2048x128xf32, #tpu.memory_space<vmem>>, vector<2048x128xf32>,
    return
  }
  func.func @transform_0(%arg0: i32) -> (i32, i32) {
    %c0_i32 = arith.constant 0 : i32
    %c0_i32_0 = arith.constant 0 : i32
    return %arg0, %c0_i32 : i32, i32
  }
  func.func @transform_1(%arg0: i32) -> (i32, i32) {
    %add3A = arith.constant 5 : i32
    %add3A_0 = arith.addi %arg0, %add3A : i32
    %c0_i32 = arith.constant 0 : i32
    %c0_i32_1 = arith.constant 0 : i32
    return %add3A_0, %c0_i32 : i32, i32
  }
  func.func @transform_2(%arg0: i32) -> (i32, i32) {
    %c0_i32 = arith.constant 0 : i32
    %c0_i32_0 = arith.constant 0 : i32
    return %arg0, %c0_i32 : i32, i32
  }
  func.func @transform_3(%arg0: i32) -> (i32, i32) {
    %c0_i32 = arith.constant 0 : i32
    %c0_i32_0 = arith.constant 0 : i32
    return %arg0, %c0_i32 : i32, i32
  }
  func.func @transform_4(%arg0: i32) -> (i32, i32) {
    %add3A = arith.constant 5 : i32
    %add3A_0 = arith.addi %arg0, %add3A : i32
    %c0_i32 = arith.constant 0 : i32
    %c0_i32_1 = arith.constant 0 : i32
    return %add3A_0, %c0_i32 : i32, i32
  }
  func.func @transform_5(%arg0: i32) -> (i32, i32) {
    %c0_i32 = arith.constant 0 : i32
    %c0_i32_0 = arith.constant 0 : i32
    %c0_i32_1 = arith.constant 0 : i32
    return %c0_i32, %c0_i32_0 : i32, i32
  }
  func.func @transform_6(%arg0: i32) -> (i32, i32) {
    %c0_i32 = arith.constant 0 : i32
    %c0_i32_0 = arith.constant 0 : i32
    %c0_i32_1 = arith.constant 0 : i32
    return %c0_i32, %c0_i32_0 : i32, i32
  }
  func.func @transform_7(%arg0: i32) -> (i32, i32) {
    %c0_i32 = arith.constant 0 : i32
    %c0_i32_0 = arith.constant 0 : i32
    return %arg0, %c0_i32 : i32, i32
  }
}

module attributes {stable_mosaic.version = 14 : i64} {
  func.func @_tc3_body(%arg0: i32, %arg1: memref<2048x128xf32, #tpu.memory_space<vmem>>, %arg2: memref<2048x128xf32, #tpu.memory_space<vmem>>, %arg3: memref<2048x16xf32, #tpu.memory_space<vmem>>, %arg4: memref<2048x16xf32, #tpu.memory_space<vmem>>, %arg5: memref<1x64xf32, #tpu.memory_space<vmem>>, %arg6: memref<2048x64xf32, #tpu.memory_space<vmem>>) attributes {dimension_semantics = [#tpu.dimension_semantics<arbitrary>], iteration_bounds = array<i64: 5>, scalar_prefetch = 0 : i64, scratch_operands = 0 : i64, tpu.core_type = #tpu.core_type<tc>, window_params = [{transform_indices = @transform_0, window_bounds = array<i64: 2048, 128>}, {transform_indices = @transform_1, window_bounds = array<i64: 2048, 128>}, {transform_indices = @transform_2, window_bounds = array<i64: 2048, 16>}, {transform_indices = @transform_3, window_bounds = array<i64: 2048, 16>}, {pipeline_mode = #tpu.pipeline_mode<synchronous>, transform_indices = @transform_4, window_bounds = array<i64: 1, 64>}, {transform_indices = @transform_5, window_bounds = array<i64: 2048, 64>}]} {
    %get3A = arith.constant 0 : index
    %get3A_0 = arith.constant 0 : index
    %get3A_1 = vector.load %arg3[%get3A, %get3A_0] : memref<2048x16xf32, #tpu.memory_space<vmem>>, vector<2048x1xf32>
    %get3A_2 = arith.constant 0 : index
    %get3A_3 = arith.constant 0 : index
    %get3A_4 = vector.load %arg4[%get3A_2, %get3A_3] : memref<2048x16xf32, #tpu.memory_space<vmem>>, vector<2048x1xf32>
    %add3A = arith.addf %get3A_1, %get3A_4 : vector<2048x1xf32>
    %add3A_5 = arith.constant 1.000000e+00 : f32
    %add3A_6 = vector.broadcast %add3A_5 : f32 to vector<2048x1xf32>
    %add3A_7 = arith.addf %add3A, %add3A_6 : vector<2048x1xf32>
    %rsqrt3A = math.rsqrt %add3A_7 : vector<2048x1xf32>
    %get3A_8 = arith.constant 0 : index
    %get3A_9 = arith.constant 0 : index
    %get3A_10 = vector.load %arg1[%get3A_8, %get3A_9] : memref<2048x128xf32, #tpu.memory_space<vmem>>, vector<2048x128xf32>
    %slice3A = vector.extract_strided_slice %get3A_10 {offsets = [0, 0], sizes = [2048, 64], strides = [1, 1]} : vector<2048x128xf32> to vector<2048x64xf32>
    %slice3A_11 = vector.extract_strided_slice %get3A_10 {offsets = [0, 64], sizes = [2048, 64], strides = [1, 1]} : vector<2048x128xf32> to vector<2048x64xf32>
    %add3A_12 = arith.addf %slice3A, %slice3A_11 : vector<2048x64xf32>
    %get3A_13 = arith.constant 0 : index
    %get3A_14 = arith.constant 0 : index
    %get3A_15 = vector.load %arg2[%get3A_13, %get3A_14] : memref<2048x128xf32, #tpu.memory_space<vmem>>, vector<2048x64xf32>
    %add3A_16 = arith.addf %add3A_12, %get3A_15 : vector<2048x64xf32>
    %mul3A = vector.broadcast %rsqrt3A : vector<2048x1xf32> to vector<2048x64xf32>
    %mul3A_17 = arith.mulf %add3A_16, %mul3A : vector<2048x64xf32>
    %get3A_18 = arith.constant 0 : index
    %get3A_19 = arith.constant 0 : index
    %get3A_20 = vector.load %arg5[%get3A_18, %get3A_19] : memref<1x64xf32, #tpu.memory_space<vmem>>, vector<1x64xf32>
    %add3A_21 = vector.broadcast %get3A_20 : vector<1x64xf32> to vector<2048x64xf32>
    %add3A_22 = arith.addf %mul3A_17, %add3A_21 : vector<2048x64xf32>
    %swap3A = arith.constant 0 : index
    %swap3A_23 = arith.constant 0 : index
    %swap3A_24 = vector.load %arg6[%swap3A, %swap3A_23] : memref<2048x64xf32, #tpu.memory_space<vmem>>, vector<2048x64xf32>
    tpu.vector_store %arg6[%swap3A, %swap3A_23], %add3A_22 {strides = array<i32>} : memref<2048x64xf32, #tpu.memory_space<vmem>>, vector<2048x64xf32>,
    return
  }
  func.func @transform_0(%arg0: i32) -> (i32, i32) {
    %c0_i32 = arith.constant 0 : i32
    %c0_i32_0 = arith.constant 0 : i32
    return %arg0, %c0_i32 : i32, i32
  }
  func.func @transform_1(%arg0: i32) -> (i32, i32) {
    %c0_i32 = arith.constant 0 : i32
    %c0_i32_0 = arith.constant 0 : i32
    return %arg0, %c0_i32 : i32, i32
  }
  func.func @transform_2(%arg0: i32) -> (i32, i32) {
    %c0_i32 = arith.constant 0 : i32
    %c0_i32_0 = arith.constant 0 : i32
    return %arg0, %c0_i32 : i32, i32
  }
  func.func @transform_3(%arg0: i32) -> (i32, i32) {
    %add3A = arith.constant 5 : i32
    %add3A_0 = arith.addi %arg0, %add3A : i32
    %c0_i32 = arith.constant 0 : i32
    %c0_i32_1 = arith.constant 0 : i32
    return %add3A_0, %c0_i32 : i32, i32
  }
  func.func @transform_4(%arg0: i32) -> (i32, i32) {
    %c0_i32 = arith.constant 0 : i32
    %c0_i32_0 = arith.constant 0 : i32
    %c0_i32_1 = arith.constant 0 : i32
    return %c0_i32, %c0_i32_0 : i32, i32
  }
  func.func @transform_5(%arg0: i32) -> (i32, i32) {
    %c0_i32 = arith.constant 0 : i32
    %c0_i32_0 = arith.constant 0 : i32
    return %arg0, %c0_i32 : i32, i32
  }
}

</mosaic_0001>

<sc_bundles>
// kernel: kernel.11.cloned.1.call-start
scs
__scs_entry_jumppad:
0x0: {  	(pc) =	sbr.rel $0x88, $3  }
0x1: {  	(tag) =	ssettag $0x0;
	lr =	simm.s32 $0x1  }
0x2: {  	[smem:$0x3F9B] =	sst lr;
	_ =	strace $0xD0000000  }
0x3: {  	_ = 	snop  }
0x4: {  	_ = 	snop  }
0x5: {  	_ = 	snop  }
0x6: {  	_ = 	snop  }
0x7: {  	_ = 	snop  }
__scs_overlays_trampoline_lowered:
0x8: {  	[smem:$0x3FAA] =	sst s0  }
0x9: {  	[smem:$0x3FAB] =	sst s1  }
0xa: {  	[smem:$0x3FAC] =	sst s2  }
0xb: {  	[smem:$0x3FAD] =	sst s3  }
0xc: {  	[smem:$0x3FAE] =	sst s4  }
0xd: {  	[smem:$0x3FAF] =	sst s5  }
0xe: {  	[smem:$0x3FB0] =	sst s6  }
0xf: {  	[smem:$0x3FB1] =	sst s7  }
0x10: {  	[smem:$0x3FB2] =	sst s8  }
0x11: {  	[smem:$0x3FB3] =	sst s9;
	s0 =	simm.s32 @!p0 $0x0  }
0x12: {  	s1 =	sld [smem:$0x3F99];
	s0 =	simm.s32 @p0 $0x1  }
0x13: {  	[smem:$0x3FB4] =	sst s0;
	s0 =	simm.s32 @!p1 $0x0  }
0x14: {  	s2 =	sld [smem:$0x3F98];
	s0 =	simm.s32 @p1 $0x1  }
0x15: {  	[smem:$0x3FB5] =	sst s0;
	s0 =	simm.s32 @!p2 $0x0  }
0x16: {  	s3 =	sld [smem:$0x3FDB];
	s0 =	simm.s32 @p2 $0x1  }
0x17: {  	s4 =	simm.s32 $0x1BF5;
	[smem:$0x3FB7] =	sst s0  }
0x18: {  	s0 =	sld [smem:$0x3F9A];
	_ =	swait.ge [sflag:s4], $0x0  }
0x19: {  	s7 =	sld [smem:$0x3F9B]  }
0x1a: {  	s8 =	sadd.s32 $0xFFFFE003, lr  }
0x1b: {  	s9 =	sadd.s32 $0xFFFFFEF7, lr;
	s5 =	simm.s32 $0xFFFFFFFF;
	p2 =	slt.u32 s8, $0xFFFFF086  }
0x1c: {  	p1 =	slt.u32 s9, $0xF7A;
	s5 =	simm.s32 @!p2 $0x0  }
0x1d: {  	s5 =	simm.s32 @p1 $0x1;
	p0 =	seq.s32 s7, s2  }
0x1e: {  	s7 =	smul.u32 @!p0 $0xF7A, s2;
	p2 =	seq.s32 @!p0 s5, $0x0  }
0x1f: {  	s9 =	smul.u32 $0xF7A, s1;
	s8 =	simm.s32 @!p0 $0x1BF5;
	p2 =	por !p2, p0  }
0x20: {  	[sflag:s8] =	ssyncset.s32 @!p0 $0xFFFFF086;
	s6 =	sadd.s32 @!p0 s3, s7;
	s7 =	simm.s32 @!p0 $0x108  }
0x21: {  	s3 =	sadd.s32 s3, s9;
	s6 =	sadd.s32 @!p0 $0x88, s6;
	s7 =	simm.s32 @p2 $0x1082  }
0x22: {  	[simem:s7], [sflag:s8] =	dma.local @!p0 [hbm:s6], $0xF7A  }
0x23: {  	s9 =	sor.u32 $0xD0000000, s2;
	s6 =	simm.s32 $0x108;
	_ =	swait.ge @!p0 [sflag:s8], $0x0  }
0x24: {  	s3 =	sadd.s32 $0x88, s3;
	s6 =	simm.s32 @!p1 $0x1082;
	[sflag:s4] =	ssyncset.s32 $0xFFFFF086  }
0x25: {  	[simem:s6], [sflag:s4] =	dma.local [hbm:s3], $0xF7A  }
0x26: {  	[smem:$0x3F9B] =	sst s1;
	(tag) =	ssettag s2;
	_ =	strace s9  }
0x27: {  	s1 =	sld [smem:$0x3FAB]  }
0x28: {  	s2 =	sld [smem:$0x3FAC]  }
0x29: {  	s4 =	sld [smem:$0x3FAE]  }
0x2a: {  	p0 =	seq.s32 s5, $0x0;
	s5 =	sld [smem:$0x3FAF]  }
0x2b: {  	s6 =	sld [smem:$0x3FB0]  }
0x2c: {  	s7 =	sld [smem:$0x3FB1]  }
0x2d: {  	s3 =	simm.s32 $0x108;
	s8 =	sld [smem:$0x3FB2]  }
0x2e: {  	s3 =	simm.s32 @!p0 $0x1082;
	s9 =	sld [smem:$0x3FB3]  }
0x2f: {  	lr =	sadd.s32 s0, s3;
	s0 =	sld [smem:$0x3FAA]  }
0x30: {  	s3 =	sld [smem:$0x3FAD]  }
0x31: {  	[smem:$0x3FB6] =	sst s10  }
0x32: {  	s10 =	sld [smem:$0x3FB4];
	_ =	sdelay $0x3  }
0x33: {  	p0 =	seq.s32 s10, $0x1;
	s10 =	sld [smem:$0x3FB6];
	_ =	sdelay $0x3  }
0x34: {  	[smem:$0x3FB6] =	sst s10  }
0x35: {  	s10 =	sld [smem:$0x3FB5];
	_ =	sdelay $0x3  }
0x36: {  	p1 =	seq.s32 s10, $0x1;
	s10 =	sld [smem:$0x3FB6];
	_ =	sdelay $0x3  }
0x37: {  	[smem:$0x3FB6] =	sst s10  }
0x38: {  	s10 =	sld [smem:$0x3FB7]  }
0x39: {  	_ = 	snop;
	(pc) =	sbr.ind lr, $3  }
0x3a: {  	_ = 	snop  }
0x3b: {  	_ = 	snop  }
0x3c: {  	p2 =	seq.s32 s10, $0x1;
	s10 =	sld [smem:$0x3FB6]  }
0x3d: {  	_ =	shalt  }
0x3e: {  	_ =	shalt  }
0x3f: {  	_ =	shalt  }
0x40: {  	_ =	shalt  }
0x41: {  	_ =	shalt  }
0x42: {  	_ =	shalt  }
0x43: {  	_ =	shalt  }
0x44: {  	_ =	shalt  }
0x45: {  	_ =	shalt  }
0x46: {  	_ =	shalt  }
0x47: {  	_ =	shalt  }
0x48: {  	_ =	shalt  }
0x49: {  	_ =	shalt  }
0x4a: {  	_ =	shalt  }
0x4b: {  	_ =	shalt  }
0x4c: {  	_ =	shalt  }
0x4d: {  	_ =	shalt  }
0x4e: {  	_ =	shalt  }
0x4f: {  	_ =	shalt  }
0x50: {  	_ =	shalt  }
0x51: {  	_ =	shalt  }
0x52: {  	_ =	shalt  }
0x53: {  	_ =	shalt  }
0x54: {  	_ =	shalt  }
0x55: {  	_ =	shalt  }
0x56: {  	_ =	shalt  }
0x57: {  	_ =	shalt  }
0x58: {  	_ =	shalt  }
0x59: {  	_ =	shalt  }
0x5a: {  	_ =	shalt  }
0x5b: {  	_ =	shalt  }
0x5c: {  	_ =	shalt  }
0x5d: {  	_ =	shalt  }
0x5e: {  	_ =	shalt  }
0x5f: {  	_ =	shalt  }
0x60: {  	_ =	shalt  }
0x61: {  	_ =	shalt  }
0x62: {  	_ =	shalt  }
0x63: {  	_ =	shalt  }
0x64: {  	_ =	shalt  }
0x65: {  	_ =	shalt  }
0x66: {  	_ =	shalt  }
0x67: {  	_ =	shalt  }
0x68: {  	_ =	shalt  }
0x69: {  	_ =	shalt  }
0x6a: {  	_ =	shalt  }
0x6b: {  	_ =	shalt  }
0x6c: {  	_ =	shalt  }
0x6d: {  	_ =	shalt  }
0x6e: {  	_ =	shalt  }
0x6f: {  	_ =	shalt  }
0x70: {  	_ =	shalt  }
0x71: {  	_ =	shalt  }
0x72: {  	_ =	shalt  }
0x73: {  	_ =	shalt  }
0x74: {  	_ =	shalt  }
0x75: {  	_ =	shalt  }
0x76: {  	_ =	shalt  }
0x77: {  	_ =	shalt  }
0x78: {  	_ =	shalt  }
0x79: {  	_ =	shalt  }
0x7a: {  	_ =	shalt  }
0x7b: {  	_ =	shalt  }
0x7c: {  	_ =	shalt  }
0x7d: {  	_ =	shalt  }
0x7e: {  	_ =	shalt  }
0x7f: {  	_ =	shalt  }
0x80: {  	_ =	shalt  }
0x81: {  	_ =	shalt  }
0x82: {  	_ =	shalt  }
0x83: {  	_ =	shalt  }
0x84: {  	_ =	shalt  }
0x85: {  	_ =	shalt  }
0x86: {  	_ =	shalt  }
0x87: {  	_ =	shalt  }
.Lfunc_end0:
.L_simem_size_0:
called_computation.1_lowered:
.L_overlay_start_0:
0x88: {  	s2 =	sld [smem:$0x3FD9]  }
0x89: {  	s3 =	sld [smem:$0x3FFE];
	_ =	sdelay $0x1  }
0x8a: {  	s1 =	srdreg.scid  }
0x8b: {  	s0 =	sand.u32 $0x1, s1  }
0x8c: {  	s16 =	sshll.u32 s0, $0xA;
	s2 =	sadd.s32 s3, s2  }
0x8d: {  	s2 =	sadd.s32 s2, s16  }
0x8e: {  	[smem:$0x3FC2] =	sst s2  }
0x8f: {  	_ = 	snop  }
0x90: {  	(tm) =	ssettm $0x1  }
0x91: {  	s17 =	sld [smem:$0x3FFB];
	_ =	sdelay $0x3  }
0x92: {  	_ =	strace s17  }
0x93: {  	s2 =	sld [smem:$0x3FFC];
	_ =	sdelay $0x3  }
0x94: {  	_ =	strace s2  }
0x95: {  	s2 =	sld [smem:$0x3FFD];
	_ =	sdelay $0x3  }
0x96: {  	_ =	strace s2  }
0x97: {  	_ =	strace $0x8FFFFFFF  }
0x98: {  	s18 =	sld [smem:$0x3FDB];
	_ =	sdelay $0x1  }
0x99: {  	s19 =	simm.s32 $_scs_section_size  }
0x9a: {  	s4 =	simm.s32 $_size__tile_overlayer_lowered;
	s5 =	simm.s32 $_tile_overlayer_lowered  }
0x9b: {  	s22 =	simm.s32 $0x1BFF;
	s21 =	sshll.u32 s5, $0x1;
	s2 =	sadd.s32 s19, s18  }
0x9c: {  	s6 =	simm.s32 $0x0;
	s20 =	sshll.u32 s4, $0x1;
	s4 =	sadd.s32 s21, s2  }
0x9d: {  	[timem:s6], [sflag:s22] =	dma.local [hbm:s4], s20  }
0x9e: {  	_ =	swait.ge [sflag:s22], s20  }
0x9f: {  	s3 =	ssub.s32 $0x0, s20;
	[sflag:s22] =	ssyncset.done $0x0  }
0xa0: {  	[sflag:s22] =	ssyncadd.s32 s3;
	_ =	sdelay $0x1  }
0xa1: {  	s23 =	simm.s32 $0x1B8B  }
0xa2: {  	_ =	swait.ge [sflag:s23], $0x1  }
0xa3: {  	[sflag:s23] =	ssyncset.done $0x0  }
0xa4: {  	s25 =	simm.s32 $0x1B8E;
	s24 =	sld [smem:$0x3FFE];
	[sflag:s23] =	ssyncadd.s32 $0xFFFFFFFF  }
0xa5: {  	s26 =	simm.s32 $execute0_lowered;
	[smem:$0x3FD2] =	sst s25  }
0xa6: {  	s4 =	sshll.u32 s26, $0x1;
	_ =	strace $0x80000049;
	[dreg:$0x1] =	wrdreg $0xFFFFFFFF  }
0xa7: {  	s28 =	simm.s32 $_size_execute0_lowered;
	s2 =	sadd.s32 s2, s4;
	[dreg:$0x0] =	wrdreg $0x0  }
0xa8: {  	s4 =	sshll.u32 s28, $0x1;
	[dreg:$0x2] =	wrdreg s2  }
0xa9: {  	[dreg:$0x3] =	wrdreg s4  }
0xaa: {  	[dreg:$0x4] =	wrdreg $0xC0  }
0xab: {  	_ =	task [dreg:s6], $0x5FFFF  }
0xac: {  	[dreg:$0x1] =	wrdreg $0xFFFFFFFF  }
0xad: {  	[dreg:$0x0] =	wrdreg $0x60  }
0xae: {  	[dreg:$0x2] =	wrdreg s24  }
0xaf: {  	[dreg:$0x3] =	wrdreg $0x116200  }
0xb0: {  	[dreg:$0x4] =	wrdreg $0x76200  }
0xb1: {  	[dreg:$0x5] =	wrdreg $0x9  }
0xb2: {  	_ =	task.clear_ibuf [dreg:s6], $0x6FFFF;
	_ =	strace $0x90000049  }
0xb3: {  	s29 =	simm.s32 $0x9;
	_ =	strace $0x8000004B  }
0xb4: {  	_ =	swait.ge [sflag:s29], $0x1  }
0xb5: {  	[sflag:s29] =	ssyncadd.s32 $0xFFFFFFFF  }
0xb6: {  	_ =	strace $0x9000004B  }
0xb7: {  	_ =	sfence  }
0xb8: {  	s30 =	sld [smem:$0x0];
	_ =	sdelay $0x2  }
0xb9: {  	s31 =	sshll.u32 s1, $0xD;
	s1 =	sshrl.u32 s1, $0x2  }
0xba: {  	s3 =	sand.u32 $0x4000, s31;
	s1 =	sadd.s32 s1, s30  }
0xbb: {  	s0 =	sor.u32 s3, s0;
	s1 =	sshll.u32 s1, $0x11  }
0xbc: {  	s0 =	sor.u32 s1, s0  }
0xbd: {  	s0 =	sadd.s32 $0x8F2B, s0  }
0xbe: {  	[sflag:s0] =	ssyncadd.remote.s32 $0x1  }
0xbf: {  	_ =	sfence.sel $0xFFFF  }
0xc0: {  	[dreg:$0x0] =	wrdreg $0xFFFFFFFF;
	(pc) =	sbr.abs _section_cstart, $3  }
0xc1: {  	[dreg:$0x1] =	wrdreg $0xFFFFFFFF  }
0xc2: {  	_ =	task.clear_ibuf [dreg:s6], $0x2FFFF;
	_ =	strace $0x9FFFFFFF  }
0xc3: {  	(tm) =	ssettm $0x7FFFFFFF  }
tec
execute0_lowered:
.L_overlay_start_1:
0x0: {  	(tag) =	ssettag $0x1  }
0x1: {  	s0 =	srdreg.scid  }
0x2: {  	s1 =	rddreg [dreg:$0x0];
	s8 =	stileid.u32  }
0x3: {  	s2 =	rddreg [dreg:$0x1];
	s7 =	simm.s32 $0x0;
	s4 =	smul.u32 $0x2800, s8  }
0x4: {  	s28 =	simm.s32 $0x50;
	s29 =	simm.s32 $0x6220;
	s19 =	smul.u32 $0x280, s8  }
0x5: {  	s30 =	simm.s32 $0x2;
	s31 =	simm.s32 $0x4DD0;
	s20 =	smul.u32 $0x28000, s8  }
0x6: {  	s0 =	sand.u32 $0x1, s0;
	[smem:$0x7FF] =	sst s7;
	s15 =	smul.u32 $0xA000, s8  }
0x7: {  	s3 =	sshll.u32 s0, $0x4;
	s6 =	smul.u32 $0x2800, s0;
	s0 =	ssub.s32 $0x2, s0  }
0x8: {  	s5 =	sor.u32 s8, s3;
	s3 =	rddreg [dreg:$0x2];
	_ =	strace $0x8000004A  }
0x9: {  	s4 =	sadd.s32 s4, s1;
	s21 =	sshrl.u32 s0, $0x1;
	s23 =	sshrl.u32 s20, $0x2  }
0xa: {  	s7 =	sadd.s32 s15, s2;
	s5 =	smul.u32 $0x4E2, s5;
	s6 =	sadd.s32 s19, s6  }
0xb: {  	s0 =	ssub.s32 s0, s21;
	s24 =	sadd.s32 s23, s2;
	s25 =	sadd.s32 s15, s3  }
0xc: {  	s26 =	sadd.s32 $0x66A00, s4;
	s18 =	sadd.s32 $0x66A08, s4;
	s21 =	simm.s32 $0x3  }
0xd: {  	s23 =	simm.s32 $0x4E20;
	s6 =	sshll.u32 s6, $0x4;
	s8 =	sadd.s32 $0x1400, s24  }
0xe: {  	s9 =	sadd.s32 $0x2800, s24;
	s10 =	sadd.s32 $0x3C00, s24;
	s11 =	sadd.s32 $0x5000, s24  }
0xf: {  	s12 =	sadd.s32 $0x6400, s24;
	s13 =	sadd.s32 $0x7800, s24;
	[dreg:$0x6] =	wrdreg s25  }
0x10: {  	s14 =	sadd.s32 $0x8C00, s24;
	[dreg:$0x7] =	wrdreg s26;
	s20 =	smax.u32 s0, $0x1  }
0x11: {  	s24 =	simm.s32 $0x1;
	s25 =	simm.s32 $0x8;
	s5 =	sadd.s32 s5, s1  }
0x12: {  	s26 =	simm.s32 $0x10;
	s1 =	sadd.s32 s6, s1;
	s22 =	sadd.s32 $0x2E00, s5  }
0x13: {  	s5 =	sadd.s32 $0xCC00, s5;
	s17 =	sadd.s32 $0x8EA00, s1;
	[dreg:$0x4] =	wrdreg s22  }
0x14: {  	v0 =	vimm.f32 $0.0e+00;
	s19 =	sadd.s32 $0x8EA08, s1;
	s1 =	simm.s32 $0x0;
	[dreg:$0x5] =	wrdreg s5  }
.LBB2_1:
0x15: {  	s0 =	simm.s32 $0x0;
	s4 =	rddreg [dreg:$0x4]  }
0x16: {  	[tilespmem:s0], [sflag:$0x3] =	stream.linear.gather [hbm4b:s4+s0], $0x2710, $0x38;
	[tilespmem:$0x1B620] =	vst v63  }
0x17: {  	_ =	swait.ge [sflag:s21], $0x2710  }
0x18: {  	[sflag:s21] =	ssyncset.done $0x0  }
0x19: {  	s5 =	simm.s32 $0x2710;
	s22 =	rddreg [dreg:$0x5];
	[sflag:s21] =	ssyncadd.s32 $0xFFFFD8F0  }
0x1a: {  	[tilespmem:s5], [sflag:$0x3] =	stream.linear.gather [hbm4b:s22+s0], $0x2710, $0x38;
	[tilespmem:$0x1B620] =	vst v63  }
0x1b: {  	_ =	swait.ge [sflag:s21], $0x2710  }
0x1c: {  	[sflag:s21] =	ssyncset.done $0x0  }
0x1d: {  	s4 =	simm.s32 $0x100;
	s0 =	simm.s32 $0x0;
	[sflag:s21] =	ssyncadd.s32 $0xFFFFD8F0  }
.LBB2_2:
0x1e: {  	p0 =	sne.s32 s4, $0x4F00;
	[tilespmem:s0+$0x4E50] =	vst v0;
	s5 =	smov.u32 s4;
	s4 =	sadd.s32 $0x100, s4  }
.Ltmp0:
0x1f: {  	[tilespmem:s0+$0x4E40] =	vst v0;
	(pc) =	sbr.rel @p0 .LBB2_2-.Ltmp0, $3  }
0x20: {  	[tilespmem:s0+$0x4E20] =	vst v0  }
0x21: {  	[tilespmem:s0+$0x4E30] =	vst v0;
	_ =	sdelay $0x1  }
0x22: {  	s0 =	sshra.s32 s5, $0x2  }
0x23: {  	[tilespmem:s0+$0x4E50] =	vst v0  }
0x24: {  	[tilespmem:s0+$0x4E40] =	vst v0  }
0x25: {  	[tilespmem:s0+$0x4E20] =	vst v0  }
0x26: {  	[tilespmem:s0+$0x4E30] =	vst v0  }
0x27: {  	[spmem:s7] =	stream.linear.scatter [tilespmem:s23], [sflag:$0x3], $0x1400, $0x38;
	[tilespmem:$0x1B620] =	vst v63  }
0x28: {  	_ =	swait.ge [sflag:s21], $0x1400  }
0x29: {  	[sflag:s21] =	ssyncset.done $0x0  }
0x2a: {  	[sflag:s21] =	ssyncadd.s32 $0xFFFFEC00  }
0x2b: {  	[spmem:s8] =	stream.linear.scatter [tilespmem:s23], [sflag:$0x3], $0x1400, $0x38;
	[tilespmem:$0x1B620] =	vst v63  }
0x2c: {  	_ =	swait.ge [sflag:s21], $0x1400  }
0x2d: {  	[sflag:s21] =	ssyncset.done $0x0  }
0x2e: {  	[sflag:s21] =	ssyncadd.s32 $0xFFFFEC00  }
0x2f: {  	[spmem:s9] =	stream.linear.scatter [tilespmem:s23], [sflag:$0x3], $0x1400, $0x38;
	[tilespmem:$0x1B620] =	vst v63  }
0x30: {  	_ =	swait.ge [sflag:s21], $0x1400  }
0x31: {  	[sflag:s21] =	ssyncset.done $0x0  }
0x32: {  	[sflag:s21] =	ssyncadd.s32 $0xFFFFEC00  }
0x33: {  	[spmem:s10] =	stream.linear.scatter [tilespmem:s23], [sflag:$0x3], $0x1400, $0x38;
	[tilespmem:$0x1B620] =	vst v63  }
0x34: {  	_ =	swait.ge [sflag:s21], $0x1400  }
0x35: {  	[sflag:s21] =	ssyncset.done $0x0  }
0x36: {  	[sflag:s21] =	ssyncadd.s32 $0xFFFFEC00  }
0x37: {  	[spmem:s11] =	stream.linear.scatter [tilespmem:s23], [sflag:$0x3], $0x1400, $0x38;
	[tilespmem:$0x1B620] =	vst v63  }
0x38: {  	_ =	swait.ge [sflag:s21], $0x1400  }
0x39: {  	[sflag:s21] =	ssyncset.done $0x0  }
0x3a: {  	[sflag:s21] =	ssyncadd.s32 $0xFFFFEC00  }
0x3b: {  	[spmem:s12] =	stream.linear.scatter [tilespmem:s23], [sflag:$0x3], $0x1400, $0x38;
	[tilespmem:$0x1B620] =	vst v63  }
0x3c: {  	_ =	swait.ge [sflag:s21], $0x1400  }
0x3d: {  	[sflag:s21] =	ssyncset.done $0x0  }
0x3e: {  	[sflag:s21] =	ssyncadd.s32 $0xFFFFEC00  }
0x3f: {  	[spmem:s13] =	stream.linear.scatter [tilespmem:s23], [sflag:$0x3], $0x1400, $0x38;
	[tilespmem:$0x1B620] =	vst v63  }
0x40: {  	_ =	swait.ge [sflag:s21], $0x1400  }
0x41: {  	[sflag:s21] =	ssyncset.done $0x0  }
0x42: {  	s6 =	stileid.u32;
	[sflag:s21] =	ssyncadd.s32 $0xFFFFEC00  }
0x43: {  	[spmem:s14] =	stream.linear.scatter [tilespmem:s23], [sflag:$0x3], $0x1400, $0x38;
	[tilespmem:$0x1B620] =	vst v63  }
0x44: {  	s0 =	sshll.u32 s6, $0x6;
	_ =	swait.ge [sflag:s21], $0x1400  }
0x45: {  	s22 =	sor.u32 $0x1C03, s0;
	[sflag:s21] =	ssyncset.done $0x0;
	s15 =	rddreg [dreg:$0x6]  }
0x46: {  	s4 =	rddreg [dreg:$0x7];
	[sflag:s21] =	ssyncadd.s32 $0xFFFFEC00;
	s0 =	sshrl.u32 s15, $0x3  }
0x47: {  	[spmem:s0@s25], [sflag:s22] =	dma.strided [hbm:s4@s26], $0x1400, s24, $0x8   }
0x48: {  	_ =	swait.ge [sflag:s21], $0x1400  }
0x49: {  	[sflag:s21] =	ssyncset.done $0x0  }
0x4a: {  	[sflag:s21] =	ssyncadd.s32 $0xFFFFEC00  }
0x4b: {  	s16 =	simm.s32 $0x0;
	[bflag:$0x0] =	sbarrier.arrive $0xFFFF  }
0x4c: {  	[tilespmem:s23], [sflag:$0x1] =	stream.indirect.gather [spmem:s3], $0x40, s16, s28, $0xb8;
	[tilespmem:$0x1B620] =	vst v63  }
0x4d: {  	s5 =	simm.s32 $0x50  }
0x4e: {  	[tilespmem:s29], [sflag:$0x2] =	stream.indirect.gather [spmem:s3], $0x40, s5, s28, $0xb8;
	[tilespmem:$0x1B620] =	vst v63  }
0x4f: {  	_ =	swait.ge [sflag:s24], $0x1400  }
0x50: {  	[sflag:s24] =	ssyncset.done $0x0  }
0x51: {  	s6 =	simm.s32 $0x2710;
	[sflag:s24] =	ssyncadd.s32 $0xFFFFEC00  }
0x52: {  	[spmem:s2] =	stream.indirect.scatter.add.f32 [tilespmem:s23], [sflag:$0x3], $0x40, s6, s28, $0xb8;
	[tilespmem:$0x1B620] =	vst v63  }
0x53: {  	_ =	swait.ge [sflag:s21], $0x1400  }
0x54: {  	[sflag:s21] =	ssyncset.done $0x0  }
0x55: {  	s15 =	simm.s32 $0xA0;
	[sflag:s21] =	ssyncadd.s32 $0xFFFFEC00  }
0x56: {  	[tilespmem:s23], [sflag:$0x1] =	stream.indirect.gather [spmem:s3], $0x40, s15, s28, $0xb8;
	[tilespmem:$0x1B620] =	vst v63  }
0x57: {  	_ =	swait.ge [sflag:s30], $0x1400  }
0x58: {  	[sflag:s30] =	ssyncset.done $0x0  }
0x59: {  	s16 =	simm.s32 $0x2760;
	[sflag:s30] =	ssyncadd.s32 $0xFFFFEC00  }
0x5a: {  	[spmem:s2] =	stream.indirect.scatter.add.f32 [tilespmem:s29], [sflag:$0x3], $0x40, s16, s28, $0xb8;
	[tilespmem:$0x1B620] =	vst v63  }
0x5b: {  	_ =	swait.ge [sflag:s21], $0x1400  }
0x5c: {  	s4 =	simm.s32 $0xA0;
	s5 =	simm.s32 $0x500;
	[sflag:s21] =	ssyncset.done $0x0  }
.LBB2_4:
0x5d: {  	s6 =	sadd.s32 $0x50, s4  }
0x5e: {  	[sflag:s21] =	ssyncadd.s32 $0xFFFFEC00;
	s15 =	smov.u32 s5;
	s16 =	sadd.s32 $0x280, s5  }
0x5f: {  	[tilespmem:s29], [sflag:$0x2] =	stream.indirect.gather [spmem:s3], $0x40, s6, s28, $0xb8;
	[tilespmem:$0x1B620] =	vst v63  }
0x60: {  	p0 =	sne.s32 s5, $0x9880;
	_ =	swait.ge [sflag:s24], $0x1400  }
0x61: {  	[sflag:s24] =	ssyncset.done $0x0  }
0x62: {  	s5 =	sadd.s32 $0x2710, s4;
	[sflag:s24] =	ssyncadd.s32 $0xFFFFEC00  }
0x63: {  	[spmem:s2] =	stream.indirect.scatter.add.f32 [tilespmem:s23], [sflag:$0x3], $0x40, s5, s28, $0xb8;
	[tilespmem:$0x1B620] =	vst v63  }
0x64: {  	_ =	swait.ge [sflag:s21], $0x1400  }
0x65: {  	[sflag:s21] =	ssyncset.done $0x0  }
0x66: {  	s5 =	sadd.s32 $0xA0, s4;
	[sflag:s21] =	ssyncadd.s32 $0xFFFFEC00  }
0x67: {  	[tilespmem:s23], [sflag:$0x1] =	stream.indirect.gather [spmem:s3], $0x40, s5, s28, $0xb8;
	[tilespmem:$0x1B620] =	vst v63  }
0x68: {  	_ =	swait.ge [sflag:s30], $0x1400  }
.Ltmp1:
0x69: {  	[sflag:s30] =	ssyncset.done $0x0;
	(pc) =	sbr.rel @p0 .LBB2_4-.Ltmp1, $4  }
0x6a: {  	s4 =	sadd.s32 $0x2760, s4;
	[sflag:s30] =	ssyncadd.s32 $0xFFFFEC00  }
0x6b: {  	[spmem:s2] =	stream.indirect.scatter.add.f32 [tilespmem:s29], [sflag:$0x3], $0x40, s4, s28, $0xb8;
	[tilespmem:$0x1B620] =	vst v63  }
0x6c: {  	_ =	swait.ge [sflag:s21], $0x1400  }
0x6d: {  	s5 =	smov.u32 s16;
	s4 =	sshra.s32 s15, $0x2;
	[sflag:s21] =	ssyncset.done $0x0  }
0x6e: {  	s5 =	sadd.s32 $0x50, s4;
	[sflag:s21] =	ssyncadd.s32 $0xFFFFEC00  }
0x6f: {  	[tilespmem:s29], [sflag:$0x2] =	stream.indirect.gather [spmem:s3], $0x40, s5, s28, $0xb8;
	[tilespmem:$0x1B620] =	vst v63  }
0x70: {  	_ =	swait.ge [sflag:s24], $0x1400  }
0x71: {  	[sflag:s24] =	ssyncset.done $0x0  }
0x72: {  	s6 =	sadd.s32 $0x2710, s4;
	[sflag:s24] =	ssyncadd.s32 $0xFFFFEC00  }
0x73: {  	[spmem:s2] =	stream.indirect.scatter.add.f32 [tilespmem:s23], [sflag:$0x3], $0x40, s6, s28, $0xb8;
	[tilespmem:$0x1B620] =	vst v63  }
0x74: {  	_ =	swait.ge [sflag:s21], $0x1400  }
0x75: {  	[sflag:s21] =	ssyncset.done $0x0  }
0x76: {  	s15 =	sadd.s32 $0xA0, s4;
	[sflag:s21] =	ssyncadd.s32 $0xFFFFEC00  }
0x77: {  	[tilespmem:s23], [sflag:$0x1] =	stream.indirect.gather [spmem:s3], $0x40, s15, s28, $0xb8;
	[tilespmem:$0x1B620] =	vst v63  }
0x78: {  	_ =	swait.ge [sflag:s30], $0x1400  }
0x79: {  	[sflag:s30] =	ssyncset.done $0x0  }
0x7a: {  	s16 =	sadd.s32 $0x2760, s4;
	[sflag:s30] =	ssyncadd.s32 $0xFFFFEC00  }
0x7b: {  	[spmem:s2] =	stream.indirect.scatter.add.f32 [tilespmem:s29], [sflag:$0x3], $0x40, s16, s28, $0xb8;
	[tilespmem:$0x1B620] =	vst v63  }
0x7c: {  	_ =	swait.ge [sflag:s21], $0x1400  }
0x7d: {  	[sflag:s21] =	ssyncset.done $0x0  }
0x7e: {  	[sflag:s21] =	ssyncadd.s32 $0xFFFFEC00  }
0x7f: {  	_ =	swait.ge [sflag:s24], $0x1400  }
0x80: {  	[sflag:s24] =	ssyncset.done $0x0  }
0x81: {  	[sflag:s24] =	ssyncadd.s32 $0xFFFFEC00  }
0x82: {  	[spmem:s2] =	stream.indirect.scatter.add.f32 [tilespmem:s23], [sflag:$0x3], $0x40, s31, s28, $0xb8;
	[tilespmem:$0x1B620] =	vst v63  }
0x83: {  	_ =	swait.ge [sflag:s21], $0x1400  }
0x84: {  	[sflag:s21] =	ssyncset.done $0x0  }
0x85: {  	[sflag:s21] =	ssyncadd.s32 $0xFFFFEC00  }
0x86: {  	s4 =	sshrl.u32 s7, $0x3;
	[bflag:$0x0] =	sbarrier.arrive $0xFFFF  }
0x87: {  	[hbm:s17@s26], [sflag:s22] =	dma.strided [spmem:s4@s25], $0x1400, s24, $0x8   }
0x88: {  	_ =	swait.ge [sflag:s21], $0x1400  }
0x89: {  	[sflag:s21] =	ssyncset.done $0x0  }
0x8a: {  	[sflag:s21] =	ssyncadd.s32 $0xFFFFEC00  }
0x8b: {  	s5 =	simm.s32 $0x0;
	s6 =	simm.s32 $0x100;
	[bflag:$0x0] =	sbarrier.arrive $0xFFFF  }
.LBB2_6:
0x8c: {  	p0 =	sne.s32 s6, $0x4F00;
	[tilespmem:s5+$0x4E50] =	vst v0;
	s15 =	smov.u32 s6;
	s6 =	sadd.s32 $0x100, s6  }
.Ltmp2:
0x8d: {  	[tilespmem:s5+$0x4E40] =	vst v0;
	(pc) =	sbr.rel @p0 .LBB2_6-.Ltmp2, $3  }
0x8e: {  	[tilespmem:s5+$0x4E20] =	vst v0  }
0x8f: {  	[tilespmem:s5+$0x4E30] =	vst v0;
	_ =	sdelay $0x1  }
0x90: {  	s5 =	sshra.s32 s15, $0x2  }
0x91: {  	[tilespmem:s5+$0x4E50] =	vst v0  }
0x92: {  	[tilespmem:s5+$0x4E40] =	vst v0  }
0x93: {  	[tilespmem:s5+$0x4E20] =	vst v0  }
0x94: {  	[tilespmem:s5+$0x4E30] =	vst v0  }
0x95: {  	[spmem:s7] =	stream.linear.scatter [tilespmem:s23], [sflag:$0x3], $0x1400, $0x38;
	[tilespmem:$0x1B620] =	vst v63  }
0x96: {  	_ =	swait.ge [sflag:s21], $0x1400  }
0x97: {  	[sflag:s21] =	ssyncset.done $0x0  }
0x98: {  	[sflag:s21] =	ssyncadd.s32 $0xFFFFEC00  }
0x99: {  	[spmem:s8] =	stream.linear.scatter [tilespmem:s23], [sflag:$0x3], $0x1400, $0x38;
	[tilespmem:$0x1B620] =	vst v63  }
0x9a: {  	_ =	swait.ge [sflag:s21], $0x1400  }
0x9b: {  	[sflag:s21] =	ssyncset.done $0x0  }
0x9c: {  	[sflag:s21] =	ssyncadd.s32 $0xFFFFEC00  }
0x9d: {  	[spmem:s9] =	stream.linear.scatter [tilespmem:s23], [sflag:$0x3], $0x1400, $0x38;
	[tilespmem:$0x1B620] =	vst v63  }
0x9e: {  	_ =	swait.ge [sflag:s21], $0x1400  }
0x9f: {  	[sflag:s21] =	ssyncset.done $0x0  }
0xa0: {  	[sflag:s21] =	ssyncadd.s32 $0xFFFFEC00  }
0xa1: {  	[spmem:s10] =	stream.linear.scatter [tilespmem:s23], [sflag:$0x3], $0x1400, $0x38;
	[tilespmem:$0x1B620] =	vst v63  }
0xa2: {  	_ =	swait.ge [sflag:s21], $0x1400  }
0xa3: {  	[sflag:s21] =	ssyncset.done $0x0  }
0xa4: {  	[sflag:s21] =	ssyncadd.s32 $0xFFFFEC00  }
0xa5: {  	[spmem:s11] =	stream.linear.scatter [tilespmem:s23], [sflag:$0x3], $0x1400, $0x38;
	[tilespmem:$0x1B620] =	vst v63  }
0xa6: {  	_ =	swait.ge [sflag:s21], $0x1400  }
0xa7: {  	[sflag:s21] =	ssyncset.done $0x0  }
0xa8: {  	[sflag:s21] =	ssyncadd.s32 $0xFFFFEC00  }
0xa9: {  	[spmem:s12] =	stream.linear.scatter [tilespmem:s23], [sflag:$0x3], $0x1400, $0x38;
	[tilespmem:$0x1B620] =	vst v63  }
0xaa: {  	_ =	swait.ge [sflag:s21], $0x1400  }
0xab: {  	[sflag:s21] =	ssyncset.done $0x0  }
0xac: {  	[sflag:s21] =	ssyncadd.s32 $0xFFFFEC00  }
0xad: {  	[spmem:s13] =	stream.linear.scatter [tilespmem:s23], [sflag:$0x3], $0x1400, $0x38;
	[tilespmem:$0x1B620] =	vst v63  }
0xae: {  	_ =	swait.ge [sflag:s21], $0x1400  }
0xaf: {  	[sflag:s21] =	ssyncset.done $0x0  }
0xb0: {  	[sflag:s21] =	ssyncadd.s32 $0xFFFFEC00  }
0xb1: {  	[spmem:s14] =	stream.linear.scatter [tilespmem:s23], [sflag:$0x3], $0x1400, $0x38;
	[tilespmem:$0x1B620] =	vst v63  }
0xb2: {  	_ =	swait.ge [sflag:s21], $0x1400  }
0xb3: {  	[sflag:s21] =	ssyncset.done $0x0  }
0xb4: {  	[sflag:s21] =	ssyncadd.s32 $0xFFFFEC00  }
0xb5: {  	[spmem:s0@s25], [sflag:s22] =	dma.strided [hbm:s18@s26], $0x1400, s24, $0x8   }
0xb6: {  	_ =	swait.ge [sflag:s21], $0x1400  }
0xb7: {  	[sflag:s21] =	ssyncset.done $0x0  }
0xb8: {  	[sflag:s21] =	ssyncadd.s32 $0xFFFFEC00  }
0xb9: {  	s16 =	simm.s32 $0x0;
	[bflag:$0x0] =	sbarrier.arrive $0xFFFF  }
0xba: {  	[tilespmem:s23], [sflag:$0x1] =	stream.indirect.gather [spmem:s3], $0x40, s16, s28, $0xb8;
	[tilespmem:$0x1B620] =	vst v63  }
0xbb: {  	s5 =	simm.s32 $0x50  }
0xbc: {  	[tilespmem:s29], [sflag:$0x2] =	stream.indirect.gather [spmem:s3], $0x40, s5, s28, $0xb8;
	[tilespmem:$0x1B620] =	vst v63  }
0xbd: {  	_ =	swait.ge [sflag:s24], $0x1400  }
0xbe: {  	[sflag:s24] =	ssyncset.done $0x0  }
0xbf: {  	s6 =	simm.s32 $0x2710;
	[sflag:s24] =	ssyncadd.s32 $0xFFFFEC00  }
0xc0: {  	[spmem:s2] =	stream.indirect.scatter.add.f32 [tilespmem:s23], [sflag:$0x3], $0x40, s6, s28, $0xb8;
	[tilespmem:$0x1B620] =	vst v63  }
0xc1: {  	_ =	swait.ge [sflag:s21], $0x1400  }
0xc2: {  	[sflag:s21] =	ssyncset.done $0x0  }
0xc3: {  	s15 =	simm.s32 $0xA0;
	[sflag:s21] =	ssyncadd.s32 $0xFFFFEC00  }
0xc4: {  	[tilespmem:s23], [sflag:$0x1] =	stream.indirect.gather [spmem:s3], $0x40, s15, s28, $0xb8;
	[tilespmem:$0x1B620] =	vst v63  }
0xc5: {  	_ =	swait.ge [sflag:s30], $0x1400  }
0xc6: {  	[sflag:s30] =	ssyncset.done $0x0  }
0xc7: {  	s16 =	simm.s32 $0x2760;
	[sflag:s30] =	ssyncadd.s32 $0xFFFFEC00  }
0xc8: {  	[spmem:s2] =	stream.indirect.scatter.add.f32 [tilespmem:s29], [sflag:$0x3], $0x40, s16, s28, $0xb8;
	[tilespmem:$0x1B620] =	vst v63  }
0xc9: {  	_ =	swait.ge [sflag:s21], $0x1400  }
0xca: {  	s0 =	simm.s32 $0xA0;
	s5 =	simm.s32 $0x500;
	[sflag:s21] =	ssyncset.done $0x0  }
.LBB2_8:
0xcb: {  	s6 =	sadd.s32 $0x50, s0  }
0xcc: {  	[sflag:s21] =	ssyncadd.s32 $0xFFFFEC00;
	s15 =	smov.u32 s5;
	s16 =	sadd.s32 $0x280, s5  }
0xcd: {  	[tilespmem:s29], [sflag:$0x2] =	stream.indirect.gather [spmem:s3], $0x40, s6, s28, $0xb8;
	[tilespmem:$0x1B620] =	vst v63  }
0xce: {  	p0 =	sne.s32 s5, $0x9880;
	_ =	swait.ge [sflag:s24], $0x1400  }
0xcf: {  	[sflag:s24] =	ssyncset.done $0x0  }
0xd0: {  	s5 =	sadd.s32 $0x2710, s0;
	[sflag:s24] =	ssyncadd.s32 $0xFFFFEC00  }
0xd1: {  	[spmem:s2] =	stream.indirect.scatter.add.f32 [tilespmem:s23], [sflag:$0x3], $0x40, s5, s28, $0xb8;
	[tilespmem:$0x1B620] =	vst v63  }
0xd2: {  	_ =	swait.ge [sflag:s21], $0x1400  }
0xd3: {  	[sflag:s21] =	ssyncset.done $0x0  }
0xd4: {  	s5 =	sadd.s32 $0xA0, s0;
	[sflag:s21] =	ssyncadd.s32 $0xFFFFEC00  }
0xd5: {  	[tilespmem:s23], [sflag:$0x1] =	stream.indirect.gather [spmem:s3], $0x40, s5, s28, $0xb8;
	[tilespmem:$0x1B620] =	vst v63  }
0xd6: {  	_ =	swait.ge [sflag:s30], $0x1400  }
.Ltmp3:
0xd7: {  	[sflag:s30] =	ssyncset.done $0x0;
	(pc) =	sbr.rel @p0 .LBB2_8-.Ltmp3, $4  }
0xd8: {  	s0 =	sadd.s32 $0x2760, s0;
	[sflag:s30] =	ssyncadd.s32 $0xFFFFEC00  }
0xd9: {  	[spmem:s2] =	stream.indirect.scatter.add.f32 [tilespmem:s29], [sflag:$0x3], $0x40, s0, s28, $0xb8;
	[tilespmem:$0x1B620] =	vst v63  }
0xda: {  	_ =	swait.ge [sflag:s21], $0x1400  }
0xdb: {  	s5 =	smov.u32 s16;
	s0 =	sshra.s32 s15, $0x2;
	[sflag:s21] =	ssyncset.done $0x0  }
0xdc: {  	s5 =	sadd.s32 $0x50, s0;
	[sflag:s21] =	ssyncadd.s32 $0xFFFFEC00  }
0xdd: {  	[tilespmem:s29], [sflag:$0x2] =	stream.indirect.gather [spmem:s3], $0x40, s5, s28, $0xb8;
	[tilespmem:$0x1B620] =	vst v63  }
0xde: {  	_ =	swait.ge [sflag:s24], $0x1400  }
0xdf: {  	[sflag:s24] =	ssyncset.done $0x0  }
0xe0: {  	s6 =	sadd.s32 $0x2710, s0;
	[sflag:s24] =	ssyncadd.s32 $0xFFFFEC00  }
0xe1: {  	[spmem:s2] =	stream.indirect.scatter.add.f32 [tilespmem:s23], [sflag:$0x3], $0x40, s6, s28, $0xb8;
	[tilespmem:$0x1B620] =	vst v63  }
0xe2: {  	_ =	swait.ge [sflag:s21], $0x1400  }
0xe3: {  	[sflag:s21] =	ssyncset.done $0x0  }
0xe4: {  	s15 =	sadd.s32 $0xA0, s0;
	[sflag:s21] =	ssyncadd.s32 $0xFFFFEC00  }
0xe5: {  	[tilespmem:s23], [sflag:$0x1] =	stream.indirect.gather [spmem:s3], $0x40, s15, s28, $0xb8;
	[tilespmem:$0x1B620] =	vst v63  }
0xe6: {  	_ =	swait.ge [sflag:s30], $0x1400  }
0xe7: {  	[sflag:s30] =	ssyncset.done $0x0  }
0xe8: {  	s16 =	sadd.s32 $0x2760, s0;
	[sflag:s30] =	ssyncadd.s32 $0xFFFFEC00  }
0xe9: {  	[spmem:s2] =	stream.indirect.scatter.add.f32 [tilespmem:s29], [sflag:$0x3], $0x40, s16, s28, $0xb8;
	[tilespmem:$0x1B620] =	vst v63  }
0xea: {  	_ =	swait.ge [sflag:s21], $0x1400  }
0xeb: {  	[sflag:s21] =	ssyncset.done $0x0  }
0xec: {  	[sflag:s21] =	ssyncadd.s32 $0xFFFFEC00  }
0xed: {  	_ =	swait.ge [sflag:s24], $0x1400  }
0xee: {  	[sflag:s24] =	ssyncset.done $0x0  }
0xef: {  	[sflag:s24] =	ssyncadd.s32 $0xFFFFEC00  }
0xf0: {  	[spmem:s2] =	stream.indirect.scatter.add.f32 [tilespmem:s23], [sflag:$0x3], $0x40, s31, s28, $0xb8;
	[tilespmem:$0x1B620] =	vst v63  }
0xf1: {  	_ =	swait.ge [sflag:s21], $0x1400  }
0xf2: {  	s1 =	sadd.s32 $0x1, s1;
	[sflag:s21] =	ssyncset.done $0x0  }
0xf3: {  	p0 =	sne.s32 s1, s20;
	[sflag:s21] =	ssyncadd.s32 $0xFFFFEC00  }
.Ltmp4:
0xf4: {  	[bflag:$0x0] =	sbarrier.arrive $0xFFFF;
	(pc) =	sbr.rel @p0 .LBB2_1-.Ltmp4, $4  }
0xf5: {  	[hbm:s19@s26], [sflag:s22] =	dma.strided [spmem:s4@s25], $0x1400, s24, $0x8   }
0xf6: {  	_ =	swait.ge [sflag:s21], $0x1400  }
0xf7: {  	[sflag:s21] =	ssyncset.done $0x0  }
0xf8: {  	[sflag:s21] =	ssyncadd.s32 $0xFFFFEC00  }
0xf9: {  	_ =	sfence.sel $0x180000  }
0xfa: {  	[bflag:$0x0] =	sbarrier.arrive $0xFFFF  }
0xfb: {  	_ =	strace $0x9000004A  }
0xfc: {  	s0 =	stileid.u32;
	[bflag:$0x2] =	sbarrier.arrive $0xFFFF  }
0xfd: {  	p0 =	sne.s32 s0, $0x0;
	s0 =	rddreg [dreg:$0x3]  }
0xfe: {  	s0 =	sadd.s32 @!p0 $0x100000, s0  }
0xff: {  	[sflag:s0] =	ssyncadd.tile.s32 @!p0 $0x1;
	_ =	shalt  }
.Lfunc_end2:
_tile_overlayer_lowered:
.L_overlay_start_2:
0x100: {  	(tag) =	ssettag $0x2  }
0x101: {  	s0 =	rddreg [dreg:$0x0];
	s2 =	stileid.u32  }
0x102: {  	s1 =	rddreg [dreg:$0x1];
	p0 =	sne.s32 s2, $0x0  }
0x103: {  	s3 =	rddreg [dreg:$0x2];
	[bflag:$0x3] =	sbarrier.arrive $0xFFFF;
	s2 =	simm.s32 @!p0 $0x1C03  }
0x104: {  	[timem:s3], [sflag:s2] =	dma.local @!p0 [hbm:s0], s1  }
0x105: {  	s0 =	simm.s32 @!p0 $0x3  }
0x106: {  	_ =	swait.ge @!p0 [sflag:s0], s1  }
0x107: {  	s1 =	ssub.s32 @!p0 $0x0, s1;
	[sflag:s0] =	ssyncset.done @!p0 $0x0  }
0x108: {  	[sflag:s0] =	ssyncadd.s32 @!p0 s1  }
0x109: {  	[bflag:$0x3] =	sbarrier.arrive $0xFFFF  }
0x10a: {  	_ =	shalt  }

// kernel: kernel.14.cloned.1.call-start
scs
__scs_entry_jumppad:
0x0: {  	(pc) =	sbr.rel $0x88, $3  }
0x1: {  	(tag) =	ssettag $0x0;
	lr =	simm.s32 $0x1  }
0x2: {  	[smem:$0x3F9B] =	sst lr;
	_ =	strace $0xD0000000  }
0x3: {  	_ = 	snop  }
0x4: {  	_ = 	snop  }
0x5: {  	_ = 	snop  }
0x6: {  	_ = 	snop  }
0x7: {  	_ = 	snop  }
__scs_overlays_trampoline_lowered:
0x8: {  	[smem:$0x3FAA] =	sst s0  }
0x9: {  	[smem:$0x3FAB] =	sst s1  }
0xa: {  	[smem:$0x3FAC] =	sst s2  }
0xb: {  	[smem:$0x3FAD] =	sst s3  }
0xc: {  	[smem:$0x3FAE] =	sst s4  }
0xd: {  	[smem:$0x3FAF] =	sst s5  }
0xe: {  	[smem:$0x3FB0] =	sst s6  }
0xf: {  	[smem:$0x3FB1] =	sst s7  }
0x10: {  	[smem:$0x3FB2] =	sst s8  }
0x11: {  	[smem:$0x3FB3] =	sst s9;
	s0 =	simm.s32 @!p0 $0x0  }
0x12: {  	s1 =	sld [smem:$0x3F99];
	s0 =	simm.s32 @p0 $0x1  }
0x13: {  	[smem:$0x3FB4] =	sst s0;
	s0 =	simm.s32 @!p1 $0x0  }
0x14: {  	s2 =	sld [smem:$0x3F98];
	s0 =	simm.s32 @p1 $0x1  }
0x15: {  	[smem:$0x3FB5] =	sst s0;
	s0 =	simm.s32 @!p2 $0x0  }
0x16: {  	s3 =	sld [smem:$0x3FDB];
	s0 =	simm.s32 @p2 $0x1  }
0x17: {  	s4 =	simm.s32 $0x1BF5;
	[smem:$0x3FB7] =	sst s0  }
0x18: {  	s0 =	sld [smem:$0x3F9A];
	_ =	swait.ge [sflag:s4], $0x0  }
0x19: {  	s7 =	sld [smem:$0x3F9B]  }
0x1a: {  	s8 =	sadd.s32 $0xFFFFE003, lr  }
0x1b: {  	s9 =	sadd.s32 $0xFFFFFEF7, lr;
	s5 =	simm.s32 $0xFFFFFFFF;
	p2 =	slt.u32 s8, $0xFFFFF086  }
0x1c: {  	p1 =	slt.u32 s9, $0xF7A;
	s5 =	simm.s32 @!p2 $0x0  }
0x1d: {  	s5 =	simm.s32 @p1 $0x1;
	p0 =	seq.s32 s7, s2  }
0x1e: {  	s7 =	smul.u32 @!p0 $0xF7A, s2;
	p2 =	seq.s32 @!p0 s5, $0x0  }
0x1f: {  	s9 =	smul.u32 $0xF7A, s1;
	s8 =	simm.s32 @!p0 $0x1BF5;
	p2 =	por !p2, p0  }
0x20: {  	[sflag:s8] =	ssyncset.s32 @!p0 $0xFFFFF086;
	s6 =	sadd.s32 @!p0 s3, s7;
	s7 =	simm.s32 @!p0 $0x108  }
0x21: {  	s3 =	sadd.s32 s3, s9;
	s6 =	sadd.s32 @!p0 $0x88, s6;
	s7 =	simm.s32 @p2 $0x1082  }
0x22: {  	[simem:s7], [sflag:s8] =	dma.local @!p0 [hbm:s6], $0xF7A  }
0x23: {  	s9 =	sor.u32 $0xD0000000, s2;
	s6 =	simm.s32 $0x108;
	_ =	swait.ge @!p0 [sflag:s8], $0x0  }
0x24: {  	s3 =	sadd.s32 $0x88, s3;
	s6 =	simm.s32 @!p1 $0x1082;
	[sflag:s4] =	ssyncset.s32 $0xFFFFF086  }
0x25: {  	[simem:s6], [sflag:s4] =	dma.local [hbm:s3], $0xF7A  }
0x26: {  	[smem:$0x3F9B] =	sst s1;
	(tag) =	ssettag s2;
	_ =	strace s9  }
0x27: {  	s1 =	sld [smem:$0x3FAB]  }
0x28: {  	s2 =	sld [smem:$0x3FAC]  }
0x29: {  	s4 =	sld [smem:$0x3FAE]  }
0x2a: {  	p0 =	seq.s32 s5, $0x0;
	s5 =	sld [smem:$0x3FAF]  }
0x2b: {  	s6 =	sld [smem:$0x3FB0]  }
0x2c: {  	s7 =	sld [smem:$0x3FB1]  }
0x2d: {  	s3 =	simm.s32 $0x108;
	s8 =	sld [smem:$0x3FB2]  }
0x2e: {  	s3 =	simm.s32 @!p0 $0x1082;
	s9 =	sld [smem:$0x3FB3]  }
0x2f: {  	lr =	sadd.s32 s0, s3;
	s0 =	sld [smem:$0x3FAA]  }
0x30: {  	s3 =	sld [smem:$0x3FAD]  }
0x31: {  	[smem:$0x3FB6] =	sst s10  }
0x32: {  	s10 =	sld [smem:$0x3FB4];
	_ =	sdelay $0x3  }
0x33: {  	p0 =	seq.s32 s10, $0x1;
	s10 =	sld [smem:$0x3FB6];
	_ =	sdelay $0x3  }
0x34: {  	[smem:$0x3FB6] =	sst s10  }
0x35: {  	s10 =	sld [smem:$0x3FB5];
	_ =	sdelay $0x3  }
0x36: {  	p1 =	seq.s32 s10, $0x1;
	s10 =	sld [smem:$0x3FB6];
	_ =	sdelay $0x3  }
0x37: {  	[smem:$0x3FB6] =	sst s10  }
0x38: {  	s10 =	sld [smem:$0x3FB7]  }
0x39: {  	_ = 	snop;
	(pc) =	sbr.ind lr, $3  }
0x3a: {  	_ = 	snop  }
0x3b: {  	_ = 	snop  }
0x3c: {  	p2 =	seq.s32 s10, $0x1;
	s10 =	sld [smem:$0x3FB6]  }
0x3d: {  	_ =	shalt  }
0x3e: {  	_ =	shalt  }
0x3f: {  	_ =	shalt  }
0x40: {  	_ =	shalt  }
0x41: {  	_ =	shalt  }
0x42: {  	_ =	shalt  }
0x43: {  	_ =	shalt  }
0x44: {  	_ =	shalt  }
0x45: {  	_ =	shalt  }
0x46: {  	_ =	shalt  }
0x47: {  	_ =	shalt  }
0x48: {  	_ =	shalt  }
0x49: {  	_ =	shalt  }
0x4a: {  	_ =	shalt  }
0x4b: {  	_ =	shalt  }
0x4c: {  	_ =	shalt  }
0x4d: {  	_ =	shalt  }
0x4e: {  	_ =	shalt  }
0x4f: {  	_ =	shalt  }
0x50: {  	_ =	shalt  }
0x51: {  	_ =	shalt  }
0x52: {  	_ =	shalt  }
0x53: {  	_ =	shalt  }
0x54: {  	_ =	shalt  }
0x55: {  	_ =	shalt  }
0x56: {  	_ =	shalt  }
0x57: {  	_ =	shalt  }
0x58: {  	_ =	shalt  }
0x59: {  	_ =	shalt  }
0x5a: {  	_ =	shalt  }
0x5b: {  	_ =	shalt  }
0x5c: {  	_ =	shalt  }
0x5d: {  	_ =	shalt  }
0x5e: {  	_ =	shalt  }
0x5f: {  	_ =	shalt  }
0x60: {  	_ =	shalt  }
0x61: {  	_ =	shalt  }
0x62: {  	_ =	shalt  }
0x63: {  	_ =	shalt  }
0x64: {  	_ =	shalt  }
0x65: {  	_ =	shalt  }
0x66: {  	_ =	shalt  }
0x67: {  	_ =	shalt  }
0x68: {  	_ =	shalt  }
0x69: {  	_ =	shalt  }
0x6a: {  	_ =	shalt  }
0x6b: {  	_ =	shalt  }
0x6c: {  	_ =	shalt  }
0x6d: {  	_ =	shalt  }
0x6e: {  	_ =	shalt  }
0x6f: {  	_ =	shalt  }
0x70: {  	_ =	shalt  }
0x71: {  	_ =	shalt  }
0x72: {  	_ =	shalt  }
0x73: {  	_ =	shalt  }
0x74: {  	_ =	shalt  }
0x75: {  	_ =	shalt  }
0x76: {  	_ =	shalt  }
0x77: {  	_ =	shalt  }
0x78: {  	_ =	shalt  }
0x79: {  	_ =	shalt  }
0x7a: {  	_ =	shalt  }
0x7b: {  	_ =	shalt  }
0x7c: {  	_ =	shalt  }
0x7d: {  	_ =	shalt  }
0x7e: {  	_ =	shalt  }
0x7f: {  	_ =	shalt  }
0x80: {  	_ =	shalt  }
0x81: {  	_ =	shalt  }
0x82: {  	_ =	shalt  }
0x83: {  	_ =	shalt  }
0x84: {  	_ =	shalt  }
0x85: {  	_ =	shalt  }
0x86: {  	_ =	shalt  }
0x87: {  	_ =	shalt  }
.Lfunc_end0:
.L_simem_size_0:
called_computation.2_lowered:
.L_overlay_start_0:
0x88: {  	s2 =	sld [smem:$0x3FD9]  }
0x89: {  	s3 =	sld [smem:$0x3FFE];
	_ =	sdelay $0x1  }
0x8a: {  	s1 =	srdreg.scid  }
0x8b: {  	s0 =	sand.u32 $0x1, s1  }
0x8c: {  	s16 =	sshll.u32 s0, $0xA;
	s2 =	sadd.s32 s3, s2  }
0x8d: {  	s2 =	sadd.s32 s2, s16  }
0x8e: {  	[smem:$0x3FC2] =	sst s2  }
0x8f: {  	_ = 	snop  }
0x90: {  	(tm) =	ssettm $0x1  }
0x91: {  	s17 =	sld [smem:$0x3FFB];
	_ =	sdelay $0x3  }
0x92: {  	_ =	strace s17  }
0x93: {  	s2 =	sld [smem:$0x3FFC];
	_ =	sdelay $0x3  }
0x94: {  	_ =	strace s2  }
0x95: {  	s2 =	sld [smem:$0x3FFD];
	_ =	sdelay $0x3  }
0x96: {  	_ =	strace s2  }
0x97: {  	_ =	strace $0x8FFFFFFF  }
0x98: {  	s18 =	sld [smem:$0x3FDB];
	_ =	sdelay $0x1  }
0x99: {  	s19 =	simm.s32 $_scs_section_size  }
0x9a: {  	s4 =	simm.s32 $_size__tile_overlayer_lowered;
	s5 =	simm.s32 $_tile_overlayer_lowered  }
0x9b: {  	s22 =	simm.s32 $0x1BFF;
	s21 =	sshll.u32 s5, $0x1;
	s2 =	sadd.s32 s19, s18  }
0x9c: {  	s6 =	simm.s32 $0x0;
	s20 =	sshll.u32 s4, $0x1;
	s4 =	sadd.s32 s21, s2  }
0x9d: {  	[timem:s6], [sflag:s22] =	dma.local [hbm:s4], s20  }
0x9e: {  	_ =	swait.ge [sflag:s22], s20  }
0x9f: {  	s3 =	ssub.s32 $0x0, s20;
	[sflag:s22] =	ssyncset.done $0x0  }
0xa0: {  	[sflag:s22] =	ssyncadd.s32 s3;
	_ =	sdelay $0x1  }
0xa1: {  	s23 =	simm.s32 $0x1B8B  }
0xa2: {  	_ =	swait.ge [sflag:s23], $0x1  }
0xa3: {  	[sflag:s23] =	ssyncset.done $0x0  }
0xa4: {  	s25 =	simm.s32 $0x1B8E;
	s24 =	sld [smem:$0x3FFE];
	[sflag:s23] =	ssyncadd.s32 $0xFFFFFFFF  }
0xa5: {  	s26 =	simm.s32 $execute0_lowered;
	[smem:$0x3FD2] =	sst s25  }
0xa6: {  	s4 =	sshll.u32 s26, $0x1;
	_ =	strace $0x8000004C;
	[dreg:$0x1] =	wrdreg $0xFFFFFFFF  }
0xa7: {  	s28 =	simm.s32 $_size_execute0_lowered;
	s2 =	sadd.s32 s2, s4;
	[dreg:$0x0] =	wrdreg $0x0  }
0xa8: {  	s4 =	sshll.u32 s28, $0x1;
	[dreg:$0x2] =	wrdreg s2  }
0xa9: {  	[dreg:$0x3] =	wrdreg s4  }
0xaa: {  	[dreg:$0x4] =	wrdreg $0xC0  }
0xab: {  	_ =	task [dreg:s6], $0x5FFFF  }
0xac: {  	[dreg:$0x1] =	wrdreg $0xFFFFFFFF  }
0xad: {  	[dreg:$0x0] =	wrdreg $0x60  }
0xae: {  	[dreg:$0x2] =	wrdreg s24  }
0xaf: {  	[dreg:$0x3] =	wrdreg $0x116200  }
0xb0: {  	[dreg:$0x4] =	wrdreg $0x76200  }
0xb1: {  	[dreg:$0x5] =	wrdreg $0x9  }
0xb2: {  	_ =	task.clear_ibuf [dreg:s6], $0x6FFFF;
	_ =	strace $0x9000004C  }
0xb3: {  	s29 =	simm.s32 $0x9;
	_ =	strace $0x8000004E  }
0xb4: {  	_ =	swait.ge [sflag:s29], $0x1  }
0xb5: {  	[sflag:s29] =	ssyncadd.s32 $0xFFFFFFFF  }
0xb6: {  	_ =	strace $0x9000004E  }
0xb7: {  	_ =	sfence  }
0xb8: {  	s30 =	sld [smem:$0x0];
	_ =	sdelay $0x2  }
0xb9: {  	s31 =	sshll.u32 s1, $0xD;
	s1 =	sshrl.u32 s1, $0x2  }
0xba: {  	s3 =	sand.u32 $0x4000, s31;
	s1 =	sadd.s32 s1, s30  }
0xbb: {  	s0 =	sor.u32 s3, s0;
	s1 =	sshll.u32 s1, $0x11  }
0xbc: {  	s0 =	sor.u32 s1, s0  }
0xbd: {  	s0 =	sadd.s32 $0x8F2B, s0  }
0xbe: {  	[sflag:s0] =	ssyncadd.remote.s32 $0x1  }
0xbf: {  	_ =	sfence.sel $0xFFFF  }
0xc0: {  	[dreg:$0x0] =	wrdreg $0xFFFFFFFF;
	(pc) =	sbr.abs _section_cstart, $3  }
0xc1: {  	[dreg:$0x1] =	wrdreg $0xFFFFFFFF  }
0xc2: {  	_ =	task.clear_ibuf [dreg:s6], $0x2FFFF;
	_ =	strace $0x9FFFFFFF  }
0xc3: {  	(tm) =	ssettm $0x7FFFFFFF  }
tec
execute0_lowered:
.L_overlay_start_1:
0x0: {  	(tag) =	ssettag $0x1  }
0x1: {  	s0 =	rddreg [dreg:$0x0]  }
0x2: {  	s2 =	rddreg [dreg:$0x1]  }
0x3: {  	s3 =	rddreg [dreg:$0x2]  }
0x4: {  	s5 =	simm.s32 $0x0;
	s4 =	stileid.u32;
	s1 =	srdreg.scid  }
0x5: {  	s18 =	simm.s32 $0x3;
	s20 =	simm.s32 $0x4E20;
	s22 =	simm.s32 $0x1  }
0x6: {  	s23 =	simm.s32 $0x8;
	s24 =	simm.s32 $0x10;
	s25 =	simm.s32 $0x50  }
0x7: {  	s28 =	simm.s32 $0x2;
	s30 =	simm.s32 $0x0;
	s26 =	smul.u32 $0x14000, s4  }
0x8: {  	[smem:$0x7FF] =	sst s5;
	s1 =	sand.u32 $0x1, s1;
	s29 =	smul.u32 $0x28000, s4  }
0x9: {  	s16 =	smul.u32 $0xA000, s4;
	_ =	strace $0x8000004D;
	s6 =	sshll.u32 s1, $0x4  }
0xa: {  	s8 =	sshll.u32 s1, $0x6;
	s1 =	ssub.s32 $0x2, s1;
	s7 =	sshrl.u32 s26, $0x3  }
0xb: {  	s6 =	sor.u32 s4, s6;
	s5 =	sor.u32 s8, s26;
	s31 =	sshrl.u32 s1, $0x1  }
0xc: {  	s21 =	sadd.s32 s16, s3;
	s26 =	simm.s32 $0x6220;
	s15 =	sadd.s32 s7, s0  }
0xd: {  	s6 =	smul.u32 $0x4E2, s6;
	s5 =	sshrl.u32 s5, $0x3;
	s7 =	sshrl.u32 s29, $0x2  }
0xe: {  	s1 =	ssub.s32 s1, s31;
	s21 =	sshrl.u32 s21, $0x3;
	s14 =	sadd.s32 s7, s2  }
0xf: {  	s7 =	sadd.s32 s16, s2;
	s15 =	sadd.s32 $0x66A00, s15;
	s17 =	smax.u32 s1, $0x1  }
0x10: {  	s6 =	sadd.s32 s6, s0;
	s0 =	sadd.s32 s5, s0;
	s8 =	sadd.s32 $0x1400, s14  }
0x11: {  	s9 =	sadd.s32 $0x2800, s14;
	s10 =	sadd.s32 $0x3C00, s14;
	s11 =	sadd.s32 $0x5000, s14  }
0x12: {  	s12 =	sadd.s32 $0x6400, s14;
	s13 =	sadd.s32 $0x7800, s14;
	s14 =	sadd.s32 $0x8C00, s14  }
0x13: {  	v0 =	vimm.f32 $0.0e+00;
	s5 =	sadd.s32 $0x2E00, s6;
	s6 =	sadd.s32 $0xCC00, s6;
	s16 =	sadd.s32 $0x8EA00, s0  }
.LBB2_1:
0x14: {  	s0 =	simm.s32 $0x0  }
0x15: {  	[tilespmem:s0], [sflag:$0x3] =	stream.linear.gather [hbm4b:s5+s0], $0x2710, $0x38;
	[tilespmem:$0x1B620] =	vst v63  }
0x16: {  	_ =	swait.ge [sflag:s18], $0x2710  }
0x17: {  	[sflag:s18] =	ssyncset.done $0x0  }
0x18: {  	s1 =	simm.s32 $0x2710;
	[sflag:s18] =	ssyncadd.s32 $0xFFFFD8F0  }
0x19: {  	[tilespmem:s1], [sflag:$0x3] =	stream.linear.gather [hbm4b:s6+s0], $0x2710, $0x38;
	[tilespmem:$0x1B620] =	vst v63  }
0x1a: {  	_ =	swait.ge [sflag:s18], $0x2710  }
0x1b: {  	[sflag:s18] =	ssyncset.done $0x0  }
0x1c: {  	s31 =	simm.s32 $0x100;
	s0 =	simm.s32 $0x0;
	[sflag:s18] =	ssyncadd.s32 $0xFFFFD8F0  }
.LBB2_2:
0x1d: {  	p0 =	sne.s32 s31, $0x4F00;
	[tilespmem:s0+$0x4E50] =	vst v0;
	s1 =	smov.u32 s31;
	s31 =	sadd.s32 $0x100, s31  }
.Ltmp0:
0x1e: {  	[tilespmem:s0+$0x4E40] =	vst v0;
	(pc) =	sbr.rel @p0 .LBB2_2-.Ltmp0, $3  }
0x1f: {  	[tilespmem:s0+$0x4E20] =	vst v0  }
0x20: {  	[tilespmem:s0+$0x4E30] =	vst v0;
	_ =	sdelay $0x1  }
0x21: {  	s0 =	sshra.s32 s1, $0x2  }
0x22: {  	[tilespmem:s0+$0x4E50] =	vst v0  }
0x23: {  	[tilespmem:s0+$0x4E40] =	vst v0  }
0x24: {  	[tilespmem:s0+$0x4E20] =	vst v0  }
0x25: {  	[tilespmem:s0+$0x4E30] =	vst v0  }
0x26: {  	[spmem:s7] =	stream.linear.scatter [tilespmem:s20], [sflag:$0x3], $0x1400, $0x38;
	[tilespmem:$0x1B620] =	vst v63  }
0x27: {  	_ =	swait.ge [sflag:s18], $0x1400  }
0x28: {  	[sflag:s18] =	ssyncset.done $0x0  }
0x29: {  	[sflag:s18] =	ssyncadd.s32 $0xFFFFEC00  }
0x2a: {  	[spmem:s8] =	stream.linear.scatter [tilespmem:s20], [sflag:$0x3], $0x1400, $0x38;
	[tilespmem:$0x1B620] =	vst v63  }
0x2b: {  	_ =	swait.ge [sflag:s18], $0x1400  }
0x2c: {  	[sflag:s18] =	ssyncset.done $0x0  }
0x2d: {  	[sflag:s18] =	ssyncadd.s32 $0xFFFFEC00  }
0x2e: {  	[spmem:s9] =	stream.linear.scatter [tilespmem:s20], [sflag:$0x3], $0x1400, $0x38;
	[tilespmem:$0x1B620] =	vst v63  }
0x2f: {  	_ =	swait.ge [sflag:s18], $0x1400  }
0x30: {  	[sflag:s18] =	ssyncset.done $0x0  }
0x31: {  	[sflag:s18] =	ssyncadd.s32 $0xFFFFEC00  }
0x32: {  	[spmem:s10] =	stream.linear.scatter [tilespmem:s20], [sflag:$0x3], $0x1400, $0x38;
	[tilespmem:$0x1B620] =	vst v63  }
0x33: {  	_ =	swait.ge [sflag:s18], $0x1400  }
0x34: {  	[sflag:s18] =	ssyncset.done $0x0  }
0x35: {  	[sflag:s18] =	ssyncadd.s32 $0xFFFFEC00  }
0x36: {  	[spmem:s11] =	stream.linear.scatter [tilespmem:s20], [sflag:$0x3], $0x1400, $0x38;
	[tilespmem:$0x1B620] =	vst v63  }
0x37: {  	_ =	swait.ge [sflag:s18], $0x1400  }
0x38: {  	[sflag:s18] =	ssyncset.done $0x0  }
0x39: {  	[sflag:s18] =	ssyncadd.s32 $0xFFFFEC00  }
0x3a: {  	[spmem:s12] =	stream.linear.scatter [tilespmem:s20], [sflag:$0x3], $0x1400, $0x38;
	[tilespmem:$0x1B620] =	vst v63  }
0x3b: {  	_ =	swait.ge [sflag:s18], $0x1400  }
0x3c: {  	[sflag:s18] =	ssyncset.done $0x0  }
0x3d: {  	[sflag:s18] =	ssyncadd.s32 $0xFFFFEC00  }
0x3e: {  	[spmem:s13] =	stream.linear.scatter [tilespmem:s20], [sflag:$0x3], $0x1400, $0x38;
	[tilespmem:$0x1B620] =	vst v63  }
0x3f: {  	_ =	swait.ge [sflag:s18], $0x1400  }
0x40: {  	[sflag:s18] =	ssyncset.done $0x0  }
0x41: {  	[sflag:s18] =	ssyncadd.s32 $0xFFFFEC00  }
0x42: {  	[spmem:s14] =	stream.linear.scatter [tilespmem:s20], [sflag:$0x3], $0x1400, $0x38;
	[tilespmem:$0x1B620] =	vst v63  }
0x43: {  	s19 =	stileid.u32;
	_ =	swait.ge [sflag:s18], $0x1400  }
0x44: {  	s0 =	sshll.u32 s19, $0x6;
	[sflag:s18] =	ssyncset.done $0x0  }
0x45: {  	s31 =	sor.u32 $0x1C03, s0;
	[sflag:s18] =	ssyncadd.s32 $0xFFFFEC00  }
0x46: {  	[spmem:s21@s23], [sflag:s31] =	dma.strided [hbm:s15@s24], $0x1400, s22, $0x8   }
0x47: {  	_ =	swait.ge [sflag:s18], $0x1400  }
0x48: {  	[sflag:s18] =	ssyncset.done $0x0  }
0x49: {  	[sflag:s18] =	ssyncadd.s32 $0xFFFFEC00  }
0x4a: {  	s29 =	simm.s32 $0x0;
	[bflag:$0x0] =	sbarrier.arrive $0xFFFF  }
0x4b: {  	[tilespmem:s20], [sflag:$0x1] =	stream.indirect.gather [spmem:s3], $0x40, s29, s25, $0xb8;
	[tilespmem:$0x1B620] =	vst v63  }
0x4c: {  	s1 =	simm.s32 $0x50  }
0x4d: {  	[tilespmem:s26], [sflag:$0x2] =	stream.indirect.gather [spmem:s3], $0x40, s1, s25, $0xb8;
	[tilespmem:$0x1B620] =	vst v63  }
0x4e: {  	_ =	swait.ge [sflag:s22], $0x1400  }
0x4f: {  	[sflag:s22] =	ssyncset.done $0x0  }
0x50: {  	s4 =	simm.s32 $0x2710;
	[sflag:s22] =	ssyncadd.s32 $0xFFFFEC00  }
0x51: {  	[spmem:s2] =	stream.indirect.scatter.add.f32 [tilespmem:s20], [sflag:$0x3], $0x40, s4, s25, $0xb8;
	[tilespmem:$0x1B620] =	vst v63  }
0x52: {  	_ =	swait.ge [sflag:s18], $0x1400  }
0x53: {  	[sflag:s18] =	ssyncset.done $0x0  }
0x54: {  	s19 =	simm.s32 $0xA0;
	[sflag:s18] =	ssyncadd.s32 $0xFFFFEC00  }
0x55: {  	[tilespmem:s20], [sflag:$0x1] =	stream.indirect.gather [spmem:s3], $0x40, s19, s25, $0xb8;
	[tilespmem:$0x1B620] =	vst v63  }
0x56: {  	_ =	swait.ge [sflag:s28], $0x1400  }
0x57: {  	[sflag:s28] =	ssyncset.done $0x0  }
0x58: {  	s29 =	simm.s32 $0x2760;
	[sflag:s28] =	ssyncadd.s32 $0xFFFFEC00  }
0x59: {  	[spmem:s2] =	stream.indirect.scatter.add.f32 [tilespmem:s26], [sflag:$0x3], $0x40, s29, s25, $0xb8;
	[tilespmem:$0x1B620] =	vst v63  }
0x5a: {  	_ =	swait.ge [sflag:s18], $0x1400  }
0x5b: {  	s0 =	simm.s32 $0xA0;
	s1 =	simm.s32 $0x500;
	[sflag:s18] =	ssyncset.done $0x0  }
.LBB2_4:
0x5c: {  	s19 =	sadd.s32 $0x50, s0  }
0x5d: {  	[sflag:s18] =	ssyncadd.s32 $0xFFFFEC00;
	s29 =	smov.u32 s1;
	s4 =	sadd.s32 $0x280, s1  }
0x5e: {  	[tilespmem:s26], [sflag:$0x2] =	stream.indirect.gather [spmem:s3], $0x40, s19, s25, $0xb8;
	[tilespmem:$0x1B620] =	vst v63  }
0x5f: {  	p0 =	sne.s32 s1, $0x9880;
	_ =	swait.ge [sflag:s22], $0x1400  }
0x60: {  	[sflag:s22] =	ssyncset.done $0x0  }
0x61: {  	s1 =	sadd.s32 $0x2710, s0;
	[sflag:s22] =	ssyncadd.s32 $0xFFFFEC00  }
0x62: {  	[spmem:s2] =	stream.indirect.scatter.add.f32 [tilespmem:s20], [sflag:$0x3], $0x40, s1, s25, $0xb8;
	[tilespmem:$0x1B620] =	vst v63  }
0x63: {  	_ =	swait.ge [sflag:s18], $0x1400  }
0x64: {  	[sflag:s18] =	ssyncset.done $0x0  }
0x65: {  	s1 =	sadd.s32 $0xA0, s0;
	[sflag:s18] =	ssyncadd.s32 $0xFFFFEC00  }
0x66: {  	[tilespmem:s20], [sflag:$0x1] =	stream.indirect.gather [spmem:s3], $0x40, s1, s25, $0xb8;
	[tilespmem:$0x1B620] =	vst v63  }
0x67: {  	_ =	swait.ge [sflag:s28], $0x1400  }
.Ltmp1:
0x68: {  	[sflag:s28] =	ssyncset.done $0x0;
	(pc) =	sbr.rel @p0 .LBB2_4-.Ltmp1, $4  }
0x69: {  	s0 =	sadd.s32 $0x2760, s0;
	[sflag:s28] =	ssyncadd.s32 $0xFFFFEC00  }
0x6a: {  	[spmem:s2] =	stream.indirect.scatter.add.f32 [tilespmem:s26], [sflag:$0x3], $0x40, s0, s25, $0xb8;
	[tilespmem:$0x1B620] =	vst v63  }
0x6b: {  	_ =	swait.ge [sflag:s18], $0x1400  }
0x6c: {  	s1 =	smov.u32 s4;
	s0 =	sshra.s32 s29, $0x2;
	[sflag:s18] =	ssyncset.done $0x0  }
0x6d: {  	s1 =	sadd.s32 $0x50, s0;
	[sflag:s18] =	ssyncadd.s32 $0xFFFFEC00  }
0x6e: {  	[tilespmem:s26], [sflag:$0x2] =	stream.indirect.gather [spmem:s3], $0x40, s1, s25, $0xb8;
	[tilespmem:$0x1B620] =	vst v63  }
0x6f: {  	_ =	swait.ge [sflag:s22], $0x1400  }
0x70: {  	[sflag:s22] =	ssyncset.done $0x0  }
0x71: {  	s19 =	sadd.s32 $0x2710, s0;
	[sflag:s22] =	ssyncadd.s32 $0xFFFFEC00  }
0x72: {  	[spmem:s2] =	stream.indirect.scatter.add.f32 [tilespmem:s20], [sflag:$0x3], $0x40, s19, s25, $0xb8;
	[tilespmem:$0x1B620] =	vst v63  }
0x73: {  	_ =	swait.ge [sflag:s18], $0x1400  }
0x74: {  	[sflag:s18] =	ssyncset.done $0x0  }
0x75: {  	s29 =	sadd.s32 $0xA0, s0;
	[sflag:s18] =	ssyncadd.s32 $0xFFFFEC00  }
0x76: {  	[tilespmem:s20], [sflag:$0x1] =	stream.indirect.gather [spmem:s3], $0x40, s29, s25, $0xb8;
	[tilespmem:$0x1B620] =	vst v63  }
0x77: {  	_ =	swait.ge [sflag:s28], $0x1400  }
0x78: {  	[sflag:s28] =	ssyncset.done $0x0  }
0x79: {  	s4 =	sadd.s32 $0x2760, s0;
	[sflag:s28] =	ssyncadd.s32 $0xFFFFEC00  }
0x7a: {  	[spmem:s2] =	stream.indirect.scatter.add.f32 [tilespmem:s26], [sflag:$0x3], $0x40, s4, s25, $0xb8;
	[tilespmem:$0x1B620] =	vst v63  }
0x7b: {  	_ =	swait.ge [sflag:s18], $0x1400  }
0x7c: {  	[sflag:s18] =	ssyncset.done $0x0  }
0x7d: {  	[sflag:s18] =	ssyncadd.s32 $0xFFFFEC00  }
0x7e: {  	_ =	swait.ge [sflag:s22], $0x1400  }
0x7f: {  	[sflag:s22] =	ssyncset.done $0x0  }
0x80: {  	s19 =	simm.s32 $0x4DD0;
	[sflag:s22] =	ssyncadd.s32 $0xFFFFEC00  }
0x81: {  	[spmem:s2] =	stream.indirect.scatter.add.f32 [tilespmem:s20], [sflag:$0x3], $0x40, s19, s25, $0xb8;
	[tilespmem:$0x1B620] =	vst v63  }
0x82: {  	_ =	swait.ge [sflag:s18], $0x1400  }
0x83: {  	s30 =	sadd.s32 $0x1, s30;
	[sflag:s18] =	ssyncset.done $0x0  }
0x84: {  	p0 =	sne.s32 s30, s17;
	[sflag:s18] =	ssyncadd.s32 $0xFFFFEC00  }
.Ltmp2:
0x85: {  	s29 =	sshrl.u32 s7, $0x3;
	[bflag:$0x0] =	sbarrier.arrive $0xFFFF;
	(pc) =	sbr.rel @p0 .LBB2_1-.Ltmp2, $4  }
0x86: {  	[hbm:s16@s24], [sflag:s31] =	dma.strided [spmem:s29@s23], $0x1400, s22, $0x8   }
0x87: {  	_ =	swait.ge [sflag:s18], $0x1400  }
0x88: {  	[sflag:s18] =	ssyncset.done $0x0  }
0x89: {  	[sflag:s18] =	ssyncadd.s32 $0xFFFFEC00  }
0x8a: {  	_ =	sfence.sel $0x180000  }
0x8b: {  	[bflag:$0x0] =	sbarrier.arrive $0xFFFF  }
0x8c: {  	_ =	strace $0x9000004D  }
0x8d: {  	s0 =	stileid.u32;
	[bflag:$0x2] =	sbarrier.arrive $0xFFFF  }
0x8e: {  	p0 =	sne.s32 s0, $0x0;
	s0 =	rddreg [dreg:$0x3]  }
0x8f: {  	s0 =	sadd.s32 @!p0 $0x100000, s0  }
0x90: {  	[sflag:s0] =	ssyncadd.tile.s32 @!p0 $0x1;
	_ =	shalt  }
.Lfunc_end2:
_tile_overlayer_lowered:
.L_overlay_start_2:
0x91: {  	(tag) =	ssettag $0x2  }
0x92: {  	s0 =	rddreg [dreg:$0x0];
	s2 =	stileid.u32  }
0x93: {  	s1 =	rddreg [dreg:$0x1];
	p0 =	sne.s32 s2, $0x0  }
0x94: {  	s3 =	rddreg [dreg:$0x2];
	[bflag:$0x3] =	sbarrier.arrive $0xFFFF;
	s2 =	simm.s32 @!p0 $0x1C03  }
0x95: {  	[timem:s3], [sflag:s2] =	dma.local @!p0 [hbm:s0], s1  }
0x96: {  	s0 =	simm.s32 @!p0 $0x3  }
0x97: {  	_ =	swait.ge @!p0 [sflag:s0], s1  }
0x98: {  	s1 =	ssub.s32 @!p0 $0x0, s1;
	[sflag:s0] =	ssyncset.done @!p0 $0x0  }
0x99: {  	[sflag:s0] =	ssyncadd.s32 @!p0 s1  }
0x9a: {  	[bflag:$0x3] =	sbarrier.arrive $0xFFFF  }
0x9b: {  	_ =	shalt  }

// kernel: kernel.8.cloned.1.call-start
scs
__scs_entry_jumppad:
0x0: {  	(pc) =	sbr.rel $0x88, $3  }
0x1: {  	(tag) =	ssettag $0x0;
	lr =	simm.s32 $0x1  }
0x2: {  	[smem:$0x3F9B] =	sst lr;
	_ =	strace $0xD0000000  }
0x3: {  	_ = 	snop  }
0x4: {  	_ = 	snop  }
0x5: {  	_ = 	snop  }
0x6: {  	_ = 	snop  }
0x7: {  	_ = 	snop  }
__scs_overlays_trampoline_lowered:
0x8: {  	[smem:$0x3FAA] =	sst s0  }
0x9: {  	[smem:$0x3FAB] =	sst s1  }
0xa: {  	[smem:$0x3FAC] =	sst s2  }
0xb: {  	[smem:$0x3FAD] =	sst s3  }
0xc: {  	[smem:$0x3FAE] =	sst s4  }
0xd: {  	[smem:$0x3FAF] =	sst s5  }
0xe: {  	[smem:$0x3FB0] =	sst s6  }
0xf: {  	[smem:$0x3FB1] =	sst s7  }
0x10: {  	[smem:$0x3FB2] =	sst s8  }
0x11: {  	[smem:$0x3FB3] =	sst s9;
	s0 =	simm.s32 @!p0 $0x0  }
0x12: {  	s1 =	sld [smem:$0x3F99];
	s0 =	simm.s32 @p0 $0x1  }
0x13: {  	[smem:$0x3FB4] =	sst s0;
	s0 =	simm.s32 @!p1 $0x0  }
0x14: {  	s2 =	sld [smem:$0x3F98];
	s0 =	simm.s32 @p1 $0x1  }
0x15: {  	[smem:$0x3FB5] =	sst s0;
	s0 =	simm.s32 @!p2 $0x0  }
0x16: {  	s3 =	sld [smem:$0x3FDB];
	s0 =	simm.s32 @p2 $0x1  }
0x17: {  	s4 =	simm.s32 $0x1BF5;
	[smem:$0x3FB7] =	sst s0  }
0x18: {  	s0 =	sld [smem:$0x3F9A];
	_ =	swait.ge [sflag:s4], $0x0  }
0x19: {  	s7 =	sld [smem:$0x3F9B]  }
0x1a: {  	s8 =	sadd.s32 $0xFFFFE003, lr  }
0x1b: {  	s9 =	sadd.s32 $0xFFFFFEF7, lr;
	s5 =	simm.s32 $0xFFFFFFFF;
	p2 =	slt.u32 s8, $0xFFFFF086  }
0x1c: {  	p1 =	slt.u32 s9, $0xF7A;
	s5 =	simm.s32 @!p2 $0x0  }
0x1d: {  	s5 =	simm.s32 @p1 $0x1;
	p0 =	seq.s32 s7, s2  }
0x1e: {  	s7 =	smul.u32 @!p0 $0xF7A, s2;
	p2 =	seq.s32 @!p0 s5, $0x0  }
0x1f: {  	s9 =	smul.u32 $0xF7A, s1;
	s8 =	simm.s32 @!p0 $0x1BF5;
	p2 =	por !p2, p0  }
0x20: {  	[sflag:s8] =	ssyncset.s32 @!p0 $0xFFFFF086;
	s6 =	sadd.s32 @!p0 s3, s7;
	s7 =	simm.s32 @!p0 $0x108  }
0x21: {  	s3 =	sadd.s32 s3, s9;
	s6 =	sadd.s32 @!p0 $0x88, s6;
	s7 =	simm.s32 @p2 $0x1082  }
0x22: {  	[simem:s7], [sflag:s8] =	dma.local @!p0 [hbm:s6], $0xF7A  }
0x23: {  	s9 =	sor.u32 $0xD0000000, s2;
	s6 =	simm.s32 $0x108;
	_ =	swait.ge @!p0 [sflag:s8], $0x0  }
0x24: {  	s3 =	sadd.s32 $0x88, s3;
	s6 =	simm.s32 @!p1 $0x1082;
	[sflag:s4] =	ssyncset.s32 $0xFFFFF086  }
0x25: {  	[simem:s6], [sflag:s4] =	dma.local [hbm:s3], $0xF7A  }
0x26: {  	[smem:$0x3F9B] =	sst s1;
	(tag) =	ssettag s2;
	_ =	strace s9  }
0x27: {  	s1 =	sld [smem:$0x3FAB]  }
0x28: {  	s2 =	sld [smem:$0x3FAC]  }
0x29: {  	s4 =	sld [smem:$0x3FAE]  }
0x2a: {  	p0 =	seq.s32 s5, $0x0;
	s5 =	sld [smem:$0x3FAF]  }
0x2b: {  	s6 =	sld [smem:$0x3FB0]  }
0x2c: {  	s7 =	sld [smem:$0x3FB1]  }
0x2d: {  	s3 =	simm.s32 $0x108;
	s8 =	sld [smem:$0x3FB2]  }
0x2e: {  	s3 =	simm.s32 @!p0 $0x1082;
	s9 =	sld [smem:$0x3FB3]  }
0x2f: {  	lr =	sadd.s32 s0, s3;
	s0 =	sld [smem:$0x3FAA]  }
0x30: {  	s3 =	sld [smem:$0x3FAD]  }
0x31: {  	[smem:$0x3FB6] =	sst s10  }
0x32: {  	s10 =	sld [smem:$0x3FB4];
	_ =	sdelay $0x3  }
0x33: {  	p0 =	seq.s32 s10, $0x1;
	s10 =	sld [smem:$0x3FB6];
	_ =	sdelay $0x3  }
0x34: {  	[smem:$0x3FB6] =	sst s10  }
0x35: {  	s10 =	sld [smem:$0x3FB5];
	_ =	sdelay $0x3  }
0x36: {  	p1 =	seq.s32 s10, $0x1;
	s10 =	sld [smem:$0x3FB6];
	_ =	sdelay $0x3  }
0x37: {  	[smem:$0x3FB6] =	sst s10  }
0x38: {  	s10 =	sld [smem:$0x3FB7]  }
0x39: {  	_ = 	snop;
	(pc) =	sbr.ind lr, $3  }
0x3a: {  	_ = 	snop  }
0x3b: {  	_ = 	snop  }
0x3c: {  	p2 =	seq.s32 s10, $0x1;
	s10 =	sld [smem:$0x3FB6]  }
0x3d: {  	_ =	shalt  }
0x3e: {  	_ =	shalt  }
0x3f: {  	_ =	shalt  }
0x40: {  	_ =	shalt  }
0x41: {  	_ =	shalt  }
0x42: {  	_ =	shalt  }
0x43: {  	_ =	shalt  }
0x44: {  	_ =	shalt  }
0x45: {  	_ =	shalt  }
0x46: {  	_ =	shalt  }
0x47: {  	_ =	shalt  }
0x48: {  	_ =	shalt  }
0x49: {  	_ =	shalt  }
0x4a: {  	_ =	shalt  }
0x4b: {  	_ =	shalt  }
0x4c: {  	_ =	shalt  }
0x4d: {  	_ =	shalt  }
0x4e: {  	_ =	shalt  }
0x4f: {  	_ =	shalt  }
0x50: {  	_ =	shalt  }
0x51: {  	_ =	shalt  }
0x52: {  	_ =	shalt  }
0x53: {  	_ =	shalt  }
0x54: {  	_ =	shalt  }
0x55: {  	_ =	shalt  }
0x56: {  	_ =	shalt  }
0x57: {  	_ =	shalt  }
0x58: {  	_ =	shalt  }
0x59: {  	_ =	shalt  }
0x5a: {  	_ =	shalt  }
0x5b: {  	_ =	shalt  }
0x5c: {  	_ =	shalt  }
0x5d: {  	_ =	shalt  }
0x5e: {  	_ =	shalt  }
0x5f: {  	_ =	shalt  }
0x60: {  	_ =	shalt  }
0x61: {  	_ =	shalt  }
0x62: {  	_ =	shalt  }
0x63: {  	_ =	shalt  }
0x64: {  	_ =	shalt  }
0x65: {  	_ =	shalt  }
0x66: {  	_ =	shalt  }
0x67: {  	_ =	shalt  }
0x68: {  	_ =	shalt  }
0x69: {  	_ =	shalt  }
0x6a: {  	_ =	shalt  }
0x6b: {  	_ =	shalt  }
0x6c: {  	_ =	shalt  }
0x6d: {  	_ =	shalt  }
0x6e: {  	_ =	shalt  }
0x6f: {  	_ =	shalt  }
0x70: {  	_ =	shalt  }
0x71: {  	_ =	shalt  }
0x72: {  	_ =	shalt  }
0x73: {  	_ =	shalt  }
0x74: {  	_ =	shalt  }
0x75: {  	_ =	shalt  }
0x76: {  	_ =	shalt  }
0x77: {  	_ =	shalt  }
0x78: {  	_ =	shalt  }
0x79: {  	_ =	shalt  }
0x7a: {  	_ =	shalt  }
0x7b: {  	_ =	shalt  }
0x7c: {  	_ =	shalt  }
0x7d: {  	_ =	shalt  }
0x7e: {  	_ =	shalt  }
0x7f: {  	_ =	shalt  }
0x80: {  	_ =	shalt  }
0x81: {  	_ =	shalt  }
0x82: {  	_ =	shalt  }
0x83: {  	_ =	shalt  }
0x84: {  	_ =	shalt  }
0x85: {  	_ =	shalt  }
0x86: {  	_ =	shalt  }
0x87: {  	_ =	shalt  }
.Lfunc_end0:
.L_simem_size_0:
called_computation_lowered:
.L_overlay_start_0:
0x88: {  	s2 =	sld [smem:$0x3FD9]  }
0x89: {  	s3 =	sld [smem:$0x3FFE];
	_ =	sdelay $0x1  }
0x8a: {  	s1 =	srdreg.scid  }
0x8b: {  	s0 =	sand.u32 $0x1, s1  }
0x8c: {  	s17 =	sshll.u32 s0, $0xA;
	s2 =	sadd.s32 s3, s2  }
0x8d: {  	s2 =	sadd.s32 s2, s17  }
0x8e: {  	[smem:$0x3FC2] =	sst s2  }
0x8f: {  	_ = 	snop  }
0x90: {  	s2 =	sld [smem:$0x3FD0];
	(tm) =	ssettm $0x1  }
0x91: {  	s18 =	sld [smem:$0x3FFB];
	_ =	sdelay $0x3  }
0x92: {  	_ =	strace s18  }
0x93: {  	s3 =	sld [smem:$0x3FFC];
	_ =	sdelay $0x3  }
0x94: {  	_ =	strace s3  }
0x95: {  	s3 =	sld [smem:$0x3FFD];
	_ =	sdelay $0x3  }
0x96: {  	_ =	strace s3  }
0x97: {  	_ =	strace $0x8FFFFFFF  }
0x98: {  	s19 =	sld [smem:$0x3FDB];
	_ =	sdelay $0x1  }
0x99: {  	s4 =	simm.s32 $_scs_section_size  }
0x9a: {  	s5 =	simm.s32 $_size__tile_overlayer_lowered;
	s6 =	simm.s32 $_tile_overlayer_lowered  }
0x9b: {  	s22 =	simm.s32 $0x1BFF;
	s21 =	sshll.u32 s6, $0x1;
	s3 =	sadd.s32 s4, s19  }
0x9c: {  	s7 =	simm.s32 $0x0;
	s20 =	sshll.u32 s5, $0x1;
	s5 =	sadd.s32 s21, s3  }
0x9d: {  	[timem:s7], [sflag:s22] =	dma.local [hbm:s5], s20  }
0x9e: {  	_ =	swait.ge [sflag:s22], s20  }
0x9f: {  	s4 =	ssub.s32 $0x0, s20;
	[sflag:s22] =	ssyncset.done $0x0  }
0xa0: {  	[sflag:s22] =	ssyncadd.s32 s4;
	_ =	sdelay $0x1  }
0xa1: {  	s23 =	simm.s32 $0x1B8B  }
0xa2: {  	_ =	swait.ge [sflag:s23], $0x1  }
0xa3: {  	[sflag:s23] =	ssyncset.done $0x0  }
0xa4: {  	s25 =	simm.s32 $0x1B8E;
	s24 =	sld [smem:$0x3FFE];
	[sflag:s23] =	ssyncadd.s32 $0xFFFFFFFF  }
0xa5: {  	s26 =	simm.s32 $execute0_lowered;
	[smem:$0x3FD2] =	sst s25  }
0xa6: {  	s5 =	sshll.u32 s26, $0x1;
	_ =	strace $0x80000046;
	[dreg:$0x1] =	wrdreg $0xFFFFFFFF  }
0xa7: {  	s28 =	simm.s32 $_size_execute0_lowered;
	s3 =	sadd.s32 s3, s5;
	[dreg:$0x0] =	wrdreg $0x0  }
0xa8: {  	s5 =	sshll.u32 s28, $0x1;
	[dreg:$0x2] =	wrdreg s3  }
0xa9: {  	[dreg:$0x3] =	wrdreg s5  }
0xaa: {  	[dreg:$0x4] =	wrdreg $0xC0  }
0xab: {  	_ =	task [dreg:s7], $0x5FFFF  }
0xac: {  	[dreg:$0x1] =	wrdreg $0xFFFFFFFF  }
0xad: {  	[dreg:$0x0] =	wrdreg $0x60  }
0xae: {  	[dreg:$0x2] =	wrdreg s24  }
0xaf: {  	[dreg:$0x3] =	wrdreg s2  }
0xb0: {  	[dreg:$0x4] =	wrdreg $0x54100  }
0xb1: {  	[dreg:$0x5] =	wrdreg $0x9  }
0xb2: {  	_ =	task.clear_ibuf [dreg:s7], $0x6FFFF;
	_ =	strace $0x90000046  }
0xb3: {  	s29 =	simm.s32 $0x9;
	_ =	strace $0x80000048  }
0xb4: {  	_ =	swait.ge [sflag:s29], $0x1  }
0xb5: {  	[sflag:s29] =	ssyncadd.s32 $0xFFFFFFFF  }
0xb6: {  	_ =	strace $0x90000048  }
0xb7: {  	_ =	sfence  }
0xb8: {  	s30 =	sld [smem:$0x0];
	_ =	sdelay $0x2  }
0xb9: {  	s31 =	sshll.u32 s1, $0xD;
	s1 =	sshrl.u32 s1, $0x2  }
0xba: {  	s3 =	sand.u32 $0x4000, s31;
	s1 =	sadd.s32 s1, s30  }
0xbb: {  	s0 =	sor.u32 s3, s0;
	s1 =	sshll.u32 s1, $0x11  }
0xbc: {  	s0 =	sor.u32 s1, s0  }
0xbd: {  	s0 =	sadd.s32 $0x8F2B, s0  }
0xbe: {  	[sflag:s0] =	ssyncadd.remote.s32 $0x1  }
0xbf: {  	_ =	sfence.sel $0xFFFF  }
0xc0: {  	[dreg:$0x0] =	wrdreg $0xFFFFFFFF;
	(pc) =	sbr.abs _section_cstart, $3  }
0xc1: {  	[dreg:$0x1] =	wrdreg $0xFFFFFFFF  }
0xc2: {  	_ =	task.clear_ibuf [dreg:s7], $0x2FFFF;
	_ =	strace $0x9FFFFFFF  }
0xc3: {  	(tm) =	ssettm $0x7FFFFFFF  }
tec
execute0_lowered:
.L_overlay_start_1:
0x0: {  	(tag) =	ssettag $0x1  }
0x1: {  	s0 =	srdreg.scid;
	s5 =	rddreg [dreg:$0x0]  }
0x2: {  	s6 =	rddreg [dreg:$0x1];
	s4 =	sand.u32 $0x1, s0;
	s0 =	stileid.u32  }
0x3: {  	s2 =	rddreg [dreg:$0x2];
	s3 =	simm.s32 $0x0;
	s8 =	smul.u32 $0x500, s0  }
0x4: {  	s15 =	simm.s32 $0x0;
	[smem:$0x7FF] =	sst s3;
	s10 =	smul.u32 $0xA000, s0  }
0x5: {  	s1 =	sshll.u32 s4, $0x4;
	s9 =	ssub.s32 $0x2, s4;
	s12 =	smul.u32 $0x5000, s4  }
0x6: {  	s13 =	sshll.u32 s0, $0x6;
	s1 =	sor.u32 s0, s1;
	s11 =	sshrl.u32 s9, $0x1  }
0x7: {  	s13 =	sor.u32 $0x1C02, s13;
	s7 =	smul.u32 $0x4E2, s1;
	s1 =	rddreg [dreg:$0x3]  }
0x8: {  	_ =	strace $0x80000047;
	s30 =	ssub.s32 s9, s11;
	s31 =	sshrl.u32 s10, $0x2  }
0x9: {  	s8 =	sadd.s32 s8, s12;
	s9 =	simm.s32 $0x2C10;
	s10 =	simm.s32 $0x50  }
0xa: {  	s11 =	simm.s32 $0x2710;
	s12 =	simm.s32 $0x1;
	s6 =	sadd.s32 s6, s8  }
0xb: {  	s8 =	simm.s32 $0x2;
	s29 =	sadd.s32 s7, s5;
	s5 =	sadd.s32 s31, s2  }
0xc: {  	v0 =	vimm.f32 $1.000000000e+00;
	v1 =	vimm.f32 $0.0e+00;
	s7 =	smax.u32 s30, $0x1;
	s4 =	sadd.s32 $0xCC00, s29;
	s14 =	sshrl.u32 s5, $0x3  }
.LBB2_1:
0xd: {  	[tilespmem:s3], [sflag:$0x2] =	stream.linear.gather [hbm4b:s4+s3], $0x2710, $0x38;
	[tilespmem:$0x7C10] =	vst v63  }
0xe: {  	_ =	swait.ge [sflag:s8], $0x2710  }
0xf: {  	[sflag:s8] =	ssyncset.done $0x0  }
0x10: {  	s16 =	simm.s32 $0x0;
	[sflag:s8] =	ssyncadd.s32 $0xFFFFD8F0  }
.LBB2_2:
0x11: {  	p0 =	sne.s32 s16, $0x13C0  }
.Ltmp0:
0x12: {  	_ = 	snop;
	(pc) =	sbr.rel @p0 .LBB2_2-.Ltmp0, $3  }
0x13: {  	_ =	sdelay $0x1  }
0x14: {  	s17 =	sshra.s32 s16, $0x2  }
0x15: {  	s16 =	sadd.s32 $0x40, s16;
	[tilespmem:s17+$0x2710] =	vst v0  }
0x16: {  	s16 =	simm.s32 $0x40;
	s17 =	simm.s32 $0x0  }
.LBB2_4:
0x17: {  	p0 =	sne.s32 s16, $0x9FC0;
	[tilespmem:s17+$0x2C10] =	vst v1;
	s17 =	smov.u32 s16;
	s16 =	sadd.s32 $0x40, s16  }
.Ltmp1:
0x18: {  	(pc) =	sbr.rel @p0 .LBB2_4-.Ltmp1, $2  }
0x19: {  	_ =	sdelay $0x2  }
0x1a: {  	s17 =	sshra.s32 s17, $0x2  }
0x1b: {  	[tilespmem:s17+$0x2C10] =	vst v1  }
0x1c: {  	[spmem:s5] =	stream.linear.scatter [tilespmem:s9], [sflag:$0x2], $0x2800, $0x38;
	[tilespmem:$0x7C10] =	vst v63  }
0x1d: {  	_ =	swait.ge [sflag:s8], $0x2800  }
0x1e: {  	[sflag:s8] =	ssyncset.done $0x0  }
0x1f: {  	[sflag:s8] =	ssyncadd.s32 $0xFFFFD800  }
0x20: {  	s16 =	simm.s32 $0x0;
	[bflag:$0x0] =	sbarrier.arrive $0xFFFF  }
.LBB2_6:
0x21: {  	p0 =	sne.s32 s16, $0x9B00  }
.Ltmp2:
0x22: {  	_ = 	snop;
	(pc) =	sbr.rel @p0 .LBB2_6-.Ltmp2, $3  }
0x23: {  	_ =	sdelay $0x1  }
0x24: {  	s17 =	sshra.s32 s16, $0x2;
	s16 =	sadd.s32 $0x140, s16  }
0x25: {  	[spmem:s2] =	stream.indirect.scatter.add.f32 [tilespmem:s11], [sflag:$0x1], $0x10, s17, s10, $0xb8;
	[tilespmem:$0x7C10] =	vst v63  }
0x26: {  	_ =	swait.ge [sflag:s12], $0x500  }
0x27: {  	s16 =	simm.s32 $0x7C;
	[sflag:s12] =	ssyncset.done $0x0  }
.LBB2_8:
0x28: {  	p0 =	sne.s32 s16, $0x1;
	s16 =	sadd.s32 $0xFFFFFFFF, s16;
	[sflag:s12] =	ssyncadd.s32 $0xFFFFFB00  }
.Ltmp3:
0x29: {  	(pc) =	sbr.rel @p0 .LBB2_8-.Ltmp3, $3  }
0x2a: {  	_ =	sdelay $0x1  }
0x2b: {  	_ =	swait.ge [sflag:s12], $0x500  }
0x2c: {  	[sflag:s12] =	ssyncset.done $0x0  }
0x2d: {  	s15 =	sadd.s32 $0x1, s15  }
0x2e: {  	[sflag:s12] =	ssyncadd.s32 $0xFFFFFB00;
	p0 =	sne.s32 s15, s7  }
.Ltmp4:
0x2f: {  	[bflag:$0x0] =	sbarrier.arrive $0xFFFF;
	(pc) =	sbr.rel @p0 .LBB2_1-.Ltmp4, $4  }
0x30: {  	[hbm:s6], [sflag:s13] =	dma.local [spmem:s14], $0x500  }
0x31: {  	_ =	swait.ge [sflag:s8], $0x500  }
0x32: {  	[sflag:s8] =	ssyncset.done $0x0  }
0x33: {  	[sflag:s8] =	ssyncadd.s32 $0xFFFFFB00  }
0x34: {  	_ =	sfence.sel $0x180000  }
0x35: {  	[bflag:$0x0] =	sbarrier.arrive $0xFFFF  }
0x36: {  	p0 =	sne.s32 s0, $0x0;
	_ =	strace $0x90000047  }
0x37: {  	s0 =	sadd.s32 @!p0 $0x100000, s1;
	[bflag:$0x2] =	sbarrier.arrive $0xFFFF  }
0x38: {  	[sflag:s0] =	ssyncadd.tile.s32 @!p0 $0x1;
	_ =	shalt  }
.Lfunc_end2:
_tile_overlayer_lowered:
.L_overlay_start_2:
0x39: {  	(tag) =	ssettag $0x2  }
0x3a: {  	s0 =	rddreg [dreg:$0x0];
	s2 =	stileid.u32  }
0x3b: {  	s1 =	rddreg [dreg:$0x1];
	p0 =	sne.s32 s2, $0x0  }
0x3c: {  	s3 =	rddreg [dreg:$0x2];
	[bflag:$0x3] =	sbarrier.arrive $0xFFFF;
	s2 =	simm.s32 @!p0 $0x1C02  }
0x3d: {  	[timem:s3], [sflag:s2] =	dma.local @!p0 [hbm:s0], s1  }
0x3e: {  	s0 =	simm.s32 @!p0 $0x2  }
0x3f: {  	_ =	swait.ge @!p0 [sflag:s0], s1  }
0x40: {  	s1 =	ssub.s32 @!p0 $0x0, s1;
	[sflag:s0] =	ssyncset.done @!p0 $0x0  }
0x41: {  	[sflag:s0] =	ssyncadd.s32 @!p0 s1  }
0x42: {  	[bflag:$0x3] =	sbarrier.arrive $0xFFFF  }
0x43: {  	_ =	shalt  }

</sc_bundles>
